<compile_context>
chip_gen: v7x
topology: tpu7x:2x2x1
jax: 0.10.2.dev20260603
libtpu: 0.0.44.dev20260713+nightly
codegen_flags: <defaults>
</compile_context>

<pallas_src>
import functools

import jax
import jax.numpy as jnp
from jax import lax
from jax.experimental import pallas as pl
from jax.experimental.pallas import tpu as pltpu
from jax.experimental.pallas import tpu_sc as plsc

N = 10000
E = 320000
D = 128
NORM_SCALE = 20.0

_NC = 2
_NS = 16
_NW = _NC * _NS
_TPT = 9984
_XTRA = 128
_XBASE = _NW * _TPT
_CHUNK = 48
_NCHUNK = _TPT // _CHUNK
_M = 4
_DS = 2
_DG = 2
assert _DS + _DG == _M
_XCHUNK = 32
_CP_TILES = 10
_ROWS_PT = N // _CP_TILES


def _sc_scatter(feat, zeros, ei):
  mesh = plsc.VectorSubcoreMesh(core_axis_name="c", subcore_axis_name="s")

  @functools.partial(
      pl.kernel,
      out_type=jax.ShapeDtypeStruct((2 * N, D), jnp.float32),
      mesh=mesh,
      scratch_types=[
          pltpu.VMEM((_TPT,), jnp.int32),
          pltpu.VMEM((_TPT,), jnp.int32),
          pltpu.VMEM((_XTRA,), jnp.int32),
          pltpu.VMEM((_XTRA,), jnp.int32),
          pltpu.VMEM((_M, _CHUNK, D), jnp.float32),
          pltpu.VMEM_SHARED((N, D), jnp.float32),
          pltpu.SemaphoreType.DMA,
          pltpu.SemaphoreType.DMA,
          pltpu.SemaphoreType.DMA,
      ],
  )
  def k(feat_hbm, zero_hbm, idx_hbm, out_hbm, sidx, didx, xsidx, xdidx,
        rows, acc, sem_i, sem_g, sem_s):
    c = lax.axis_index("c")
    s = lax.axis_index("s")
    wid = s * _NC + c
    r0 = s * _ROWS_PT
    eb = wid * _TPT

    pltpu.async_copy(idx_hbm.at[0].at[pl.ds(eb, _TPT)], sidx, sem_i)
    pltpu.async_copy(idx_hbm.at[1].at[pl.ds(eb, _TPT)], didx, sem_i)

    @pl.when(wid < 4)
    def _():
      xb = _XBASE + wid * _XTRA
      pltpu.async_copy(idx_hbm.at[0].at[pl.ds(xb, _XTRA)], xsidx, sem_i)
      pltpu.async_copy(idx_hbm.at[1].at[pl.ds(xb, _XTRA)], xdidx, sem_i)

    @pl.when(jnp.logical_and(s < _CP_TILES, c == 0))
    def _():
      pltpu.sync_copy(feat_hbm.at[pl.ds(r0, _ROWS_PT)],
                      acc.at[pl.ds(r0, _ROWS_PT)])

    @pl.when(jnp.logical_and(s < _CP_TILES, c != 0))
    def _():
      pltpu.sync_copy(zero_hbm.at[pl.ds(r0, _ROWS_PT)],
                      acc.at[pl.ds(r0, _ROWS_PT)])

    pltpu.make_async_copy(idx_hbm.at[0].at[pl.ds(0, _TPT)], sidx,
                          sem_i).wait()
    pltpu.make_async_copy(idx_hbm.at[0].at[pl.ds(0, _TPT)], didx,
                          sem_i).wait()

    @pl.when(wid < 4)
    def _():
      pltpu.make_async_copy(idx_hbm.at[0].at[pl.ds(0, _XTRA)], xsidx,
                            sem_i).wait()
      pltpu.make_async_copy(idx_hbm.at[0].at[pl.ds(0, _XTRA)], xdidx,
                            sem_i).wait()

    plsc.subcore_barrier()

    def fire_gather(i, m):
      pltpu.async_copy(feat_hbm.at[sidx.at[pl.ds(i * _CHUNK, _CHUNK)]],
                       rows.at[m], sem_g)

    def drain_gather(m):
      pltpu.make_async_copy(feat_hbm.at[pl.ds(0, _CHUNK)], rows.at[m],
                            sem_g).wait()

    def fire_scatter(i, m):
      pltpu.async_copy(rows.at[m], acc.at[didx.at[pl.ds(i * _CHUNK, _CHUNK)]],
                       sem_s, add=True)

    def drain_scatter(m):
      pltpu.make_async_copy(feat_hbm.at[pl.ds(0, _CHUNK)], rows.at[m],
                            sem_s).wait()

    for j in range(_DG):
      fire_gather(j, j)

    for i in range(_DS):
      fire_gather(i + _DG, (i + _DG) % _M)
      drain_gather(i % _M)
      fire_scatter(i, i % _M)

    def steady(t, carry):
      i0 = _DS + t * _M
      for kk in range(_M):
        i = i0 + kk
        m = (_DS + kk) % _M
        drain_scatter((m + _DG) % _M)
        fire_gather(i + _DG, (m + _DG) % _M)
        drain_gather(m)
        fire_scatter(i, m)
      return carry

    _STEADY_N = (_NCHUNK - _DG - _DS) // _M
    lax.fori_loop(0, _STEADY_N, steady, 0)

    for i in range(_DS + _STEADY_N * _M, _NCHUNK):
      m = i % _M
      drain_scatter((i - _DS) % _M)
      drain_gather(m)
      fire_scatter(i, m)

    for i in range(_NCHUNK - _DS, _NCHUNK):
      drain_scatter(i % _M)

    @pl.when(wid < 4)
    def _():
      nx = _XTRA // _XCHUNK
      for j in range(nx):
        pltpu.async_copy(
            feat_hbm.at[xsidx.at[pl.ds(j * _XCHUNK, _XCHUNK)]],
            rows.at[j % _M].at[pl.ds(0, _XCHUNK)], sem_g)
      for j in range(nx):
        pltpu.make_async_copy(feat_hbm.at[pl.ds(0, _XCHUNK)],
                              rows.at[j % _M].at[pl.ds(0, _XCHUNK)],
                              sem_g).wait()
        pltpu.async_copy(
            rows.at[j % _M].at[pl.ds(0, _XCHUNK)],
            acc.at[xdidx.at[pl.ds(j * _XCHUNK, _XCHUNK)]],
            sem_s, add=True)
      for j in range(nx):
        pltpu.make_async_copy(feat_hbm.at[pl.ds(0, _XCHUNK)],
                              rows.at[j % _M].at[pl.ds(0, _XCHUNK)],
                              sem_s).wait()

    plsc.subcore_barrier()

    @pl.when(s < _CP_TILES)
    def _():
      pltpu.sync_copy(acc.at[pl.ds(r0, _ROWS_PT)],
                      out_hbm.at[pl.ds(c * N + r0, _ROWS_PT)])

  return k(feat, zeros, ei)


_BLK = 1000


_NBLK = N // _BLK


def _mlp_norm_body(p_ref, wa_ref, ba_ref, wb_ref, bb_ref, out_ref,
                   scaled_scr, colsum_scr):
  i = pl.program_id(0)

  @pl.when(i < _NBLK)
  def _():
    h = p_ref[0] + p_ref[1]
    t = jnp.maximum(
        jnp.dot(h, wa_ref[...], preferred_element_type=jnp.float32)
        + ba_ref[...], 0.0)
    l1 = (jnp.dot(t, wb_ref[...], preferred_element_type=jnp.float32)
          + bb_ref[...])
    rn = jnp.sqrt(1e-6 + jnp.sum(l1 * l1, axis=1, keepdims=True))
    scaled_scr[pl.ds(i * _BLK, _BLK), :] = NORM_SCALE * l1 / rn
    csum = jnp.sum(l1, axis=0, keepdims=True)
    colsum_scr[...] = jnp.where(i == 0, csum, colsum_scr[...] + csum)

  @pl.when(i >= _NBLK)
  def _():
    j = i - _NBLK
    out_ref[...] = jnp.maximum(
        scaled_scr[pl.ds(j * _BLK, _BLK), :]
        - colsum_scr[...] * (1.0 / N), 0.0)


def _tc_mlp_norm(parts, wa, ba, wb, bb):
  grid = (2 * _NBLK,)
  return pl.pallas_call(
      _mlp_norm_body,
      grid=grid,
      in_specs=[
          pl.BlockSpec((2, _BLK, D), lambda i: (0, jnp.minimum(i, _NBLK - 1),
                                                0)),
          pl.BlockSpec((D, D), lambda i: (0, 0)),
          pl.BlockSpec((D,), lambda i: (0,)),
          pl.BlockSpec((D, D), lambda i: (0, 0)),
          pl.BlockSpec((D,), lambda i: (0,)),
      ],
      out_specs=pl.BlockSpec((_BLK, D),
                             lambda i: (jnp.maximum(i - _NBLK, 0), 0)),
      out_shape=jax.ShapeDtypeStruct((N, D), jnp.float32),
      scratch_shapes=[
          pltpu.VMEM((N, D), jnp.float32),
          pltpu.VMEM((1, D), jnp.float32),
      ],
  )(parts, wa, ba, wb, bb)


def _mlp_body(p_ref, wa_ref, ba_ref, wb_ref, bb_ref, out_ref):
  h = p_ref[0] + p_ref[1]
  t = jnp.maximum(
      jnp.dot(h, wa_ref[...], preferred_element_type=jnp.float32)
      + ba_ref[...], 0.0)
  out_ref[...] = (
      jnp.dot(t, wb_ref[...], preferred_element_type=jnp.float32)
      + bb_ref[...])


def _tc_mlp(parts, wa, ba, wb, bb):
  grid = (N // _BLK,)
  return pl.pallas_call(
      _mlp_body,
      grid=grid,
      in_specs=[
          pl.BlockSpec((2, _BLK, D), lambda i: (0, i, 0)),
          pl.BlockSpec((D, D), lambda i: (0, 0)),
          pl.BlockSpec((D,), lambda i: (0,)),
          pl.BlockSpec((D, D), lambda i: (0, 0)),
          pl.BlockSpec((D,), lambda i: (0,)),
      ],
      out_specs=pl.BlockSpec((_BLK, D), lambda i: (i, 0)),
      out_shape=jax.ShapeDtypeStruct((N, D), jnp.float32),
  )(parts, wa, ba, wb, bb)


def kernel(x, edge_index, W1a, b1a, W1b, b1b, W4a, b4a, W4b, b4b):
  zeros = jnp.zeros((N, D), jnp.float32)

  p = _sc_scatter(x, zeros, edge_index).reshape(2, N, D)
  l1n = _tc_mlp_norm(p, W1a, b1a, W1b, b1b)
  q = _sc_scatter(l1n, zeros, edge_index).reshape(2, N, D)
  return _tc_mlp(q, W4a, b4a, W4b, b4b)

# --- scband reference (transcript-rebuilt; emitter-appended) ---
"""Pipeline reference for scband-gnnstruct-encoder-59528246723193 (READ-ONLY COPY).

The authoritative reference and input builder live on the scoring server;
editing this copy changes nothing except your own understanding.
"""

import jax, jax.numpy as jnp
import numpy as np

N = 10000
E = 320000
D = 128
NORM_SCALE = 20.0

def _mlp(h, Wa, ba, Wb, bb):
    # 2-layer MLP (layer_num=2): Linear -> ReLU -> Linear
    return jnp.maximum(h @ Wa + ba, 0.0) @ Wb + bb

def _pairnorm_scs(x, scale):
    # PairNorm mode 'PN-SCS': scale * x / rownorm_individual - col_mean
    col_mean = jnp.mean(x, axis=0, keepdims=True)
    rownorm_individual = jnp.sqrt(1e-6 + jnp.sum(x * x, axis=1, keepdims=True))
    return scale * x / rownorm_individual - col_mean

def setup_inputs(seed: int = 0) -> dict:
    key = jax.random.key(seed)
    ks = jax.random.split(key, 12)
    s = 1.0 / np.sqrt(D)
    x = jax.random.normal(ks[0], (N, D), dtype=jnp.float32)
    edge_index = jax.random.randint(ks[1], (2, E), 0, N, dtype=jnp.int32)
    W1a = jax.random.uniform(ks[2], (D, D), jnp.float32, -s, s)
    b1a = jax.random.uniform(ks[3], (D,), jnp.float32, -s, s)
    W1b = jax.random.uniform(ks[4], (D, D), jnp.float32, -s, s)
    b1b = jax.random.uniform(ks[5], (D,), jnp.float32, -s, s)
    W4a = jax.random.uniform(ks[6], (D, D), jnp.float32, -s, s)
    b4a = jax.random.uniform(ks[7], (D,), jnp.float32, -s, s)
    W4b = jax.random.uniform(ks[8], (D, D), jnp.float32, -s, s)
    b4b = jax.random.uniform(ks[9], (D,), jnp.float32, -s, s)
    return {"x": x, "edge_index": edge_index, "W1a": W1a, "b1a": b1a, "W1b": W1b, "b1b": b1b, "W4a": W4a, "b4a": b4a, "W4b": W4b, "b4b": b4b}

def reference(x, edge_index, W1a, b1a, W1b, b1b, W4a, b4a, W4b, b4b):
    # GNNStructEncoder.forward_encoder with GNN_name='GIN':
    # l1 = GINConv(MLP1, 'sum')(g, h); l1_norm = relu(PairNorm(l1)); l5 = GINConv(MLP4, 'sum')(g, l1_norm)
    src = edge_index[0]
    dst = edge_index[1]
    # GIN layer 1: (1 + eps=0) * h + sum-aggregated neighbor features, then apply_func MLP
    agg1 = jnp.zeros((N, D), dtype=x.dtype).at[dst].add(x[src])
    l1 = _mlp(x + agg1, W1a, b1a, W1b, b1b)
    l1_norm = jnp.maximum(_pairnorm_scs(l1, NORM_SCALE), 0.0)
    # GIN layer 4 applied to l1_norm
    agg2 = jnp.zeros((N, D), dtype=x.dtype).at[dst].add(l1_norm[src])
    l5 = _mlp(l1_norm + agg2, W4a, b4a, W4b, b4b)
    return l5

if __name__ == "__main__":
    import jax
    _d = setup_inputs()
    print(jax.jit(kernel)(*tuple(_d.values())))

</pallas_src>

<mosaic_0001>
#map = affine_map<(d0, d1) -> (0, 0)>
module attributes {stable_mosaic.version = 14 : i64} {
  func.func @k(%arg0: i32, %arg1: i32, %arg2: memref<10000x128xf32, #tpu.memory_space<hbm>>, %arg3: memref<10000x128xf32, #tpu.memory_space<hbm>>, %arg4: memref<2x320000xi32, #tpu.memory_space<hbm>>, %arg5: memref<20000x128xf32, #tpu.memory_space<hbm>>, %arg6: memref<9984xi32, #tpu.memory_space<vmem>>, %arg7: memref<9984xi32, #tpu.memory_space<vmem>>, %arg8: memref<128xi32, #tpu.memory_space<vmem>>, %arg9: memref<128xi32, #tpu.memory_space<vmem>>, %arg10: memref<4x48x128xf32, #tpu.memory_space<vmem>>, %arg11: memref<10000x128xf32, #tpu.memory_space<vmem_shared>>, %arg12: memref<!tpu.dma_semaphore, #tpu.memory_space<semaphore_mem>>, %arg13: memref<!tpu.dma_semaphore, #tpu.memory_space<semaphore_mem>>, %arg14: memref<!tpu.dma_semaphore, #tpu.memory_space<semaphore_mem>>) attributes {dimension_semantics = [#tpu.dimension_semantics<core_parallel>, #tpu.dimension_semantics<subcore_parallel>], iteration_bounds = array<i64: 2, 16>, scalar_prefetch = 0 : i64, scratch_operands = 9 : i64, tpu.core_type = #tpu.core_type<sc_vector_subcore>, window_params = [{transform_indices = #map}, {transform_indices = #map}, {transform_indices = #map}, {transform_indices = #map}]} {
    %mul3A = arith.constant 2 : i32
    %mul3A_0 = arith.muli %arg1, %mul3A : i32
    %add3A = arith.addi %mul3A_0, %arg0 : i32
    %mul3A_1 = arith.constant 1000 : i32
    %mul3A_2 = arith.muli %arg1, %mul3A_1 : i32
    %mul3A_3 = arith.constant 9984 : i32
    %mul3A_4 = arith.muli %add3A, %mul3A_3 : i32
    %dma_start3A = arith.constant 0 : i32
    %dma_start3A_5 = arith.constant 0 : i32
    %dma_start3A_6 = tpu.memref_slice %arg4[%dma_start3A, %dma_start3A_5] : memref<2x320000xi32, #tpu.memory_space<hbm>> -> memref<1x320000xi32, #tpu.memory_space<hbm>>
    %dma_start3A_7 = tpu.memref_squeeze %dma_start3A_6 : memref<1x320000xi32, #tpu.memory_space<hbm>> -> memref<320000xi32, #tpu.memory_space<hbm>>
    %dma_start3A_8 = tpu.memref_slice %dma_start3A_7[%mul3A_4] : memref<320000xi32, #tpu.memory_space<hbm>> -> memref<9984xi32, #tpu.memory_space<hbm>>
    %dma_start3A_9 = arith.constant 0 : i32
    %dma_start3A_10 = tpu.memref_slice %arg4[%dma_start3A, %dma_start3A_9] : memref<2x320000xi32, #tpu.memory_space<hbm>> -> memref<1x320000xi32, #tpu.memory_space<hbm>>
    %dma_start3A_11 = tpu.memref_squeeze %dma_start3A_10 : memref<1x320000xi32, #tpu.memory_space<hbm>> -> memref<320000xi32, #tpu.memory_space<hbm>>
    %dma_start3A_12 = tpu.memref_slice %dma_start3A_11[%mul3A_4] : memref<320000xi32, #tpu.memory_space<hbm>> -> memref<9984xi32, #tpu.memory_space<hbm>>
    tpu.enqueue_dma source(%dma_start3A_12 : memref<9984xi32, #tpu.memory_space<hbm>>) target(%arg6 : memref<9984xi32, #tpu.memory_space<vmem>>) target_semaphore(%arg12 : memref<!tpu.dma_semaphore, #tpu.memory_space<semaphore_mem>>)
    %dma_start3A_13 = arith.constant 1 : i32
    %dma_start3A_14 = arith.constant 0 : i32
    %dma_start3A_15 = tpu.memref_slice %arg4[%dma_start3A_13, %dma_start3A_14] : memref<2x320000xi32, #tpu.memory_space<hbm>> -> memref<1x320000xi32, #tpu.memory_space<hbm>>
    %dma_start3A_16 = tpu.memref_squeeze %dma_start3A_15 : memref<1x320000xi32, #tpu.memory_space<hbm>> -> memref<320000xi32, #tpu.memory_space<hbm>>
    %dma_start3A_17 = tpu.memref_slice %dma_start3A_16[%mul3A_4] : memref<320000xi32, #tpu.memory_space<hbm>> -> memref<9984xi32, #tpu.memory_space<hbm>>
    %dma_start3A_18 = arith.constant 0 : i32
    %dma_start3A_19 = tpu.memref_slice %arg4[%dma_start3A_13, %dma_start3A_18] : memref<2x320000xi32, #tpu.memory_space<hbm>> -> memref<1x320000xi32, #tpu.memory_space<hbm>>
    %dma_start3A_20 = tpu.memref_squeeze %dma_start3A_19 : memref<1x320000xi32, #tpu.memory_space<hbm>> -> memref<320000xi32, #tpu.memory_space<hbm>>
    %dma_start3A_21 = tpu.memref_slice %dma_start3A_20[%mul3A_4] : memref<320000xi32, #tpu.memory_space<hbm>> -> memref<9984xi32, #tpu.memory_space<hbm>>
    tpu.enqueue_dma source(%dma_start3A_21 : memref<9984xi32, #tpu.memory_space<hbm>>) target(%arg7 : memref<9984xi32, #tpu.memory_space<vmem>>) target_semaphore(%arg12 : memref<!tpu.dma_semaphore, #tpu.memory_space<semaphore_mem>>)
    %lt3A = arith.constant 4 : i32
    %lt3A_22 = arith.cmpi slt, %add3A, %lt3A : i32
    %convert_element_type3A = arith.extui %lt3A_22 : i1 to i32
    %cond3A = arith.constant 0 : i32
    %cond3A_23 = arith.cmpi ne, %convert_element_type3A, %cond3A : i32
    scf.if %cond3A_23 {
      %mul3A_279 = arith.constant 128 : i32
      %mul3A_280 = arith.muli %add3A, %mul3A_279 : i32
      %add3A_281 = arith.constant 319488 : i32
      %add3A_282 = arith.addi %add3A_281, %mul3A_280 : i32
      %dma_start3A_283 = arith.constant 0 : i32
      %dma_start3A_284 = arith.constant 0 : i32
      %dma_start3A_285 = tpu.memref_slice %arg4[%dma_start3A_283, %dma_start3A_284] : memref<2x320000xi32, #tpu.memory_space<hbm>> -> memref<1x320000xi32, #tpu.memory_space<hbm>>
      %dma_start3A_286 = tpu.memref_squeeze %dma_start3A_285 : memref<1x320000xi32, #tpu.memory_space<hbm>> -> memref<320000xi32, #tpu.memory_space<hbm>>
      %dma_start3A_287 = tpu.memref_slice %dma_start3A_286[%add3A_282] : memref<320000xi32, #tpu.memory_space<hbm>> -> memref<128xi32, #tpu.memory_space<hbm>>
      %dma_start3A_288 = arith.constant 0 : i32
      %dma_start3A_289 = tpu.memref_slice %arg4[%dma_start3A_283, %dma_start3A_288] : memref<2x320000xi32, #tpu.memory_space<hbm>> -> memref<1x320000xi32, #tpu.memory_space<hbm>>
      %dma_start3A_290 = tpu.memref_squeeze %dma_start3A_289 : memref<1x320000xi32, #tpu.memory_space<hbm>> -> memref<320000xi32, #tpu.memory_space<hbm>>
      %dma_start3A_291 = tpu.memref_slice %dma_start3A_290[%add3A_282] : memref<320000xi32, #tpu.memory_space<hbm>> -> memref<128xi32, #tpu.memory_space<hbm>>
      tpu.enqueue_dma source(%dma_start3A_291 : memref<128xi32, #tpu.memory_space<hbm>>) target(%arg8 : memref<128xi32, #tpu.memory_space<vmem>>) target_semaphore(%arg12 : memref<!tpu.dma_semaphore, #tpu.memory_space<semaphore_mem>>)
      %dma_start3A_292 = arith.constant 1 : i32
      %dma_start3A_293 = arith.constant 0 : i32
      %dma_start3A_294 = tpu.memref_slice %arg4[%dma_start3A_292, %dma_start3A_293] : memref<2x320000xi32, #tpu.memory_space<hbm>> -> memref<1x320000xi32, #tpu.memory_space<hbm>>
      %dma_start3A_295 = tpu.memref_squeeze %dma_start3A_294 : memref<1x320000xi32, #tpu.memory_space<hbm>> -> memref<320000xi32, #tpu.memory_space<hbm>>
      %dma_start3A_296 = tpu.memref_slice %dma_start3A_295[%add3A_282] : memref<320000xi32, #tpu.memory_space<hbm>> -> memref<128xi32, #tpu.memory_space<hbm>>
      %dma_start3A_297 = arith.constant 0 : i32
      %dma_start3A_298 = tpu.memref_slice %arg4[%dma_start3A_292, %dma_start3A_297] : memref<2x320000xi32, #tpu.memory_space<hbm>> -> memref<1x320000xi32, #tpu.memory_space<hbm>>
      %dma_start3A_299 = tpu.memref_squeeze %dma_start3A_298 : memref<1x320000xi32, #tpu.memory_space<hbm>> -> memref<320000xi32, #tpu.memory_space<hbm>>
      %dma_start3A_300 = tpu.memref_slice %dma_start3A_299[%add3A_282] : memref<320000xi32, #tpu.memory_space<hbm>> -> memref<128xi32, #tpu.memory_space<hbm>>
      tpu.enqueue_dma source(%dma_start3A_300 : memref<128xi32, #tpu.memory_space<hbm>>) target(%arg9 : memref<128xi32, #tpu.memory_space<vmem>>) target_semaphore(%arg12 : memref<!tpu.dma_semaphore, #tpu.memory_space<semaphore_mem>>)
    } else {
    }
    %lt3A_24 = arith.constant 10 : i32
    %lt3A_25 = arith.cmpi slt, %arg1, %lt3A_24 : i32
    %eq3A = arith.constant 0 : i32
    %eq3A_26 = arith.cmpi eq, %arg0, %eq3A : i32
    %and3A = arith.andi %lt3A_25, %eq3A_26 : i1
    %convert_element_type3A_27 = arith.extui %and3A : i1 to i32
    %cond3A_28 = arith.constant 0 : i32
    %cond3A_29 = arith.cmpi ne, %convert_element_type3A_27, %cond3A_28 : i32
    scf.if %cond3A_29 {
      "tpu.region"() ({
        %run_scoped3A = tpu.sem_alloc : memref<!tpu.dma_semaphore, #tpu.memory_space<semaphore_mem>>
        %dma_start3A_279 = arith.constant 0 : i32
        %dma_start3A_280 = tpu.memref_slice %arg11[%mul3A_2, %dma_start3A_279] : memref<10000x128xf32, #tpu.memory_space<vmem_shared>> -> memref<1000x128xf32, #tpu.memory_space<vmem_shared>>
        %dma_start3A_281 = arith.constant 0 : i32
        %dma_start3A_282 = tpu.memref_slice %arg2[%mul3A_2, %dma_start3A_281] : memref<10000x128xf32, #tpu.memory_space<hbm>> -> memref<1000x128xf32, #tpu.memory_space<hbm>>
        tpu.enqueue_dma source(%dma_start3A_282 : memref<1000x128xf32, #tpu.memory_space<hbm>>) target(%dma_start3A_280 : memref<1000x128xf32, #tpu.memory_space<vmem_shared>>) target_semaphore(%run_scoped3A : memref<!tpu.dma_semaphore, #tpu.memory_space<semaphore_mem>>)
        %dma_wait3A_283 = arith.constant 0 : i32
        %dma_wait3A_284 = tpu.memref_slice %arg11[%mul3A_2, %dma_wait3A_283] : memref<10000x128xf32, #tpu.memory_space<vmem_shared>> -> memref<1000x128xf32, #tpu.memory_space<vmem_shared>>
        %dma_wait3A_285 = arith.constant 0 : i32
        %dma_wait3A_286 = tpu.memref_slice %arg2[%mul3A_2, %dma_wait3A_285] : memref<10000x128xf32, #tpu.memory_space<hbm>> -> memref<1000x128xf32, #tpu.memory_space<hbm>>
        tpu.wait_dma2 semaphore(%run_scoped3A : memref<!tpu.dma_semaphore, #tpu.memory_space<semaphore_mem>>) src(%dma_wait3A_286 : memref<1000x128xf32, #tpu.memory_space<hbm>>) dst(%dma_wait3A_284 : memref<1000x128xf32, #tpu.memory_space<vmem_shared>>)
        tpu.yield
      }) : () -> ()
    } else {
    }
    %lt3A_30 = arith.constant 10 : i32
    %lt3A_31 = arith.cmpi slt, %arg1, %lt3A_30 : i32
    %ne3A = arith.constant 0 : i32
    %ne3A_32 = arith.cmpi ne, %arg0, %ne3A : i32
    %and3A_33 = arith.andi %lt3A_31, %ne3A_32 : i1
    %convert_element_type3A_34 = arith.extui %and3A_33 : i1 to i32
    %cond3A_35 = arith.constant 0 : i32
    %cond3A_36 = arith.cmpi ne, %convert_element_type3A_34, %cond3A_35 : i32
    scf.if %cond3A_36 {
      "tpu.region"() ({
        %run_scoped3A = tpu.sem_alloc : memref<!tpu.dma_semaphore, #tpu.memory_space<semaphore_mem>>
        %dma_start3A_279 = arith.constant 0 : i32
        %dma_start3A_280 = tpu.memref_slice %arg11[%mul3A_2, %dma_start3A_279] : memref<10000x128xf32, #tpu.memory_space<vmem_shared>> -> memref<1000x128xf32, #tpu.memory_space<vmem_shared>>
        %dma_start3A_281 = arith.constant 0 : i32
        %dma_start3A_282 = tpu.memref_slice %arg3[%mul3A_2, %dma_start3A_281] : memref<10000x128xf32, #tpu.memory_space<hbm>> -> memref<1000x128xf32, #tpu.memory_space<hbm>>
        tpu.enqueue_dma source(%dma_start3A_282 : memref<1000x128xf32, #tpu.memory_space<hbm>>) target(%dma_start3A_280 : memref<1000x128xf32, #tpu.memory_space<vmem_shared>>) target_semaphore(%run_scoped3A : memref<!tpu.dma_semaphore, #tpu.memory_space<semaphore_mem>>)
        %dma_wait3A_283 = arith.constant 0 : i32
        %dma_wait3A_284 = tpu.memref_slice %arg11[%mul3A_2, %dma_wait3A_283] : memref<10000x128xf32, #tpu.memory_space<vmem_shared>> -> memref<1000x128xf32, #tpu.memory_space<vmem_shared>>
        %dma_wait3A_285 = arith.constant 0 : i32
        %dma_wait3A_286 = tpu.memref_slice %arg3[%mul3A_2, %dma_wait3A_285] : memref<10000x128xf32, #tpu.memory_space<hbm>> -> memref<1000x128xf32, #tpu.memory_space<hbm>>
        tpu.wait_dma2 semaphore(%run_scoped3A : memref<!tpu.dma_semaphore, #tpu.memory_space<semaphore_mem>>) src(%dma_wait3A_286 : memref<1000x128xf32, #tpu.memory_space<hbm>>) dst(%dma_wait3A_284 : memref<1000x128xf32, #tpu.memory_space<vmem_shared>>)
        tpu.yield
      }) : () -> ()
    } else {
    }
    %dma_wait3A = arith.constant 0 : i32
    %dma_wait3A_37 = arith.constant 0 : i32
    %dma_wait3A_38 = tpu.memref_slice %arg4[%dma_wait3A, %dma_wait3A_37] : memref<2x320000xi32, #tpu.memory_space<hbm>> -> memref<1x320000xi32, #tpu.memory_space<hbm>>
    %dma_wait3A_39 = tpu.memref_squeeze %dma_wait3A_38 : memref<1x320000xi32, #tpu.memory_space<hbm>> -> memref<320000xi32, #tpu.memory_space<hbm>>
    %dma_wait3A_40 = arith.constant 0 : i32
    %dma_wait3A_41 = tpu.memref_slice %dma_wait3A_39[%dma_wait3A_40] : memref<320000xi32, #tpu.memory_space<hbm>> -> memref<9984xi32, #tpu.memory_space<hbm>>
    %dma_wait3A_42 = arith.constant 0 : i32
    %dma_wait3A_43 = tpu.memref_slice %arg4[%dma_wait3A, %dma_wait3A_42] : memref<2x320000xi32, #tpu.memory_space<hbm>> -> memref<1x320000xi32, #tpu.memory_space<hbm>>
    %dma_wait3A_44 = tpu.memref_squeeze %dma_wait3A_43 : memref<1x320000xi32, #tpu.memory_space<hbm>> -> memref<320000xi32, #tpu.memory_space<hbm>>
    %dma_wait3A_45 = arith.constant 0 : i32
    %dma_wait3A_46 = tpu.memref_slice %dma_wait3A_44[%dma_wait3A_45] : memref<320000xi32, #tpu.memory_space<hbm>> -> memref<9984xi32, #tpu.memory_space<hbm>>
    tpu.wait_dma2 semaphore(%arg12 : memref<!tpu.dma_semaphore, #tpu.memory_space<semaphore_mem>>) src(%dma_wait3A_46 : memref<9984xi32, #tpu.memory_space<hbm>>) dst(%arg6 : memref<9984xi32, #tpu.memory_space<vmem>>)
    %dma_wait3A_47 = arith.constant 0 : i32
    %dma_wait3A_48 = arith.constant 0 : i32
    %dma_wait3A_49 = tpu.memref_slice %arg4[%dma_wait3A_47, %dma_wait3A_48] : memref<2x320000xi32, #tpu.memory_space<hbm>> -> memref<1x320000xi32, #tpu.memory_space<hbm>>
    %dma_wait3A_50 = tpu.memref_squeeze %dma_wait3A_49 : memref<1x320000xi32, #tpu.memory_space<hbm>> -> memref<320000xi32, #tpu.memory_space<hbm>>
    %dma_wait3A_51 = arith.constant 0 : i32
    %dma_wait3A_52 = tpu.memref_slice %dma_wait3A_50[%dma_wait3A_51] : memref<320000xi32, #tpu.memory_space<hbm>> -> memref<9984xi32, #tpu.memory_space<hbm>>
    %dma_wait3A_53 = arith.constant 0 : i32
    %dma_wait3A_54 = tpu.memref_slice %arg4[%dma_wait3A_47, %dma_wait3A_53] : memref<2x320000xi32, #tpu.memory_space<hbm>> -> memref<1x320000xi32, #tpu.memory_space<hbm>>
    %dma_wait3A_55 = tpu.memref_squeeze %dma_wait3A_54 : memref<1x320000xi32, #tpu.memory_space<hbm>> -> memref<320000xi32, #tpu.memory_space<hbm>>
    %dma_wait3A_56 = arith.constant 0 : i32
    %dma_wait3A_57 = tpu.memref_slice %dma_wait3A_55[%dma_wait3A_56] : memref<320000xi32, #tpu.memory_space<hbm>> -> memref<9984xi32, #tpu.memory_space<hbm>>
    tpu.wait_dma2 semaphore(%arg12 : memref<!tpu.dma_semaphore, #tpu.memory_space<semaphore_mem>>) src(%dma_wait3A_57 : memref<9984xi32, #tpu.memory_space<hbm>>) dst(%arg7 : memref<9984xi32, #tpu.memory_space<vmem>>)
    %lt3A_58 = arith.constant 4 : i32
    %lt3A_59 = arith.cmpi slt, %add3A, %lt3A_58 : i32
    %convert_element_type3A_60 = arith.extui %lt3A_59 : i1 to i32
    %cond3A_61 = arith.constant 0 : i32
    %cond3A_62 = arith.cmpi ne, %convert_element_type3A_60, %cond3A_61 : i32
    scf.if %cond3A_62 {
      %dma_wait3A_279 = arith.constant 0 : i32
      %dma_wait3A_280 = arith.constant 0 : i32
      %dma_wait3A_281 = tpu.memref_slice %arg4[%dma_wait3A_279, %dma_wait3A_280] : memref<2x320000xi32, #tpu.memory_space<hbm>> -> memref<1x320000xi32, #tpu.memory_space<hbm>>
      %dma_wait3A_282 = tpu.memref_squeeze %dma_wait3A_281 : memref<1x320000xi32, #tpu.memory_space<hbm>> -> memref<320000xi32, #tpu.memory_space<hbm>>
      %dma_wait3A_283 = arith.constant 0 : i32
      %dma_wait3A_284 = tpu.memref_slice %dma_wait3A_282[%dma_wait3A_283] : memref<320000xi32, #tpu.memory_space<hbm>> -> memref<128xi32, #tpu.memory_space<hbm>>
      %dma_wait3A_285 = arith.constant 0 : i32
      %dma_wait3A_286 = tpu.memref_slice %arg4[%dma_wait3A_279, %dma_wait3A_285] : memref<2x320000xi32, #tpu.memory_space<hbm>> -> memref<1x320000xi32, #tpu.memory_space<hbm>>
      %dma_wait3A_287 = tpu.memref_squeeze %dma_wait3A_286 : memref<1x320000xi32, #tpu.memory_space<hbm>> -> memref<320000xi32, #tpu.memory_space<hbm>>
      %dma_wait3A_288 = arith.constant 0 : i32
      %dma_wait3A_289 = tpu.memref_slice %dma_wait3A_287[%dma_wait3A_288] : memref<320000xi32, #tpu.memory_space<hbm>> -> memref<128xi32, #tpu.memory_space<hbm>>
      tpu.wait_dma2 semaphore(%arg12 : memref<!tpu.dma_semaphore, #tpu.memory_space<semaphore_mem>>) src(%dma_wait3A_289 : memref<128xi32, #tpu.memory_space<hbm>>) dst(%arg8 : memref<128xi32, #tpu.memory_space<vmem>>)
      %dma_wait3A_290 = arith.constant 0 : i32
      %dma_wait3A_291 = arith.constant 0 : i32
      %dma_wait3A_292 = tpu.memref_slice %arg4[%dma_wait3A_290, %dma_wait3A_291] : memref<2x320000xi32, #tpu.memory_space<hbm>> -> memref<1x320000xi32, #tpu.memory_space<hbm>>
      %dma_wait3A_293 = tpu.memref_squeeze %dma_wait3A_292 : memref<1x320000xi32, #tpu.memory_space<hbm>> -> memref<320000xi32, #tpu.memory_space<hbm>>
      %dma_wait3A_294 = arith.constant 0 : i32
      %dma_wait3A_295 = tpu.memref_slice %dma_wait3A_293[%dma_wait3A_294] : memref<320000xi32, #tpu.memory_space<hbm>> -> memref<128xi32, #tpu.memory_space<hbm>>
      %dma_wait3A_296 = arith.constant 0 : i32
      %dma_wait3A_297 = tpu.memref_slice %arg4[%dma_wait3A_290, %dma_wait3A_296] : memref<2x320000xi32, #tpu.memory_space<hbm>> -> memref<1x320000xi32, #tpu.memory_space<hbm>>
      %dma_wait3A_298 = tpu.memref_squeeze %dma_wait3A_297 : memref<1x320000xi32, #tpu.memory_space<hbm>> -> memref<320000xi32, #tpu.memory_space<hbm>>
      %dma_wait3A_299 = arith.constant 0 : i32
      %dma_wait3A_300 = tpu.memref_slice %dma_wait3A_298[%dma_wait3A_299] : memref<320000xi32, #tpu.memory_space<hbm>> -> memref<128xi32, #tpu.memory_space<hbm>>
      tpu.wait_dma2 semaphore(%arg12 : memref<!tpu.dma_semaphore, #tpu.memory_space<semaphore_mem>>) src(%dma_wait3A_300 : memref<128xi32, #tpu.memory_space<hbm>>) dst(%arg9 : memref<128xi32, #tpu.memory_space<vmem>>)
    } else {
    }
    %barrier3A = arith.constant 0 : index
    tpu.barrier barrier_id(%barrier3A)
    %dma_start3A_63 = arith.constant 0 : i32
    %dma_start3A_64 = arith.constant 0 : i32
    %dma_start3A_65 = arith.constant 0 : i32
    %dma_start3A_66 = tpu.memref_slice %arg10[%dma_start3A_63, %dma_start3A_64, %dma_start3A_65] : memref<4x48x128xf32, #tpu.memory_space<vmem>> -> memref<1x48x128xf32, #tpu.memory_space<vmem>>
    %dma_start3A_67 = tpu.memref_squeeze %dma_start3A_66 : memref<1x48x128xf32, #tpu.memory_space<vmem>> -> memref<48x128xf32, #tpu.memory_space<vmem>>
    %dma_start3A_68 = arith.constant 0 : i32
    %dma_start3A_69 = tpu.memref_slice %arg6[%dma_start3A_68] : memref<9984xi32, #tpu.memory_space<vmem>> -> memref<48xi32, #tpu.memory_space<vmem>>
    %dma_start3A_70 = arith.constant 0 : i32
    %dma_start3A_71 = arith.constant 0 : i32
    %dma_start3A_72 = tpu.memref_slice %arg2[%dma_start3A_70, %dma_start3A_71] : memref<10000x128xf32, #tpu.memory_space<hbm>> -> memref<10000x128xf32, #tpu.memory_space<hbm>>
    tpu.enqueue_indirect_dma source(%dma_start3A_72 : memref<10000x128xf32, #tpu.memory_space<hbm>>) target(%dma_start3A_67 : memref<48x128xf32, #tpu.memory_space<vmem>>) offsets(%dma_start3A_69 : memref<48xi32, #tpu.memory_space<vmem>>) semaphore(%arg13 : memref<!tpu.dma_semaphore, #tpu.memory_space<semaphore_mem>>)
    %dma_start3A_73 = arith.constant 1 : i32
    %dma_start3A_74 = arith.constant 0 : i32
    %dma_start3A_75 = arith.constant 0 : i32
    %dma_start3A_76 = tpu.memref_slice %arg10[%dma_start3A_73, %dma_start3A_74, %dma_start3A_75] : memref<4x48x128xf32, #tpu.memory_space<vmem>> -> memref<1x48x128xf32, #tpu.memory_space<vmem>>
    %dma_start3A_77 = tpu.memref_squeeze %dma_start3A_76 : memref<1x48x128xf32, #tpu.memory_space<vmem>> -> memref<48x128xf32, #tpu.memory_space<vmem>>
    %dma_start3A_78 = arith.constant 48 : i32
    %dma_start3A_79 = tpu.memref_slice %arg6[%dma_start3A_78] : memref<9984xi32, #tpu.memory_space<vmem>> -> memref<48xi32, #tpu.memory_space<vmem>>
    %dma_start3A_80 = arith.constant 0 : i32
    %dma_start3A_81 = arith.constant 0 : i32
    %dma_start3A_82 = tpu.memref_slice %arg2[%dma_start3A_80, %dma_start3A_81] : memref<10000x128xf32, #tpu.memory_space<hbm>> -> memref<10000x128xf32, #tpu.memory_space<hbm>>
    tpu.enqueue_indirect_dma source(%dma_start3A_82 : memref<10000x128xf32, #tpu.memory_space<hbm>>) target(%dma_start3A_77 : memref<48x128xf32, #tpu.memory_space<vmem>>) offsets(%dma_start3A_79 : memref<48xi32, #tpu.memory_space<vmem>>) semaphore(%arg13 : memref<!tpu.dma_semaphore, #tpu.memory_space<semaphore_mem>>)
    %dma_start3A_83 = arith.constant 2 : i32
    %dma_start3A_84 = arith.constant 0 : i32
    %dma_start3A_85 = arith.constant 0 : i32
    %dma_start3A_86 = tpu.memref_slice %arg10[%dma_start3A_83, %dma_start3A_84, %dma_start3A_85] : memref<4x48x128xf32, #tpu.memory_space<vmem>> -> memref<1x48x128xf32, #tpu.memory_space<vmem>>
    %dma_start3A_87 = tpu.memref_squeeze %dma_start3A_86 : memref<1x48x128xf32, #tpu.memory_space<vmem>> -> memref<48x128xf32, #tpu.memory_space<vmem>>
    %dma_start3A_88 = arith.constant 96 : i32
    %dma_start3A_89 = tpu.memref_slice %arg6[%dma_start3A_88] : memref<9984xi32, #tpu.memory_space<vmem>> -> memref<48xi32, #tpu.memory_space<vmem>>
    %dma_start3A_90 = arith.constant 0 : i32
    %dma_start3A_91 = arith.constant 0 : i32
    %dma_start3A_92 = tpu.memref_slice %arg2[%dma_start3A_90, %dma_start3A_91] : memref<10000x128xf32, #tpu.memory_space<hbm>> -> memref<10000x128xf32, #tpu.memory_space<hbm>>
    tpu.enqueue_indirect_dma source(%dma_start3A_92 : memref<10000x128xf32, #tpu.memory_space<hbm>>) target(%dma_start3A_87 : memref<48x128xf32, #tpu.memory_space<vmem>>) offsets(%dma_start3A_89 : memref<48xi32, #tpu.memory_space<vmem>>) semaphore(%arg13 : memref<!tpu.dma_semaphore, #tpu.memory_space<semaphore_mem>>)
    %dma_wait3A_93 = arith.constant 0 : i32
    %dma_wait3A_94 = arith.constant 0 : i32
    %dma_wait3A_95 = arith.constant 0 : i32
    %dma_wait3A_96 = tpu.memref_slice %arg10[%dma_wait3A_93, %dma_wait3A_94, %dma_wait3A_95] : memref<4x48x128xf32, #tpu.memory_space<vmem>> -> memref<1x48x128xf32, #tpu.memory_space<vmem>>
    %dma_wait3A_97 = tpu.memref_squeeze %dma_wait3A_96 : memref<1x48x128xf32, #tpu.memory_space<vmem>> -> memref<48x128xf32, #tpu.memory_space<vmem>>
    %dma_wait3A_98 = arith.constant 0 : i32
    %dma_wait3A_99 = arith.constant 0 : i32
    %dma_wait3A_100 = tpu.memref_slice %arg2[%dma_wait3A_98, %dma_wait3A_99] : memref<10000x128xf32, #tpu.memory_space<hbm>> -> memref<48x128xf32, #tpu.memory_space<hbm>>
    %dma_wait3A_101 = arith.constant 0 : i32
    %dma_wait3A_102 = arith.constant 0 : i32
    %dma_wait3A_103 = tpu.memref_slice %arg10[%dma_wait3A_93, %dma_wait3A_101, %dma_wait3A_102] : memref<4x48x128xf32, #tpu.memory_space<vmem>> -> memref<1x48x128xf32, #tpu.memory_space<vmem>>
    %dma_wait3A_104 = tpu.memref_squeeze %dma_wait3A_103 : memref<1x48x128xf32, #tpu.memory_space<vmem>> -> memref<48x128xf32, #tpu.memory_space<vmem>>
    %dma_wait3A_105 = arith.constant 0 : i32
    %dma_wait3A_106 = arith.constant 0 : i32
    %dma_wait3A_107 = tpu.memref_slice %arg2[%dma_wait3A_105, %dma_wait3A_106] : memref<10000x128xf32, #tpu.memory_space<hbm>> -> memref<48x128xf32, #tpu.memory_space<hbm>>
    tpu.wait_dma2 semaphore(%arg13 : memref<!tpu.dma_semaphore, #tpu.memory_space<semaphore_mem>>) src(%dma_wait3A_107 : memref<48x128xf32, #tpu.memory_space<hbm>>) dst(%dma_wait3A_104 : memref<48x128xf32, #tpu.memory_space<vmem>>)
    %dma_start3A_108 = arith.constant 0 : i32
    %dma_start3A_109 = arith.constant 0 : i32
    %dma_start3A_110 = arith.constant 0 : i32
    %dma_start3A_111 = tpu.memref_slice %arg10[%dma_start3A_108, %dma_start3A_109, %dma_start3A_110] : memref<4x48x128xf32, #tpu.memory_space<vmem>> -> memref<1x48x128xf32, #tpu.memory_space<vmem>>
    %dma_start3A_112 = tpu.memref_squeeze %dma_start3A_111 : memref<1x48x128xf32, #tpu.memory_space<vmem>> -> memref<48x128xf32, #tpu.memory_space<vmem>>
    %dma_start3A_113 = arith.constant 0 : i32
    %dma_start3A_114 = tpu.memref_slice %arg7[%dma_start3A_113] : memref<9984xi32, #tpu.memory_space<vmem>> -> memref<48xi32, #tpu.memory_space<vmem>>
    %dma_start3A_115 = arith.constant 0 : i32
    %dma_start3A_116 = arith.constant 0 : i32
    %dma_start3A_117 = tpu.memref_slice %arg11[%dma_start3A_115, %dma_start3A_116] : memref<10000x128xf32, #tpu.memory_space<vmem_shared>> -> memref<10000x128xf32, #tpu.memory_space<vmem_shared>>
    tpu.enqueue_indirect_dma source(%dma_start3A_112 : memref<48x128xf32, #tpu.memory_space<vmem>>) target(%dma_start3A_117 : memref<10000x128xf32, #tpu.memory_space<vmem_shared>>) offsets(%dma_start3A_114 : memref<48xi32, #tpu.memory_space<vmem>>) semaphore(%arg14 : memref<!tpu.dma_semaphore, #tpu.memory_space<semaphore_mem>>) {add = true}
    %dma_start3A_118 = arith.constant 3 : i32
    %dma_start3A_119 = arith.constant 0 : i32
    %dma_start3A_120 = arith.constant 0 : i32
    %dma_start3A_121 = tpu.memref_slice %arg10[%dma_start3A_118, %dma_start3A_119, %dma_start3A_120] : memref<4x48x128xf32, #tpu.memory_space<vmem>> -> memref<1x48x128xf32, #tpu.memory_space<vmem>>
    %dma_start3A_122 = tpu.memref_squeeze %dma_start3A_121 : memref<1x48x128xf32, #tpu.memory_space<vmem>> -> memref<48x128xf32, #tpu.memory_space<vmem>>
    %dma_start3A_123 = arith.constant 144 : i32
    %dma_start3A_124 = tpu.memref_slice %arg6[%dma_start3A_123] : memref<9984xi32, #tpu.memory_space<vmem>> -> memref<48xi32, #tpu.memory_space<vmem>>
    %dma_start3A_125 = arith.constant 0 : i32
    %dma_start3A_126 = arith.constant 0 : i32
    %dma_start3A_127 = tpu.memref_slice %arg2[%dma_start3A_125, %dma_start3A_126] : memref<10000x128xf32, #tpu.memory_space<hbm>> -> memref<10000x128xf32, #tpu.memory_space<hbm>>
    tpu.enqueue_indirect_dma source(%dma_start3A_127 : memref<10000x128xf32, #tpu.memory_space<hbm>>) target(%dma_start3A_122 : memref<48x128xf32, #tpu.memory_space<vmem>>) offsets(%dma_start3A_124 : memref<48xi32, #tpu.memory_space<vmem>>) semaphore(%arg13 : memref<!tpu.dma_semaphore, #tpu.memory_space<semaphore_mem>>)
    %dma_wait3A_128 = arith.constant 1 : i32
    %dma_wait3A_129 = arith.constant 0 : i32
    %dma_wait3A_130 = arith.constant 0 : i32
    %dma_wait3A_131 = tpu.memref_slice %arg10[%dma_wait3A_128, %dma_wait3A_129, %dma_wait3A_130] : memref<4x48x128xf32, #tpu.memory_space<vmem>> -> memref<1x48x128xf32, #tpu.memory_space<vmem>>
    %dma_wait3A_132 = tpu.memref_squeeze %dma_wait3A_131 : memref<1x48x128xf32, #tpu.memory_space<vmem>> -> memref<48x128xf32, #tpu.memory_space<vmem>>
    %dma_wait3A_133 = arith.constant 0 : i32
    %dma_wait3A_134 = arith.constant 0 : i32
    %dma_wait3A_135 = tpu.memref_slice %arg2[%dma_wait3A_133, %dma_wait3A_134] : memref<10000x128xf32, #tpu.memory_space<hbm>> -> memref<48x128xf32, #tpu.memory_space<hbm>>
    %dma_wait3A_136 = arith.constant 0 : i32
    %dma_wait3A_137 = arith.constant 0 : i32
    %dma_wait3A_138 = tpu.memref_slice %arg10[%dma_wait3A_128, %dma_wait3A_136, %dma_wait3A_137] : memref<4x48x128xf32, #tpu.memory_space<vmem>> -> memref<1x48x128xf32, #tpu.memory_space<vmem>>
    %dma_wait3A_139 = tpu.memref_squeeze %dma_wait3A_138 : memref<1x48x128xf32, #tpu.memory_space<vmem>> -> memref<48x128xf32, #tpu.memory_space<vmem>>
    %dma_wait3A_140 = arith.constant 0 : i32
    %dma_wait3A_141 = arith.constant 0 : i32
    %dma_wait3A_142 = tpu.memref_slice %arg2[%dma_wait3A_140, %dma_wait3A_141] : memref<10000x128xf32, #tpu.memory_space<hbm>> -> memref<48x128xf32, #tpu.memory_space<hbm>>
    tpu.wait_dma2 semaphore(%arg13 : memref<!tpu.dma_semaphore, #tpu.memory_space<semaphore_mem>>) src(%dma_wait3A_142 : memref<48x128xf32, #tpu.memory_space<hbm>>) dst(%dma_wait3A_139 : memref<48x128xf32, #tpu.memory_space<vmem>>)
    %dma_start3A_143 = arith.constant 1 : i32
    %dma_start3A_144 = arith.constant 0 : i32
    %dma_start3A_145 = arith.constant 0 : i32
    %dma_start3A_146 = tpu.memref_slice %arg10[%dma_start3A_143, %dma_start3A_144, %dma_start3A_145] : memref<4x48x128xf32, #tpu.memory_space<vmem>> -> memref<1x48x128xf32, #tpu.memory_space<vmem>>
    %dma_start3A_147 = tpu.memref_squeeze %dma_start3A_146 : memref<1x48x128xf32, #tpu.memory_space<vmem>> -> memref<48x128xf32, #tpu.memory_space<vmem>>
    %dma_start3A_148 = arith.constant 48 : i32
    %dma_start3A_149 = tpu.memref_slice %arg7[%dma_start3A_148] : memref<9984xi32, #tpu.memory_space<vmem>> -> memref<48xi32, #tpu.memory_space<vmem>>
    %dma_start3A_150 = arith.constant 0 : i32
    %dma_start3A_151 = arith.constant 0 : i32
    %dma_start3A_152 = tpu.memref_slice %arg11[%dma_start3A_150, %dma_start3A_151] : memref<10000x128xf32, #tpu.memory_space<vmem_shared>> -> memref<10000x128xf32, #tpu.memory_space<vmem_shared>>
    tpu.enqueue_indirect_dma source(%dma_start3A_147 : memref<48x128xf32, #tpu.memory_space<vmem>>) target(%dma_start3A_152 : memref<10000x128xf32, #tpu.memory_space<vmem_shared>>) offsets(%dma_start3A_149 : memref<48xi32, #tpu.memory_space<vmem>>) semaphore(%arg14 : memref<!tpu.dma_semaphore, #tpu.memory_space<semaphore_mem>>) {add = true}
    %scan3A = arith.constant 0 : i32
    %scan3A_153 = arith.constant 0 : i32
    %scan3A_154 = arith.constant 51 : i32
    %scan3A_155 = arith.addi %scan3A_153, %scan3A_154 : i32
    %scan3A_156 = arith.constant 1 : i32
    scf.for %scan3A_279 = %scan3A_153 to %scan3A_155 step %scan3A_156  : i32 {
      %mul3A_280 = arith.constant 4 : i32
      %mul3A_281 = arith.muli %scan3A_279, %mul3A_280 : i32
      %add3A_282 = arith.constant 2 : i32
      %add3A_283 = arith.addi %add3A_282, %mul3A_281 : i32
      %add3A_284 = arith.constant 0 : i32
      %add3A_285 = arith.addi %add3A_283, %add3A_284 : i32
      %dma_wait3A_286 = arith.constant 0 : i32
      %dma_wait3A_287 = arith.constant 0 : i32
      %dma_wait3A_288 = arith.constant 0 : i32
      %dma_wait3A_289 = tpu.memref_slice %arg10[%dma_wait3A_286, %dma_wait3A_287, %dma_wait3A_288] : memref<4x48x128xf32, #tpu.memory_space<vmem>> -> memref<1x48x128xf32, #tpu.memory_space<vmem>>
      %dma_wait3A_290 = tpu.memref_squeeze %dma_wait3A_289 : memref<1x48x128xf32, #tpu.memory_space<vmem>> -> memref<48x128xf32, #tpu.memory_space<vmem>>
      %dma_wait3A_291 = arith.constant 0 : i32
      %dma_wait3A_292 = arith.constant 0 : i32
      %dma_wait3A_293 = tpu.memref_slice %arg2[%dma_wait3A_291, %dma_wait3A_292] : memref<10000x128xf32, #tpu.memory_space<hbm>> -> memref<48x128xf32, #tpu.memory_space<hbm>>
      %dma_wait3A_294 = arith.constant 0 : i32
      %dma_wait3A_295 = arith.constant 0 : i32
      %dma_wait3A_296 = tpu.memref_slice %arg10[%dma_wait3A_286, %dma_wait3A_294, %dma_wait3A_295] : memref<4x48x128xf32, #tpu.memory_space<vmem>> -> memref<1x48x128xf32, #tpu.memory_space<vmem>>
      %dma_wait3A_297 = tpu.memref_squeeze %dma_wait3A_296 : memref<1x48x128xf32, #tpu.memory_space<vmem>> -> memref<48x128xf32, #tpu.memory_space<vmem>>
      %dma_wait3A_298 = arith.constant 0 : i32
      %dma_wait3A_299 = arith.constant 0 : i32
      %dma_wait3A_300 = tpu.memref_slice %arg2[%dma_wait3A_298, %dma_wait3A_299] : memref<10000x128xf32, #tpu.memory_space<hbm>> -> memref<48x128xf32, #tpu.memory_space<hbm>>
      tpu.wait_dma2 semaphore(%arg14 : memref<!tpu.dma_semaphore, #tpu.memory_space<semaphore_mem>>) src(%dma_wait3A_300 : memref<48x128xf32, #tpu.memory_space<hbm>>) dst(%dma_wait3A_297 : memref<48x128xf32, #tpu.memory_space<vmem>>)
      %add3A_301 = arith.constant 2 : i32
      %add3A_302 = arith.addi %add3A_285, %add3A_301 : i32
      %mul3A_303 = arith.constant 48 : i32
      %mul3A_304 = arith.muli %add3A_302, %mul3A_303 : i32
      %dma_start3A_305 = arith.constant 0 : i32
      %dma_start3A_306 = arith.constant 0 : i32
      %dma_start3A_307 = arith.constant 0 : i32
      %dma_start3A_308 = tpu.memref_slice %arg10[%dma_start3A_305, %dma_start3A_306, %dma_start3A_307] : memref<4x48x128xf32, #tpu.memory_space<vmem>> -> memref<1x48x128xf32, #tpu.memory_space<vmem>>
      %dma_start3A_309 = tpu.memref_squeeze %dma_start3A_308 : memref<1x48x128xf32, #tpu.memory_space<vmem>> -> memref<48x128xf32, #tpu.memory_space<vmem>>
      %dma_start3A_310 = tpu.memref_slice %arg6[%mul3A_304] : memref<9984xi32, #tpu.memory_space<vmem>> -> memref<48xi32, #tpu.memory_space<vmem>>
      %dma_start3A_311 = arith.constant 0 : i32
      %dma_start3A_312 = arith.constant 0 : i32
      %dma_start3A_313 = tpu.memref_slice %arg2[%dma_start3A_311, %dma_start3A_312] : memref<10000x128xf32, #tpu.memory_space<hbm>> -> memref<10000x128xf32, #tpu.memory_space<hbm>>
      tpu.enqueue_indirect_dma source(%dma_start3A_313 : memref<10000x128xf32, #tpu.memory_space<hbm>>) target(%dma_start3A_309 : memref<48x128xf32, #tpu.memory_space<vmem>>) offsets(%dma_start3A_310 : memref<48xi32, #tpu.memory_space<vmem>>) semaphore(%arg13 : memref<!tpu.dma_semaphore, #tpu.memory_space<semaphore_mem>>)
      %dma_wait3A_314 = arith.constant 2 : i32
      %dma_wait3A_315 = arith.constant 0 : i32
      %dma_wait3A_316 = arith.constant 0 : i32
      %dma_wait3A_317 = tpu.memref_slice %arg10[%dma_wait3A_314, %dma_wait3A_315, %dma_wait3A_316] : memref<4x48x128xf32, #tpu.memory_space<vmem>> -> memref<1x48x128xf32, #tpu.memory_space<vmem>>
      %dma_wait3A_318 = tpu.memref_squeeze %dma_wait3A_317 : memref<1x48x128xf32, #tpu.memory_space<vmem>> -> memref<48x128xf32, #tpu.memory_space<vmem>>
      %dma_wait3A_319 = arith.constant 0 : i32
      %dma_wait3A_320 = arith.constant 0 : i32
      %dma_wait3A_321 = tpu.memref_slice %arg2[%dma_wait3A_319, %dma_wait3A_320] : memref<10000x128xf32, #tpu.memory_space<hbm>> -> memref<48x128xf32, #tpu.memory_space<hbm>>
      %dma_wait3A_322 = arith.constant 0 : i32
      %dma_wait3A_323 = arith.constant 0 : i32
      %dma_wait3A_324 = tpu.memref_slice %arg10[%dma_wait3A_314, %dma_wait3A_322, %dma_wait3A_323] : memref<4x48x128xf32, #tpu.memory_space<vmem>> -> memref<1x48x128xf32, #tpu.memory_space<vmem>>
      %dma_wait3A_325 = tpu.memref_squeeze %dma_wait3A_324 : memref<1x48x128xf32, #tpu.memory_space<vmem>> -> memref<48x128xf32, #tpu.memory_space<vmem>>
      %dma_wait3A_326 = arith.constant 0 : i32
      %dma_wait3A_327 = arith.constant 0 : i32
      %dma_wait3A_328 = tpu.memref_slice %arg2[%dma_wait3A_326, %dma_wait3A_327] : memref<10000x128xf32, #tpu.memory_space<hbm>> -> memref<48x128xf32, #tpu.memory_space<hbm>>
      tpu.wait_dma2 semaphore(%arg13 : memref<!tpu.dma_semaphore, #tpu.memory_space<semaphore_mem>>) src(%dma_wait3A_328 : memref<48x128xf32, #tpu.memory_space<hbm>>) dst(%dma_wait3A_325 : memref<48x128xf32, #tpu.memory_space<vmem>>)
      %mul3A_329 = arith.constant 48 : i32
      %mul3A_330 = arith.muli %add3A_285, %mul3A_329 : i32
      %dma_start3A_331 = arith.constant 2 : i32
      %dma_start3A_332 = arith.constant 0 : i32
      %dma_start3A_333 = arith.constant 0 : i32
      %dma_start3A_334 = tpu.memref_slice %arg10[%dma_start3A_331, %dma_start3A_332, %dma_start3A_333] : memref<4x48x128xf32, #tpu.memory_space<vmem>> -> memref<1x48x128xf32, #tpu.memory_space<vmem>>
      %dma_start3A_335 = tpu.memref_squeeze %dma_start3A_334 : memref<1x48x128xf32, #tpu.memory_space<vmem>> -> memref<48x128xf32, #tpu.memory_space<vmem>>
      %dma_start3A_336 = tpu.memref_slice %arg7[%mul3A_330] : memref<9984xi32, #tpu.memory_space<vmem>> -> memref<48xi32, #tpu.memory_space<vmem>>
      %dma_start3A_337 = arith.constant 0 : i32
      %dma_start3A_338 = arith.constant 0 : i32
      %dma_start3A_339 = tpu.memref_slice %arg11[%dma_start3A_337, %dma_start3A_338] : memref<10000x128xf32, #tpu.memory_space<vmem_shared>> -> memref<10000x128xf32, #tpu.memory_space<vmem_shared>>
      tpu.enqueue_indirect_dma source(%dma_start3A_335 : memref<48x128xf32, #tpu.memory_space<vmem>>) target(%dma_start3A_339 : memref<10000x128xf32, #tpu.memory_space<vmem_shared>>) offsets(%dma_start3A_336 : memref<48xi32, #tpu.memory_space<vmem>>) semaphore(%arg14 : memref<!tpu.dma_semaphore, #tpu.memory_space<semaphore_mem>>) {add = true}
      %add3A_340 = arith.constant 1 : i32
      %add3A_341 = arith.addi %add3A_283, %add3A_340 : i32
      %dma_wait3A_342 = arith.constant 1 : i32
      %dma_wait3A_343 = arith.constant 0 : i32
      %dma_wait3A_344 = arith.constant 0 : i32
      %dma_wait3A_345 = tpu.memref_slice %arg10[%dma_wait3A_342, %dma_wait3A_343, %dma_wait3A_344] : memref<4x48x128xf32, #tpu.memory_space<vmem>> -> memref<1x48x128xf32, #tpu.memory_space<vmem>>
      %dma_wait3A_346 = tpu.memref_squeeze %dma_wait3A_345 : memref<1x48x128xf32, #tpu.memory_space<vmem>> -> memref<48x128xf32, #tpu.memory_space<vmem>>
      %dma_wait3A_347 = arith.constant 0 : i32
      %dma_wait3A_348 = arith.constant 0 : i32
      %dma_wait3A_349 = tpu.memref_slice %arg2[%dma_wait3A_347, %dma_wait3A_348] : memref<10000x128xf32, #tpu.memory_space<hbm>> -> memref<48x128xf32, #tpu.memory_space<hbm>>
      %dma_wait3A_350 = arith.constant 0 : i32
      %dma_wait3A_351 = arith.constant 0 : i32
      %dma_wait3A_352 = tpu.memref_slice %arg10[%dma_wait3A_342, %dma_wait3A_350, %dma_wait3A_351] : memref<4x48x128xf32, #tpu.memory_space<vmem>> -> memref<1x48x128xf32, #tpu.memory_space<vmem>>
      %dma_wait3A_353 = tpu.memref_squeeze %dma_wait3A_352 : memref<1x48x128xf32, #tpu.memory_space<vmem>> -> memref<48x128xf32, #tpu.memory_space<vmem>>
      %dma_wait3A_354 = arith.constant 0 : i32
      %dma_wait3A_355 = arith.constant 0 : i32
      %dma_wait3A_356 = tpu.memref_slice %arg2[%dma_wait3A_354, %dma_wait3A_355] : memref<10000x128xf32, #tpu.memory_space<hbm>> -> memref<48x128xf32, #tpu.memory_space<hbm>>
      tpu.wait_dma2 semaphore(%arg14 : memref<!tpu.dma_semaphore, #tpu.memory_space<semaphore_mem>>) src(%dma_wait3A_356 : memref<48x128xf32, #tpu.memory_space<hbm>>) dst(%dma_wait3A_353 : memref<48x128xf32, #tpu.memory_space<vmem>>)
      %add3A_357 = arith.constant 2 : i32
      %add3A_358 = arith.addi %add3A_341, %add3A_357 : i32
      %mul3A_359 = arith.constant 48 : i32
      %mul3A_360 = arith.muli %add3A_358, %mul3A_359 : i32
      %dma_start3A_361 = arith.constant 1 : i32
      %dma_start3A_362 = arith.constant 0 : i32
      %dma_start3A_363 = arith.constant 0 : i32
      %dma_start3A_364 = tpu.memref_slice %arg10[%dma_start3A_361, %dma_start3A_362, %dma_start3A_363] : memref<4x48x128xf32, #tpu.memory_space<vmem>> -> memref<1x48x128xf32, #tpu.memory_space<vmem>>
      %dma_start3A_365 = tpu.memref_squeeze %dma_start3A_364 : memref<1x48x128xf32, #tpu.memory_space<vmem>> -> memref<48x128xf32, #tpu.memory_space<vmem>>
      %dma_start3A_366 = tpu.memref_slice %arg6[%mul3A_360] : memref<9984xi32, #tpu.memory_space<vmem>> -> memref<48xi32, #tpu.memory_space<vmem>>
      %dma_start3A_367 = arith.constant 0 : i32
      %dma_start3A_368 = arith.constant 0 : i32
      %dma_start3A_369 = tpu.memref_slice %arg2[%dma_start3A_367, %dma_start3A_368] : memref<10000x128xf32, #tpu.memory_space<hbm>> -> memref<10000x128xf32, #tpu.memory_space<hbm>>
      tpu.enqueue_indirect_dma source(%dma_start3A_369 : memref<10000x128xf32, #tpu.memory_space<hbm>>) target(%dma_start3A_365 : memref<48x128xf32, #tpu.memory_space<vmem>>) offsets(%dma_start3A_366 : memref<48xi32, #tpu.memory_space<vmem>>) semaphore(%arg13 : memref<!tpu.dma_semaphore, #tpu.memory_space<semaphore_mem>>)
      %dma_wait3A_370 = arith.constant 3 : i32
      %dma_wait3A_371 = arith.constant 0 : i32
      %dma_wait3A_372 = arith.constant 0 : i32
      %dma_wait3A_373 = tpu.memref_slice %arg10[%dma_wait3A_370, %dma_wait3A_371, %dma_wait3A_372] : memref<4x48x128xf32, #tpu.memory_space<vmem>> -> memref<1x48x128xf32, #tpu.memory_space<vmem>>
      %dma_wait3A_374 = tpu.memref_squeeze %dma_wait3A_373 : memref<1x48x128xf32, #tpu.memory_space<vmem>> -> memref<48x128xf32, #tpu.memory_space<vmem>>
      %dma_wait3A_375 = arith.constant 0 : i32
      %dma_wait3A_376 = arith.constant 0 : i32
      %dma_wait3A_377 = tpu.memref_slice %arg2[%dma_wait3A_375, %dma_wait3A_376] : memref<10000x128xf32, #tpu.memory_space<hbm>> -> memref<48x128xf32, #tpu.memory_space<hbm>>
      %dma_wait3A_378 = arith.constant 0 : i32
      %dma_wait3A_379 = arith.constant 0 : i32
      %dma_wait3A_380 = tpu.memref_slice %arg10[%dma_wait3A_370, %dma_wait3A_378, %dma_wait3A_379] : memref<4x48x128xf32, #tpu.memory_space<vmem>> -> memref<1x48x128xf32, #tpu.memory_space<vmem>>
      %dma_wait3A_381 = tpu.memref_squeeze %dma_wait3A_380 : memref<1x48x128xf32, #tpu.memory_space<vmem>> -> memref<48x128xf32, #tpu.memory_space<vmem>>
      %dma_wait3A_382 = arith.constant 0 : i32
      %dma_wait3A_383 = arith.constant 0 : i32
      %dma_wait3A_384 = tpu.memref_slice %arg2[%dma_wait3A_382, %dma_wait3A_383] : memref<10000x128xf32, #tpu.memory_space<hbm>> -> memref<48x128xf32, #tpu.memory_space<hbm>>
      tpu.wait_dma2 semaphore(%arg13 : memref<!tpu.dma_semaphore, #tpu.memory_space<semaphore_mem>>) src(%dma_wait3A_384 : memref<48x128xf32, #tpu.memory_space<hbm>>) dst(%dma_wait3A_381 : memref<48x128xf32, #tpu.memory_space<vmem>>)
      %mul3A_385 = arith.constant 48 : i32
      %mul3A_386 = arith.muli %add3A_341, %mul3A_385 : i32
      %dma_start3A_387 = arith.constant 3 : i32
      %dma_start3A_388 = arith.constant 0 : i32
      %dma_start3A_389 = arith.constant 0 : i32
      %dma_start3A_390 = tpu.memref_slice %arg10[%dma_start3A_387, %dma_start3A_388, %dma_start3A_389] : memref<4x48x128xf32, #tpu.memory_space<vmem>> -> memref<1x48x128xf32, #tpu.memory_space<vmem>>
      %dma_start3A_391 = tpu.memref_squeeze %dma_start3A_390 : memref<1x48x128xf32, #tpu.memory_space<vmem>> -> memref<48x128xf32, #tpu.memory_space<vmem>>
      %dma_start3A_392 = tpu.memref_slice %arg7[%mul3A_386] : memref<9984xi32, #tpu.memory_space<vmem>> -> memref<48xi32, #tpu.memory_space<vmem>>
      %dma_start3A_393 = arith.constant 0 : i32
      %dma_start3A_394 = arith.constant 0 : i32
      %dma_start3A_395 = tpu.memref_slice %arg11[%dma_start3A_393, %dma_start3A_394] : memref<10000x128xf32, #tpu.memory_space<vmem_shared>> -> memref<10000x128xf32, #tpu.memory_space<vmem_shared>>
      tpu.enqueue_indirect_dma source(%dma_start3A_391 : memref<48x128xf32, #tpu.memory_space<vmem>>) target(%dma_start3A_395 : memref<10000x128xf32, #tpu.memory_space<vmem_shared>>) offsets(%dma_start3A_392 : memref<48xi32, #tpu.memory_space<vmem>>) semaphore(%arg14 : memref<!tpu.dma_semaphore, #tpu.memory_space<semaphore_mem>>) {add = true}
      %add3A_396 = arith.constant 2 : i32
      %add3A_397 = arith.addi %add3A_283, %add3A_396 : i32
      %dma_wait3A_398 = arith.constant 2 : i32
      %dma_wait3A_399 = arith.constant 0 : i32
      %dma_wait3A_400 = arith.constant 0 : i32
      %dma_wait3A_401 = tpu.memref_slice %arg10[%dma_wait3A_398, %dma_wait3A_399, %dma_wait3A_400] : memref<4x48x128xf32, #tpu.memory_space<vmem>> -> memref<1x48x128xf32, #tpu.memory_space<vmem>>
      %dma_wait3A_402 = tpu.memref_squeeze %dma_wait3A_401 : memref<1x48x128xf32, #tpu.memory_space<vmem>> -> memref<48x128xf32, #tpu.memory_space<vmem>>
      %dma_wait3A_403 = arith.constant 0 : i32
      %dma_wait3A_404 = arith.constant 0 : i32
      %dma_wait3A_405 = tpu.memref_slice %arg2[%dma_wait3A_403, %dma_wait3A_404] : memref<10000x128xf32, #tpu.memory_space<hbm>> -> memref<48x128xf32, #tpu.memory_space<hbm>>
      %dma_wait3A_406 = arith.constant 0 : i32
      %dma_wait3A_407 = arith.constant 0 : i32
      %dma_wait3A_408 = tpu.memref_slice %arg10[%dma_wait3A_398, %dma_wait3A_406, %dma_wait3A_407] : memref<4x48x128xf32, #tpu.memory_space<vmem>> -> memref<1x48x128xf32, #tpu.memory_space<vmem>>
      %dma_wait3A_409 = tpu.memref_squeeze %dma_wait3A_408 : memref<1x48x128xf32, #tpu.memory_space<vmem>> -> memref<48x128xf32, #tpu.memory_space<vmem>>
      %dma_wait3A_410 = arith.constant 0 : i32
      %dma_wait3A_411 = arith.constant 0 : i32
      %dma_wait3A_412 = tpu.memref_slice %arg2[%dma_wait3A_410, %dma_wait3A_411] : memref<10000x128xf32, #tpu.memory_space<hbm>> -> memref<48x128xf32, #tpu.memory_space<hbm>>
      tpu.wait_dma2 semaphore(%arg14 : memref<!tpu.dma_semaphore, #tpu.memory_space<semaphore_mem>>) src(%dma_wait3A_412 : memref<48x128xf32, #tpu.memory_space<hbm>>) dst(%dma_wait3A_409 : memref<48x128xf32, #tpu.memory_space<vmem>>)
      %add3A_413 = arith.constant 2 : i32
      %add3A_414 = arith.addi %add3A_397, %add3A_413 : i32
      %mul3A_415 = arith.constant 48 : i32
      %mul3A_416 = arith.muli %add3A_414, %mul3A_415 : i32
      %dma_start3A_417 = arith.constant 2 : i32
      %dma_start3A_418 = arith.constant 0 : i32
      %dma_start3A_419 = arith.constant 0 : i32
      %dma_start3A_420 = tpu.memref_slice %arg10[%dma_start3A_417, %dma_start3A_418, %dma_start3A_419] : memref<4x48x128xf32, #tpu.memory_space<vmem>> -> memref<1x48x128xf32, #tpu.memory_space<vmem>>
      %dma_start3A_421 = tpu.memref_squeeze %dma_start3A_420 : memref<1x48x128xf32, #tpu.memory_space<vmem>> -> memref<48x128xf32, #tpu.memory_space<vmem>>
      %dma_start3A_422 = tpu.memref_slice %arg6[%mul3A_416] : memref<9984xi32, #tpu.memory_space<vmem>> -> memref<48xi32, #tpu.memory_space<vmem>>
      %dma_start3A_423 = arith.constant 0 : i32
      %dma_start3A_424 = arith.constant 0 : i32
      %dma_start3A_425 = tpu.memref_slice %arg2[%dma_start3A_423, %dma_start3A_424] : memref<10000x128xf32, #tpu.memory_space<hbm>> -> memref<10000x128xf32, #tpu.memory_space<hbm>>
      tpu.enqueue_indirect_dma source(%dma_start3A_425 : memref<10000x128xf32, #tpu.memory_space<hbm>>) target(%dma_start3A_421 : memref<48x128xf32, #tpu.memory_space<vmem>>) offsets(%dma_start3A_422 : memref<48xi32, #tpu.memory_space<vmem>>) semaphore(%arg13 : memref<!tpu.dma_semaphore, #tpu.memory_space<semaphore_mem>>)
      %dma_wait3A_426 = arith.constant 0 : i32
      %dma_wait3A_427 = arith.constant 0 : i32
      %dma_wait3A_428 = arith.constant 0 : i32
      %dma_wait3A_429 = tpu.memref_slice %arg10[%dma_wait3A_426, %dma_wait3A_427, %dma_wait3A_428] : memref<4x48x128xf32, #tpu.memory_space<vmem>> -> memref<1x48x128xf32, #tpu.memory_space<vmem>>
      %dma_wait3A_430 = tpu.memref_squeeze %dma_wait3A_429 : memref<1x48x128xf32, #tpu.memory_space<vmem>> -> memref<48x128xf32, #tpu.memory_space<vmem>>
      %dma_wait3A_431 = arith.constant 0 : i32
      %dma_wait3A_432 = arith.constant 0 : i32
      %dma_wait3A_433 = tpu.memref_slice %arg2[%dma_wait3A_431, %dma_wait3A_432] : memref<10000x128xf32, #tpu.memory_space<hbm>> -> memref<48x128xf32, #tpu.memory_space<hbm>>
      %dma_wait3A_434 = arith.constant 0 : i32
      %dma_wait3A_435 = arith.constant 0 : i32
      %dma_wait3A_436 = tpu.memref_slice %arg10[%dma_wait3A_426, %dma_wait3A_434, %dma_wait3A_435] : memref<4x48x128xf32, #tpu.memory_space<vmem>> -> memref<1x48x128xf32, #tpu.memory_space<vmem>>
      %dma_wait3A_437 = tpu.memref_squeeze %dma_wait3A_436 : memref<1x48x128xf32, #tpu.memory_space<vmem>> -> memref<48x128xf32, #tpu.memory_space<vmem>>
      %dma_wait3A_438 = arith.constant 0 : i32
      %dma_wait3A_439 = arith.constant 0 : i32
      %dma_wait3A_440 = tpu.memref_slice %arg2[%dma_wait3A_438, %dma_wait3A_439] : memref<10000x128xf32, #tpu.memory_space<hbm>> -> memref<48x128xf32, #tpu.memory_space<hbm>>
      tpu.wait_dma2 semaphore(%arg13 : memref<!tpu.dma_semaphore, #tpu.memory_space<semaphore_mem>>) src(%dma_wait3A_440 : memref<48x128xf32, #tpu.memory_space<hbm>>) dst(%dma_wait3A_437 : memref<48x128xf32, #tpu.memory_space<vmem>>)
      %mul3A_441 = arith.constant 48 : i32
      %mul3A_442 = arith.muli %add3A_397, %mul3A_441 : i32
      %dma_start3A_443 = arith.constant 0 : i32
      %dma_start3A_444 = arith.constant 0 : i32
      %dma_start3A_445 = arith.constant 0 : i32
      %dma_start3A_446 = tpu.memref_slice %arg10[%dma_start3A_443, %dma_start3A_444, %dma_start3A_445] : memref<4x48x128xf32, #tpu.memory_space<vmem>> -> memref<1x48x128xf32, #tpu.memory_space<vmem>>
      %dma_start3A_447 = tpu.memref_squeeze %dma_start3A_446 : memref<1x48x128xf32, #tpu.memory_space<vmem>> -> memref<48x128xf32, #tpu.memory_space<vmem>>
      %dma_start3A_448 = tpu.memref_slice %arg7[%mul3A_442] : memref<9984xi32, #tpu.memory_space<vmem>> -> memref<48xi32, #tpu.memory_space<vmem>>
      %dma_start3A_449 = arith.constant 0 : i32
      %dma_start3A_450 = arith.constant 0 : i32
      %dma_start3A_451 = tpu.memref_slice %arg11[%dma_start3A_449, %dma_start3A_450] : memref<10000x128xf32, #tpu.memory_space<vmem_shared>> -> memref<10000x128xf32, #tpu.memory_space<vmem_shared>>
      tpu.enqueue_indirect_dma source(%dma_start3A_447 : memref<48x128xf32, #tpu.memory_space<vmem>>) target(%dma_start3A_451 : memref<10000x128xf32, #tpu.memory_space<vmem_shared>>) offsets(%dma_start3A_448 : memref<48xi32, #tpu.memory_space<vmem>>) semaphore(%arg14 : memref<!tpu.dma_semaphore, #tpu.memory_space<semaphore_mem>>) {add = true}
      %add3A_452 = arith.constant 3 : i32
      %add3A_453 = arith.addi %add3A_283, %add3A_452 : i32
      %dma_wait3A_454 = arith.constant 3 : i32
      %dma_wait3A_455 = arith.constant 0 : i32
      %dma_wait3A_456 = arith.constant 0 : i32
      %dma_wait3A_457 = tpu.memref_slice %arg10[%dma_wait3A_454, %dma_wait3A_455, %dma_wait3A_456] : memref<4x48x128xf32, #tpu.memory_space<vmem>> -> memref<1x48x128xf32, #tpu.memory_space<vmem>>
      %dma_wait3A_458 = tpu.memref_squeeze %dma_wait3A_457 : memref<1x48x128xf32, #tpu.memory_space<vmem>> -> memref<48x128xf32, #tpu.memory_space<vmem>>
      %dma_wait3A_459 = arith.constant 0 : i32
      %dma_wait3A_460 = arith.constant 0 : i32
      %dma_wait3A_461 = tpu.memref_slice %arg2[%dma_wait3A_459, %dma_wait3A_460] : memref<10000x128xf32, #tpu.memory_space<hbm>> -> memref<48x128xf32, #tpu.memory_space<hbm>>
      %dma_wait3A_462 = arith.constant 0 : i32
      %dma_wait3A_463 = arith.constant 0 : i32
      %dma_wait3A_464 = tpu.memref_slice %arg10[%dma_wait3A_454, %dma_wait3A_462, %dma_wait3A_463] : memref<4x48x128xf32, #tpu.memory_space<vmem>> -> memref<1x48x128xf32, #tpu.memory_space<vmem>>
      %dma_wait3A_465 = tpu.memref_squeeze %dma_wait3A_464 : memref<1x48x128xf32, #tpu.memory_space<vmem>> -> memref<48x128xf32, #tpu.memory_space<vmem>>
      %dma_wait3A_466 = arith.constant 0 : i32
      %dma_wait3A_467 = arith.constant 0 : i32
      %dma_wait3A_468 = tpu.memref_slice %arg2[%dma_wait3A_466, %dma_wait3A_467] : memref<10000x128xf32, #tpu.memory_space<hbm>> -> memref<48x128xf32, #tpu.memory_space<hbm>>
      tpu.wait_dma2 semaphore(%arg14 : memref<!tpu.dma_semaphore, #tpu.memory_space<semaphore_mem>>) src(%dma_wait3A_468 : memref<48x128xf32, #tpu.memory_space<hbm>>) dst(%dma_wait3A_465 : memref<48x128xf32, #tpu.memory_space<vmem>>)
      %add3A_469 = arith.constant 2 : i32
      %add3A_470 = arith.addi %add3A_453, %add3A_469 : i32
      %mul3A_471 = arith.constant 48 : i32
      %mul3A_472 = arith.muli %add3A_470, %mul3A_471 : i32
      %dma_start3A_473 = arith.constant 3 : i32
      %dma_start3A_474 = arith.constant 0 : i32
      %dma_start3A_475 = arith.constant 0 : i32
      %dma_start3A_476 = tpu.memref_slice %arg10[%dma_start3A_473, %dma_start3A_474, %dma_start3A_475] : memref<4x48x128xf32, #tpu.memory_space<vmem>> -> memref<1x48x128xf32, #tpu.memory_space<vmem>>
      %dma_start3A_477 = tpu.memref_squeeze %dma_start3A_476 : memref<1x48x128xf32, #tpu.memory_space<vmem>> -> memref<48x128xf32, #tpu.memory_space<vmem>>
      %dma_start3A_478 = tpu.memref_slice %arg6[%mul3A_472] : memref<9984xi32, #tpu.memory_space<vmem>> -> memref<48xi32, #tpu.memory_space<vmem>>
      %dma_start3A_479 = arith.constant 0 : i32
      %dma_start3A_480 = arith.constant 0 : i32
      %dma_start3A_481 = tpu.memref_slice %arg2[%dma_start3A_479, %dma_start3A_480] : memref<10000x128xf32, #tpu.memory_space<hbm>> -> memref<10000x128xf32, #tpu.memory_space<hbm>>
      tpu.enqueue_indirect_dma source(%dma_start3A_481 : memref<10000x128xf32, #tpu.memory_space<hbm>>) target(%dma_start3A_477 : memref<48x128xf32, #tpu.memory_space<vmem>>) offsets(%dma_start3A_478 : memref<48xi32, #tpu.memory_space<vmem>>) semaphore(%arg13 : memref<!tpu.dma_semaphore, #tpu.memory_space<semaphore_mem>>)
      %dma_wait3A_482 = arith.constant 1 : i32
      %dma_wait3A_483 = arith.constant 0 : i32
      %dma_wait3A_484 = arith.constant 0 : i32
      %dma_wait3A_485 = tpu.memref_slice %arg10[%dma_wait3A_482, %dma_wait3A_483, %dma_wait3A_484] : memref<4x48x128xf32, #tpu.memory_space<vmem>> -> memref<1x48x128xf32, #tpu.memory_space<vmem>>
      %dma_wait3A_486 = tpu.memref_squeeze %dma_wait3A_485 : memref<1x48x128xf32, #tpu.memory_space<vmem>> -> memref<48x128xf32, #tpu.memory_space<vmem>>
      %dma_wait3A_487 = arith.constant 0 : i32
      %dma_wait3A_488 = arith.constant 0 : i32
      %dma_wait3A_489 = tpu.memref_slice %arg2[%dma_wait3A_487, %dma_wait3A_488] : memref<10000x128xf32, #tpu.memory_space<hbm>> -> memref<48x128xf32, #tpu.memory_space<hbm>>
      %dma_wait3A_490 = arith.constant 0 : i32
      %dma_wait3A_491 = arith.constant 0 : i32
      %dma_wait3A_492 = tpu.memref_slice %arg10[%dma_wait3A_482, %dma_wait3A_490, %dma_wait3A_491] : memref<4x48x128xf32, #tpu.memory_space<vmem>> -> memref<1x48x128xf32, #tpu.memory_space<vmem>>
      %dma_wait3A_493 = tpu.memref_squeeze %dma_wait3A_492 : memref<1x48x128xf32, #tpu.memory_space<vmem>> -> memref<48x128xf32, #tpu.memory_space<vmem>>
      %dma_wait3A_494 = arith.constant 0 : i32
      %dma_wait3A_495 = arith.constant 0 : i32
      %dma_wait3A_496 = tpu.memref_slice %arg2[%dma_wait3A_494, %dma_wait3A_495] : memref<10000x128xf32, #tpu.memory_space<hbm>> -> memref<48x128xf32, #tpu.memory_space<hbm>>
      tpu.wait_dma2 semaphore(%arg13 : memref<!tpu.dma_semaphore, #tpu.memory_space<semaphore_mem>>) src(%dma_wait3A_496 : memref<48x128xf32, #tpu.memory_space<hbm>>) dst(%dma_wait3A_493 : memref<48x128xf32, #tpu.memory_space<vmem>>)
      %mul3A_497 = arith.constant 48 : i32
      %mul3A_498 = arith.muli %add3A_453, %mul3A_497 : i32
      %dma_start3A_499 = arith.constant 1 : i32
      %dma_start3A_500 = arith.constant 0 : i32
      %dma_start3A_501 = arith.constant 0 : i32
      %dma_start3A_502 = tpu.memref_slice %arg10[%dma_start3A_499, %dma_start3A_500, %dma_start3A_501] : memref<4x48x128xf32, #tpu.memory_space<vmem>> -> memref<1x48x128xf32, #tpu.memory_space<vmem>>
      %dma_start3A_503 = tpu.memref_squeeze %dma_start3A_502 : memref<1x48x128xf32, #tpu.memory_space<vmem>> -> memref<48x128xf32, #tpu.memory_space<vmem>>
      %dma_start3A_504 = tpu.memref_slice %arg7[%mul3A_498] : memref<9984xi32, #tpu.memory_space<vmem>> -> memref<48xi32, #tpu.memory_space<vmem>>
      %dma_start3A_505 = arith.constant 0 : i32
      %dma_start3A_506 = arith.constant 0 : i32
      %dma_start3A_507 = tpu.memref_slice %arg11[%dma_start3A_505, %dma_start3A_506] : memref<10000x128xf32, #tpu.memory_space<vmem_shared>> -> memref<10000x128xf32, #tpu.memory_space<vmem_shared>>
      tpu.enqueue_indirect_dma source(%dma_start3A_503 : memref<48x128xf32, #tpu.memory_space<vmem>>) target(%dma_start3A_507 : memref<10000x128xf32, #tpu.memory_space<vmem_shared>>) offsets(%dma_start3A_504 : memref<48xi32, #tpu.memory_space<vmem>>) semaphore(%arg14 : memref<!tpu.dma_semaphore, #tpu.memory_space<semaphore_mem>>) {add = true}
    }
    %scan3A_157 = arith.constant 51 : i32
    %dma_wait3A_158 = arith.constant 0 : i32
    %dma_wait3A_159 = arith.constant 0 : i32
    %dma_wait3A_160 = arith.constant 0 : i32
    %dma_wait3A_161 = tpu.memref_slice %arg10[%dma_wait3A_158, %dma_wait3A_159, %dma_wait3A_160] : memref<4x48x128xf32, #tpu.memory_space<vmem>> -> memref<1x48x128xf32, #tpu.memory_space<vmem>>
    %dma_wait3A_162 = tpu.memref_squeeze %dma_wait3A_161 : memref<1x48x128xf32, #tpu.memory_space<vmem>> -> memref<48x128xf32, #tpu.memory_space<vmem>>
    %dma_wait3A_163 = arith.constant 0 : i32
    %dma_wait3A_164 = arith.constant 0 : i32
    %dma_wait3A_165 = tpu.memref_slice %arg2[%dma_wait3A_163, %dma_wait3A_164] : memref<10000x128xf32, #tpu.memory_space<hbm>> -> memref<48x128xf32, #tpu.memory_space<hbm>>
    %dma_wait3A_166 = arith.constant 0 : i32
    %dma_wait3A_167 = arith.constant 0 : i32
    %dma_wait3A_168 = tpu.memref_slice %arg10[%dma_wait3A_158, %dma_wait3A_166, %dma_wait3A_167] : memref<4x48x128xf32, #tpu.memory_space<vmem>> -> memref<1x48x128xf32, #tpu.memory_space<vmem>>
    %dma_wait3A_169 = tpu.memref_squeeze %dma_wait3A_168 : memref<1x48x128xf32, #tpu.memory_space<vmem>> -> memref<48x128xf32, #tpu.memory_space<vmem>>
    %dma_wait3A_170 = arith.constant 0 : i32
    %dma_wait3A_171 = arith.constant 0 : i32
    %dma_wait3A_172 = tpu.memref_slice %arg2[%dma_wait3A_170, %dma_wait3A_171] : memref<10000x128xf32, #tpu.memory_space<hbm>> -> memref<48x128xf32, #tpu.memory_space<hbm>>
    tpu.wait_dma2 semaphore(%arg14 : memref<!tpu.dma_semaphore, #tpu.memory_space<semaphore_mem>>) src(%dma_wait3A_172 : memref<48x128xf32, #tpu.memory_space<hbm>>) dst(%dma_wait3A_169 : memref<48x128xf32, #tpu.memory_space<vmem>>)
    %dma_wait3A_173 = arith.constant 2 : i32
    %dma_wait3A_174 = arith.constant 0 : i32
    %dma_wait3A_175 = arith.constant 0 : i32
    %dma_wait3A_176 = tpu.memref_slice %arg10[%dma_wait3A_173, %dma_wait3A_174, %dma_wait3A_175] : memref<4x48x128xf32, #tpu.memory_space<vmem>> -> memref<1x48x128xf32, #tpu.memory_space<vmem>>
    %dma_wait3A_177 = tpu.memref_squeeze %dma_wait3A_176 : memref<1x48x128xf32, #tpu.memory_space<vmem>> -> memref<48x128xf32, #tpu.memory_space<vmem>>
    %dma_wait3A_178 = arith.constant 0 : i32
    %dma_wait3A_179 = arith.constant 0 : i32
    %dma_wait3A_180 = tpu.memref_slice %arg2[%dma_wait3A_178, %dma_wait3A_179] : memref<10000x128xf32, #tpu.memory_space<hbm>> -> memref<48x128xf32, #tpu.memory_space<hbm>>
    %dma_wait3A_181 = arith.constant 0 : i32
    %dma_wait3A_182 = arith.constant 0 : i32
    %dma_wait3A_183 = tpu.memref_slice %arg10[%dma_wait3A_173, %dma_wait3A_181, %dma_wait3A_182] : memref<4x48x128xf32, #tpu.memory_space<vmem>> -> memref<1x48x128xf32, #tpu.memory_space<vmem>>
    %dma_wait3A_184 = tpu.memref_squeeze %dma_wait3A_183 : memref<1x48x128xf32, #tpu.memory_space<vmem>> -> memref<48x128xf32, #tpu.memory_space<vmem>>
    %dma_wait3A_185 = arith.constant 0 : i32
    %dma_wait3A_186 = arith.constant 0 : i32
    %dma_wait3A_187 = tpu.memref_slice %arg2[%dma_wait3A_185, %dma_wait3A_186] : memref<10000x128xf32, #tpu.memory_space<hbm>> -> memref<48x128xf32, #tpu.memory_space<hbm>>
    tpu.wait_dma2 semaphore(%arg13 : memref<!tpu.dma_semaphore, #tpu.memory_space<semaphore_mem>>) src(%dma_wait3A_187 : memref<48x128xf32, #tpu.memory_space<hbm>>) dst(%dma_wait3A_184 : memref<48x128xf32, #tpu.memory_space<vmem>>)
    %dma_start3A_188 = arith.constant 2 : i32
    %dma_start3A_189 = arith.constant 0 : i32
    %dma_start3A_190 = arith.constant 0 : i32
    %dma_start3A_191 = tpu.memref_slice %arg10[%dma_start3A_188, %dma_start3A_189, %dma_start3A_190] : memref<4x48x128xf32, #tpu.memory_space<vmem>> -> memref<1x48x128xf32, #tpu.memory_space<vmem>>
    %dma_start3A_192 = tpu.memref_squeeze %dma_start3A_191 : memref<1x48x128xf32, #tpu.memory_space<vmem>> -> memref<48x128xf32, #tpu.memory_space<vmem>>
    %dma_start3A_193 = arith.constant 9888 : i32
    %dma_start3A_194 = tpu.memref_slice %arg7[%dma_start3A_193] : memref<9984xi32, #tpu.memory_space<vmem>> -> memref<48xi32, #tpu.memory_space<vmem>>
    %dma_start3A_195 = arith.constant 0 : i32
    %dma_start3A_196 = arith.constant 0 : i32
    %dma_start3A_197 = tpu.memref_slice %arg11[%dma_start3A_195, %dma_start3A_196] : memref<10000x128xf32, #tpu.memory_space<vmem_shared>> -> memref<10000x128xf32, #tpu.memory_space<vmem_shared>>
    tpu.enqueue_indirect_dma source(%dma_start3A_192 : memref<48x128xf32, #tpu.memory_space<vmem>>) target(%dma_start3A_197 : memref<10000x128xf32, #tpu.memory_space<vmem_shared>>) offsets(%dma_start3A_194 : memref<48xi32, #tpu.memory_space<vmem>>) semaphore(%arg14 : memref<!tpu.dma_semaphore, #tpu.memory_space<semaphore_mem>>) {add = true}
    %dma_wait3A_198 = arith.constant 1 : i32
    %dma_wait3A_199 = arith.constant 0 : i32
    %dma_wait3A_200 = arith.constant 0 : i32
    %dma_wait3A_201 = tpu.memref_slice %arg10[%dma_wait3A_198, %dma_wait3A_199, %dma_wait3A_200] : memref<4x48x128xf32, #tpu.memory_space<vmem>> -> memref<1x48x128xf32, #tpu.memory_space<vmem>>
    %dma_wait3A_202 = tpu.memref_squeeze %dma_wait3A_201 : memref<1x48x128xf32, #tpu.memory_space<vmem>> -> memref<48x128xf32, #tpu.memory_space<vmem>>
    %dma_wait3A_203 = arith.constant 0 : i32
    %dma_wait3A_204 = arith.constant 0 : i32
    %dma_wait3A_205 = tpu.memref_slice %arg2[%dma_wait3A_203, %dma_wait3A_204] : memref<10000x128xf32, #tpu.memory_space<hbm>> -> memref<48x128xf32, #tpu.memory_space<hbm>>
    %dma_wait3A_206 = arith.constant 0 : i32
    %dma_wait3A_207 = arith.constant 0 : i32
    %dma_wait3A_208 = tpu.memref_slice %arg10[%dma_wait3A_198, %dma_wait3A_206, %dma_wait3A_207] : memref<4x48x128xf32, #tpu.memory_space<vmem>> -> memref<1x48x128xf32, #tpu.memory_space<vmem>>
    %dma_wait3A_209 = tpu.memref_squeeze %dma_wait3A_208 : memref<1x48x128xf32, #tpu.memory_space<vmem>> -> memref<48x128xf32, #tpu.memory_space<vmem>>
    %dma_wait3A_210 = arith.constant 0 : i32
    %dma_wait3A_211 = arith.constant 0 : i32
    %dma_wait3A_212 = tpu.memref_slice %arg2[%dma_wait3A_210, %dma_wait3A_211] : memref<10000x128xf32, #tpu.memory_space<hbm>> -> memref<48x128xf32, #tpu.memory_space<hbm>>
    tpu.wait_dma2 semaphore(%arg14 : memref<!tpu.dma_semaphore, #tpu.memory_space<semaphore_mem>>) src(%dma_wait3A_212 : memref<48x128xf32, #tpu.memory_space<hbm>>) dst(%dma_wait3A_209 : memref<48x128xf32, #tpu.memory_space<vmem>>)
    %dma_wait3A_213 = arith.constant 3 : i32
    %dma_wait3A_214 = arith.constant 0 : i32
    %dma_wait3A_215 = arith.constant 0 : i32
    %dma_wait3A_216 = tpu.memref_slice %arg10[%dma_wait3A_213, %dma_wait3A_214, %dma_wait3A_215] : memref<4x48x128xf32, #tpu.memory_space<vmem>> -> memref<1x48x128xf32, #tpu.memory_space<vmem>>
    %dma_wait3A_217 = tpu.memref_squeeze %dma_wait3A_216 : memref<1x48x128xf32, #tpu.memory_space<vmem>> -> memref<48x128xf32, #tpu.memory_space<vmem>>
    %dma_wait3A_218 = arith.constant 0 : i32
    %dma_wait3A_219 = arith.constant 0 : i32
    %dma_wait3A_220 = tpu.memref_slice %arg2[%dma_wait3A_218, %dma_wait3A_219] : memref<10000x128xf32, #tpu.memory_space<hbm>> -> memref<48x128xf32, #tpu.memory_space<hbm>>
    %dma_wait3A_221 = arith.constant 0 : i32
    %dma_wait3A_222 = arith.constant 0 : i32
    %dma_wait3A_223 = tpu.memref_slice %arg10[%dma_wait3A_213, %dma_wait3A_221, %dma_wait3A_222] : memref<4x48x128xf32, #tpu.memory_space<vmem>> -> memref<1x48x128xf32, #tpu.memory_space<vmem>>
    %dma_wait3A_224 = tpu.memref_squeeze %dma_wait3A_223 : memref<1x48x128xf32, #tpu.memory_space<vmem>> -> memref<48x128xf32, #tpu.memory_space<vmem>>
    %dma_wait3A_225 = arith.constant 0 : i32
    %dma_wait3A_226 = arith.constant 0 : i32
    %dma_wait3A_227 = tpu.memref_slice %arg2[%dma_wait3A_225, %dma_wait3A_226] : memref<10000x128xf32, #tpu.memory_space<hbm>> -> memref<48x128xf32, #tpu.memory_space<hbm>>
    tpu.wait_dma2 semaphore(%arg13 : memref<!tpu.dma_semaphore, #tpu.memory_space<semaphore_mem>>) src(%dma_wait3A_227 : memref<48x128xf32, #tpu.memory_space<hbm>>) dst(%dma_wait3A_224 : memref<48x128xf32, #tpu.memory_space<vmem>>)
    %dma_start3A_228 = arith.constant 3 : i32
    %dma_start3A_229 = arith.constant 0 : i32
    %dma_start3A_230 = arith.constant 0 : i32
    %dma_start3A_231 = tpu.memref_slice %arg10[%dma_start3A_228, %dma_start3A_229, %dma_start3A_230] : memref<4x48x128xf32, #tpu.memory_space<vmem>> -> memref<1x48x128xf32, #tpu.memory_space<vmem>>
    %dma_start3A_232 = tpu.memref_squeeze %dma_start3A_231 : memref<1x48x128xf32, #tpu.memory_space<vmem>> -> memref<48x128xf32, #tpu.memory_space<vmem>>
    %dma_start3A_233 = arith.constant 9936 : i32
    %dma_start3A_234 = tpu.memref_slice %arg7[%dma_start3A_233] : memref<9984xi32, #tpu.memory_space<vmem>> -> memref<48xi32, #tpu.memory_space<vmem>>
    %dma_start3A_235 = arith.constant 0 : i32
    %dma_start3A_236 = arith.constant 0 : i32
    %dma_start3A_237 = tpu.memref_slice %arg11[%dma_start3A_235, %dma_start3A_236] : memref<10000x128xf32, #tpu.memory_space<vmem_shared>> -> memref<10000x128xf32, #tpu.memory_space<vmem_shared>>
    tpu.enqueue_indirect_dma source(%dma_start3A_232 : memref<48x128xf32, #tpu.memory_space<vmem>>) target(%dma_start3A_237 : memref<10000x128xf32, #tpu.memory_space<vmem_shared>>) offsets(%dma_start3A_234 : memref<48xi32, #tpu.memory_space<vmem>>) semaphore(%arg14 : memref<!tpu.dma_semaphore, #tpu.memory_space<semaphore_mem>>) {add = true}
    %dma_wait3A_238 = arith.constant 2 : i32
    %dma_wait3A_239 = arith.constant 0 : i32
    %dma_wait3A_240 = arith.constant 0 : i32
    %dma_wait3A_241 = tpu.memref_slice %arg10[%dma_wait3A_238, %dma_wait3A_239, %dma_wait3A_240] : memref<4x48x128xf32, #tpu.memory_space<vmem>> -> memref<1x48x128xf32, #tpu.memory_space<vmem>>
    %dma_wait3A_242 = tpu.memref_squeeze %dma_wait3A_241 : memref<1x48x128xf32, #tpu.memory_space<vmem>> -> memref<48x128xf32, #tpu.memory_space<vmem>>
    %dma_wait3A_243 = arith.constant 0 : i32
    %dma_wait3A_244 = arith.constant 0 : i32
    %dma_wait3A_245 = tpu.memref_slice %arg2[%dma_wait3A_243, %dma_wait3A_244] : memref<10000x128xf32, #tpu.memory_space<hbm>> -> memref<48x128xf32, #tpu.memory_space<hbm>>
    %dma_wait3A_246 = arith.constant 0 : i32
    %dma_wait3A_247 = arith.constant 0 : i32
    %dma_wait3A_248 = tpu.memref_slice %arg10[%dma_wait3A_238, %dma_wait3A_246, %dma_wait3A_247] : memref<4x48x128xf32, #tpu.memory_space<vmem>> -> memref<1x48x128xf32, #tpu.memory_space<vmem>>
    %dma_wait3A_249 = tpu.memref_squeeze %dma_wait3A_248 : memref<1x48x128xf32, #tpu.memory_space<vmem>> -> memref<48x128xf32, #tpu.memory_space<vmem>>
    %dma_wait3A_250 = arith.constant 0 : i32
    %dma_wait3A_251 = arith.constant 0 : i32
    %dma_wait3A_252 = tpu.memref_slice %arg2[%dma_wait3A_250, %dma_wait3A_251] : memref<10000x128xf32, #tpu.memory_space<hbm>> -> memref<48x128xf32, #tpu.memory_space<hbm>>
    tpu.wait_dma2 semaphore(%arg14 : memref<!tpu.dma_semaphore, #tpu.memory_space<semaphore_mem>>) src(%dma_wait3A_252 : memref<48x128xf32, #tpu.memory_space<hbm>>) dst(%dma_wait3A_249 : memref<48x128xf32, #tpu.memory_space<vmem>>)
    %dma_wait3A_253 = arith.constant 3 : i32
    %dma_wait3A_254 = arith.constant 0 : i32
    %dma_wait3A_255 = arith.constant 0 : i32
    %dma_wait3A_256 = tpu.memref_slice %arg10[%dma_wait3A_253, %dma_wait3A_254, %dma_wait3A_255] : memref<4x48x128xf32, #tpu.memory_space<vmem>> -> memref<1x48x128xf32, #tpu.memory_space<vmem>>
    %dma_wait3A_257 = tpu.memref_squeeze %dma_wait3A_256 : memref<1x48x128xf32, #tpu.memory_space<vmem>> -> memref<48x128xf32, #tpu.memory_space<vmem>>
    %dma_wait3A_258 = arith.constant 0 : i32
    %dma_wait3A_259 = arith.constant 0 : i32
    %dma_wait3A_260 = tpu.memref_slice %arg2[%dma_wait3A_258, %dma_wait3A_259] : memref<10000x128xf32, #tpu.memory_space<hbm>> -> memref<48x128xf32, #tpu.memory_space<hbm>>
    %dma_wait3A_261 = arith.constant 0 : i32
    %dma_wait3A_262 = arith.constant 0 : i32
    %dma_wait3A_263 = tpu.memref_slice %arg10[%dma_wait3A_253, %dma_wait3A_261, %dma_wait3A_262] : memref<4x48x128xf32, #tpu.memory_space<vmem>> -> memref<1x48x128xf32, #tpu.memory_space<vmem>>
    %dma_wait3A_264 = tpu.memref_squeeze %dma_wait3A_263 : memref<1x48x128xf32, #tpu.memory_space<vmem>> -> memref<48x128xf32, #tpu.memory_space<vmem>>
    %dma_wait3A_265 = arith.constant 0 : i32
    %dma_wait3A_266 = arith.constant 0 : i32
    %dma_wait3A_267 = tpu.memref_slice %arg2[%dma_wait3A_265, %dma_wait3A_266] : memref<10000x128xf32, #tpu.memory_space<hbm>> -> memref<48x128xf32, #tpu.memory_space<hbm>>
    tpu.wait_dma2 semaphore(%arg14 : memref<!tpu.dma_semaphore, #tpu.memory_space<semaphore_mem>>) src(%dma_wait3A_267 : memref<48x128xf32, #tpu.memory_space<hbm>>) dst(%dma_wait3A_264 : memref<48x128xf32, #tpu.memory_space<vmem>>)
    %lt3A_268 = arith.constant 4 : i32
    %lt3A_269 = arith.cmpi slt, %add3A, %lt3A_268 : i32
    %convert_element_type3A_270 = arith.extui %lt3A_269 : i1 to i32
    %cond3A_271 = arith.constant 0 : i32
    %cond3A_272 = arith.cmpi ne, %convert_element_type3A_270, %cond3A_271 : i32
    scf.if %cond3A_272 {
      %dma_start3A_279 = arith.constant 0 : i32
      %dma_start3A_280 = arith.constant 0 : i32
      %dma_start3A_281 = arith.constant 0 : i32
      %dma_start3A_282 = tpu.memref_slice %arg10[%dma_start3A_279, %dma_start3A_280, %dma_start3A_281] : memref<4x48x128xf32, #tpu.memory_space<vmem>> -> memref<1x48x128xf32, #tpu.memory_space<vmem>>
      %dma_start3A_283 = tpu.memref_squeeze %dma_start3A_282 : memref<1x48x128xf32, #tpu.memory_space<vmem>> -> memref<48x128xf32, #tpu.memory_space<vmem>>
      %dma_start3A_284 = arith.constant 0 : i32
      %dma_start3A_285 = arith.constant 0 : i32
      %dma_start3A_286 = tpu.memref_slice %dma_start3A_283[%dma_start3A_284, %dma_start3A_285] : memref<48x128xf32, #tpu.memory_space<vmem>> -> memref<32x128xf32, #tpu.memory_space<vmem>>
      %dma_start3A_287 = arith.constant 0 : i32
      %dma_start3A_288 = tpu.memref_slice %arg8[%dma_start3A_287] : memref<128xi32, #tpu.memory_space<vmem>> -> memref<32xi32, #tpu.memory_space<vmem>>
      %dma_start3A_289 = arith.constant 0 : i32
      %dma_start3A_290 = arith.constant 0 : i32
      %dma_start3A_291 = tpu.memref_slice %arg2[%dma_start3A_289, %dma_start3A_290] : memref<10000x128xf32, #tpu.memory_space<hbm>> -> memref<10000x128xf32, #tpu.memory_space<hbm>>
      tpu.enqueue_indirect_dma source(%dma_start3A_291 : memref<10000x128xf32, #tpu.memory_space<hbm>>) target(%dma_start3A_286 : memref<32x128xf32, #tpu.memory_space<vmem>>) offsets(%dma_start3A_288 : memref<32xi32, #tpu.memory_space<vmem>>) semaphore(%arg13 : memref<!tpu.dma_semaphore, #tpu.memory_space<semaphore_mem>>)
      %dma_start3A_292 = arith.constant 1 : i32
      %dma_start3A_293 = arith.constant 0 : i32
      %dma_start3A_294 = arith.constant 0 : i32
      %dma_start3A_295 = tpu.memref_slice %arg10[%dma_start3A_292, %dma_start3A_293, %dma_start3A_294] : memref<4x48x128xf32, #tpu.memory_space<vmem>> -> memref<1x48x128xf32, #tpu.memory_space<vmem>>
      %dma_start3A_296 = tpu.memref_squeeze %dma_start3A_295 : memref<1x48x128xf32, #tpu.memory_space<vmem>> -> memref<48x128xf32, #tpu.memory_space<vmem>>
      %dma_start3A_297 = arith.constant 0 : i32
      %dma_start3A_298 = arith.constant 0 : i32
      %dma_start3A_299 = tpu.memref_slice %dma_start3A_296[%dma_start3A_297, %dma_start3A_298] : memref<48x128xf32, #tpu.memory_space<vmem>> -> memref<32x128xf32, #tpu.memory_space<vmem>>
      %dma_start3A_300 = arith.constant 32 : i32
      %dma_start3A_301 = tpu.memref_slice %arg8[%dma_start3A_300] : memref<128xi32, #tpu.memory_space<vmem>> -> memref<32xi32, #tpu.memory_space<vmem>>
      %dma_start3A_302 = arith.constant 0 : i32
      %dma_start3A_303 = arith.constant 0 : i32
      %dma_start3A_304 = tpu.memref_slice %arg2[%dma_start3A_302, %dma_start3A_303] : memref<10000x128xf32, #tpu.memory_space<hbm>> -> memref<10000x128xf32, #tpu.memory_space<hbm>>
      tpu.enqueue_indirect_dma source(%dma_start3A_304 : memref<10000x128xf32, #tpu.memory_space<hbm>>) target(%dma_start3A_299 : memref<32x128xf32, #tpu.memory_space<vmem>>) offsets(%dma_start3A_301 : memref<32xi32, #tpu.memory_space<vmem>>) semaphore(%arg13 : memref<!tpu.dma_semaphore, #tpu.memory_space<semaphore_mem>>)
      %dma_start3A_305 = arith.constant 2 : i32
      %dma_start3A_306 = arith.constant 0 : i32
      %dma_start3A_307 = arith.constant 0 : i32
      %dma_start3A_308 = tpu.memref_slice %arg10[%dma_start3A_305, %dma_start3A_306, %dma_start3A_307] : memref<4x48x128xf32, #tpu.memory_space<vmem>> -> memref<1x48x128xf32, #tpu.memory_space<vmem>>
      %dma_start3A_309 = tpu.memref_squeeze %dma_start3A_308 : memref<1x48x128xf32, #tpu.memory_space<vmem>> -> memref<48x128xf32, #tpu.memory_space<vmem>>
      %dma_start3A_310 = arith.constant 0 : i32
      %dma_start3A_311 = arith.constant 0 : i32
      %dma_start3A_312 = tpu.memref_slice %dma_start3A_309[%dma_start3A_310, %dma_start3A_311] : memref<48x128xf32, #tpu.memory_space<vmem>> -> memref<32x128xf32, #tpu.memory_space<vmem>>
      %dma_start3A_313 = arith.constant 64 : i32
      %dma_start3A_314 = tpu.memref_slice %arg8[%dma_start3A_313] : memref<128xi32, #tpu.memory_space<vmem>> -> memref<32xi32, #tpu.memory_space<vmem>>
      %dma_start3A_315 = arith.constant 0 : i32
      %dma_start3A_316 = arith.constant 0 : i32
      %dma_start3A_317 = tpu.memref_slice %arg2[%dma_start3A_315, %dma_start3A_316] : memref<10000x128xf32, #tpu.memory_space<hbm>> -> memref<10000x128xf32, #tpu.memory_space<hbm>>
      tpu.enqueue_indirect_dma source(%dma_start3A_317 : memref<10000x128xf32, #tpu.memory_space<hbm>>) target(%dma_start3A_312 : memref<32x128xf32, #tpu.memory_space<vmem>>) offsets(%dma_start3A_314 : memref<32xi32, #tpu.memory_space<vmem>>) semaphore(%arg13 : memref<!tpu.dma_semaphore, #tpu.memory_space<semaphore_mem>>)
      %dma_start3A_318 = arith.constant 3 : i32
      %dma_start3A_319 = arith.constant 0 : i32
      %dma_start3A_320 = arith.constant 0 : i32
      %dma_start3A_321 = tpu.memref_slice %arg10[%dma_start3A_318, %dma_start3A_319, %dma_start3A_320] : memref<4x48x128xf32, #tpu.memory_space<vmem>> -> memref<1x48x128xf32, #tpu.memory_space<vmem>>
      %dma_start3A_322 = tpu.memref_squeeze %dma_start3A_321 : memref<1x48x128xf32, #tpu.memory_space<vmem>> -> memref<48x128xf32, #tpu.memory_space<vmem>>
      %dma_start3A_323 = arith.constant 0 : i32
      %dma_start3A_324 = arith.constant 0 : i32
      %dma_start3A_325 = tpu.memref_slice %dma_start3A_322[%dma_start3A_323, %dma_start3A_324] : memref<48x128xf32, #tpu.memory_space<vmem>> -> memref<32x128xf32, #tpu.memory_space<vmem>>
      %dma_start3A_326 = arith.constant 96 : i32
      %dma_start3A_327 = tpu.memref_slice %arg8[%dma_start3A_326] : memref<128xi32, #tpu.memory_space<vmem>> -> memref<32xi32, #tpu.memory_space<vmem>>
      %dma_start3A_328 = arith.constant 0 : i32
      %dma_start3A_329 = arith.constant 0 : i32
      %dma_start3A_330 = tpu.memref_slice %arg2[%dma_start3A_328, %dma_start3A_329] : memref<10000x128xf32, #tpu.memory_space<hbm>> -> memref<10000x128xf32, #tpu.memory_space<hbm>>
      tpu.enqueue_indirect_dma source(%dma_start3A_330 : memref<10000x128xf32, #tpu.memory_space<hbm>>) target(%dma_start3A_325 : memref<32x128xf32, #tpu.memory_space<vmem>>) offsets(%dma_start3A_327 : memref<32xi32, #tpu.memory_space<vmem>>) semaphore(%arg13 : memref<!tpu.dma_semaphore, #tpu.memory_space<semaphore_mem>>)
      %dma_wait3A_331 = arith.constant 0 : i32
      %dma_wait3A_332 = arith.constant 0 : i32
      %dma_wait3A_333 = arith.constant 0 : i32
      %dma_wait3A_334 = tpu.memref_slice %arg10[%dma_wait3A_331, %dma_wait3A_332, %dma_wait3A_333] : memref<4x48x128xf32, #tpu.memory_space<vmem>> -> memref<1x48x128xf32, #tpu.memory_space<vmem>>
      %dma_wait3A_335 = tpu.memref_squeeze %dma_wait3A_334 : memref<1x48x128xf32, #tpu.memory_space<vmem>> -> memref<48x128xf32, #tpu.memory_space<vmem>>
      %dma_wait3A_336 = arith.constant 0 : i32
      %dma_wait3A_337 = arith.constant 0 : i32
      %dma_wait3A_338 = tpu.memref_slice %dma_wait3A_335[%dma_wait3A_336, %dma_wait3A_337] : memref<48x128xf32, #tpu.memory_space<vmem>> -> memref<32x128xf32, #tpu.memory_space<vmem>>
      %dma_wait3A_339 = arith.constant 0 : i32
      %dma_wait3A_340 = arith.constant 0 : i32
      %dma_wait3A_341 = tpu.memref_slice %arg2[%dma_wait3A_339, %dma_wait3A_340] : memref<10000x128xf32, #tpu.memory_space<hbm>> -> memref<32x128xf32, #tpu.memory_space<hbm>>
      %dma_wait3A_342 = arith.constant 0 : i32
      %dma_wait3A_343 = arith.constant 0 : i32
      %dma_wait3A_344 = tpu.memref_slice %arg10[%dma_wait3A_331, %dma_wait3A_342, %dma_wait3A_343] : memref<4x48x128xf32, #tpu.memory_space<vmem>> -> memref<1x48x128xf32, #tpu.memory_space<vmem>>
      %dma_wait3A_345 = tpu.memref_squeeze %dma_wait3A_344 : memref<1x48x128xf32, #tpu.memory_space<vmem>> -> memref<48x128xf32, #tpu.memory_space<vmem>>
      %dma_wait3A_346 = arith.constant 0 : i32
      %dma_wait3A_347 = arith.constant 0 : i32
      %dma_wait3A_348 = tpu.memref_slice %dma_wait3A_345[%dma_wait3A_346, %dma_wait3A_347] : memref<48x128xf32, #tpu.memory_space<vmem>> -> memref<32x128xf32, #tpu.memory_space<vmem>>
      %dma_wait3A_349 = arith.constant 0 : i32
      %dma_wait3A_350 = arith.constant 0 : i32
      %dma_wait3A_351 = tpu.memref_slice %arg2[%dma_wait3A_349, %dma_wait3A_350] : memref<10000x128xf32, #tpu.memory_space<hbm>> -> memref<32x128xf32, #tpu.memory_space<hbm>>
      tpu.wait_dma2 semaphore(%arg13 : memref<!tpu.dma_semaphore, #tpu.memory_space<semaphore_mem>>) src(%dma_wait3A_351 : memref<32x128xf32, #tpu.memory_space<hbm>>) dst(%dma_wait3A_348 : memref<32x128xf32, #tpu.memory_space<vmem>>)
      %dma_start3A_352 = arith.constant 0 : i32
      %dma_start3A_353 = arith.constant 0 : i32
      %dma_start3A_354 = arith.constant 0 : i32
      %dma_start3A_355 = tpu.memref_slice %arg10[%dma_start3A_352, %dma_start3A_353, %dma_start3A_354] : memref<4x48x128xf32, #tpu.memory_space<vmem>> -> memref<1x48x128xf32, #tpu.memory_space<vmem>>
      %dma_start3A_356 = tpu.memref_squeeze %dma_start3A_355 : memref<1x48x128xf32, #tpu.memory_space<vmem>> -> memref<48x128xf32, #tpu.memory_space<vmem>>
      %dma_start3A_357 = arith.constant 0 : i32
      %dma_start3A_358 = arith.constant 0 : i32
      %dma_start3A_359 = tpu.memref_slice %dma_start3A_356[%dma_start3A_357, %dma_start3A_358] : memref<48x128xf32, #tpu.memory_space<vmem>> -> memref<32x128xf32, #tpu.memory_space<vmem>>
      %dma_start3A_360 = arith.constant 0 : i32
      %dma_start3A_361 = tpu.memref_slice %arg9[%dma_start3A_360] : memref<128xi32, #tpu.memory_space<vmem>> -> memref<32xi32, #tpu.memory_space<vmem>>
      %dma_start3A_362 = arith.constant 0 : i32
      %dma_start3A_363 = arith.constant 0 : i32
      %dma_start3A_364 = tpu.memref_slice %arg11[%dma_start3A_362, %dma_start3A_363] : memref<10000x128xf32, #tpu.memory_space<vmem_shared>> -> memref<10000x128xf32, #tpu.memory_space<vmem_shared>>
      tpu.enqueue_indirect_dma source(%dma_start3A_359 : memref<32x128xf32, #tpu.memory_space<vmem>>) target(%dma_start3A_364 : memref<10000x128xf32, #tpu.memory_space<vmem_shared>>) offsets(%dma_start3A_361 : memref<32xi32, #tpu.memory_space<vmem>>) semaphore(%arg14 : memref<!tpu.dma_semaphore, #tpu.memory_space<semaphore_mem>>) {add = true}
      %dma_wait3A_365 = arith.constant 1 : i32
      %dma_wait3A_366 = arith.constant 0 : i32
      %dma_wait3A_367 = arith.constant 0 : i32
      %dma_wait3A_368 = tpu.memref_slice %arg10[%dma_wait3A_365, %dma_wait3A_366, %dma_wait3A_367] : memref<4x48x128xf32, #tpu.memory_space<vmem>> -> memref<1x48x128xf32, #tpu.memory_space<vmem>>
      %dma_wait3A_369 = tpu.memref_squeeze %dma_wait3A_368 : memref<1x48x128xf32, #tpu.memory_space<vmem>> -> memref<48x128xf32, #tpu.memory_space<vmem>>
      %dma_wait3A_370 = arith.constant 0 : i32
      %dma_wait3A_371 = arith.constant 0 : i32
      %dma_wait3A_372 = tpu.memref_slice %dma_wait3A_369[%dma_wait3A_370, %dma_wait3A_371] : memref<48x128xf32, #tpu.memory_space<vmem>> -> memref<32x128xf32, #tpu.memory_space<vmem>>
      %dma_wait3A_373 = arith.constant 0 : i32
      %dma_wait3A_374 = arith.constant 0 : i32
      %dma_wait3A_375 = tpu.memref_slice %arg2[%dma_wait3A_373, %dma_wait3A_374] : memref<10000x128xf32, #tpu.memory_space<hbm>> -> memref<32x128xf32, #tpu.memory_space<hbm>>
      %dma_wait3A_376 = arith.constant 0 : i32
      %dma_wait3A_377 = arith.constant 0 : i32
      %dma_wait3A_378 = tpu.memref_slice %arg10[%dma_wait3A_365, %dma_wait3A_376, %dma_wait3A_377] : memref<4x48x128xf32, #tpu.memory_space<vmem>> -> memref<1x48x128xf32, #tpu.memory_space<vmem>>
      %dma_wait3A_379 = tpu.memref_squeeze %dma_wait3A_378 : memref<1x48x128xf32, #tpu.memory_space<vmem>> -> memref<48x128xf32, #tpu.memory_space<vmem>>
      %dma_wait3A_380 = arith.constant 0 : i32
      %dma_wait3A_381 = arith.constant 0 : i32
      %dma_wait3A_382 = tpu.memref_slice %dma_wait3A_379[%dma_wait3A_380, %dma_wait3A_381] : memref<48x128xf32, #tpu.memory_space<vmem>> -> memref<32x128xf32, #tpu.memory_space<vmem>>
      %dma_wait3A_383 = arith.constant 0 : i32
      %dma_wait3A_384 = arith.constant 0 : i32
      %dma_wait3A_385 = tpu.memref_slice %arg2[%dma_wait3A_383, %dma_wait3A_384] : memref<10000x128xf32, #tpu.memory_space<hbm>> -> memref<32x128xf32, #tpu.memory_space<hbm>>
      tpu.wait_dma2 semaphore(%arg13 : memref<!tpu.dma_semaphore, #tpu.memory_space<semaphore_mem>>) src(%dma_wait3A_385 : memref<32x128xf32, #tpu.memory_space<hbm>>) dst(%dma_wait3A_382 : memref<32x128xf32, #tpu.memory_space<vmem>>)
      %dma_start3A_386 = arith.constant 1 : i32
      %dma_start3A_387 = arith.constant 0 : i32
      %dma_start3A_388 = arith.constant 0 : i32
      %dma_start3A_389 = tpu.memref_slice %arg10[%dma_start3A_386, %dma_start3A_387, %dma_start3A_388] : memref<4x48x128xf32, #tpu.memory_space<vmem>> -> memref<1x48x128xf32, #tpu.memory_space<vmem>>
      %dma_start3A_390 = tpu.memref_squeeze %dma_start3A_389 : memref<1x48x128xf32, #tpu.memory_space<vmem>> -> memref<48x128xf32, #tpu.memory_space<vmem>>
      %dma_start3A_391 = arith.constant 0 : i32
      %dma_start3A_392 = arith.constant 0 : i32
      %dma_start3A_393 = tpu.memref_slice %dma_start3A_390[%dma_start3A_391, %dma_start3A_392] : memref<48x128xf32, #tpu.memory_space<vmem>> -> memref<32x128xf32, #tpu.memory_space<vmem>>
      %dma_start3A_394 = arith.constant 32 : i32
      %dma_start3A_395 = tpu.memref_slice %arg9[%dma_start3A_394] : memref<128xi32, #tpu.memory_space<vmem>> -> memref<32xi32, #tpu.memory_space<vmem>>
      %dma_start3A_396 = arith.constant 0 : i32
      %dma_start3A_397 = arith.constant 0 : i32
      %dma_start3A_398 = tpu.memref_slice %arg11[%dma_start3A_396, %dma_start3A_397] : memref<10000x128xf32, #tpu.memory_space<vmem_shared>> -> memref<10000x128xf32, #tpu.memory_space<vmem_shared>>
      tpu.enqueue_indirect_dma source(%dma_start3A_393 : memref<32x128xf32, #tpu.memory_space<vmem>>) target(%dma_start3A_398 : memref<10000x128xf32, #tpu.memory_space<vmem_shared>>) offsets(%dma_start3A_395 : memref<32xi32, #tpu.memory_space<vmem>>) semaphore(%arg14 : memref<!tpu.dma_semaphore, #tpu.memory_space<semaphore_mem>>) {add = true}
      %dma_wait3A_399 = arith.constant 2 : i32
      %dma_wait3A_400 = arith.constant 0 : i32
      %dma_wait3A_401 = arith.constant 0 : i32
      %dma_wait3A_402 = tpu.memref_slice %arg10[%dma_wait3A_399, %dma_wait3A_400, %dma_wait3A_401] : memref<4x48x128xf32, #tpu.memory_space<vmem>> -> memref<1x48x128xf32, #tpu.memory_space<vmem>>
      %dma_wait3A_403 = tpu.memref_squeeze %dma_wait3A_402 : memref<1x48x128xf32, #tpu.memory_space<vmem>> -> memref<48x128xf32, #tpu.memory_space<vmem>>
      %dma_wait3A_404 = arith.constant 0 : i32
      %dma_wait3A_405 = arith.constant 0 : i32
      %dma_wait3A_406 = tpu.memref_slice %dma_wait3A_403[%dma_wait3A_404, %dma_wait3A_405] : memref<48x128xf32, #tpu.memory_space<vmem>> -> memref<32x128xf32, #tpu.memory_space<vmem>>
      %dma_wait3A_407 = arith.constant 0 : i32
      %dma_wait3A_408 = arith.constant 0 : i32
      %dma_wait3A_409 = tpu.memref_slice %arg2[%dma_wait3A_407, %dma_wait3A_408] : memref<10000x128xf32, #tpu.memory_space<hbm>> -> memref<32x128xf32, #tpu.memory_space<hbm>>
      %dma_wait3A_410 = arith.constant 0 : i32
      %dma_wait3A_411 = arith.constant 0 : i32
      %dma_wait3A_412 = tpu.memref_slice %arg10[%dma_wait3A_399, %dma_wait3A_410, %dma_wait3A_411] : memref<4x48x128xf32, #tpu.memory_space<vmem>> -> memref<1x48x128xf32, #tpu.memory_space<vmem>>
      %dma_wait3A_413 = tpu.memref_squeeze %dma_wait3A_412 : memref<1x48x128xf32, #tpu.memory_space<vmem>> -> memref<48x128xf32, #tpu.memory_space<vmem>>
      %dma_wait3A_414 = arith.constant 0 : i32
      %dma_wait3A_415 = arith.constant 0 : i32
      %dma_wait3A_416 = tpu.memref_slice %dma_wait3A_413[%dma_wait3A_414, %dma_wait3A_415] : memref<48x128xf32, #tpu.memory_space<vmem>> -> memref<32x128xf32, #tpu.memory_space<vmem>>
      %dma_wait3A_417 = arith.constant 0 : i32
      %dma_wait3A_418 = arith.constant 0 : i32
      %dma_wait3A_419 = tpu.memref_slice %arg2[%dma_wait3A_417, %dma_wait3A_418] : memref<10000x128xf32, #tpu.memory_space<hbm>> -> memref<32x128xf32, #tpu.memory_space<hbm>>
      tpu.wait_dma2 semaphore(%arg13 : memref<!tpu.dma_semaphore, #tpu.memory_space<semaphore_mem>>) src(%dma_wait3A_419 : memref<32x128xf32, #tpu.memory_space<hbm>>) dst(%dma_wait3A_416 : memref<32x128xf32, #tpu.memory_space<vmem>>)
      %dma_start3A_420 = arith.constant 2 : i32
      %dma_start3A_421 = arith.constant 0 : i32
      %dma_start3A_422 = arith.constant 0 : i32
      %dma_start3A_423 = tpu.memref_slice %arg10[%dma_start3A_420, %dma_start3A_421, %dma_start3A_422] : memref<4x48x128xf32, #tpu.memory_space<vmem>> -> memref<1x48x128xf32, #tpu.memory_space<vmem>>
      %dma_start3A_424 = tpu.memref_squeeze %dma_start3A_423 : memref<1x48x128xf32, #tpu.memory_space<vmem>> -> memref<48x128xf32, #tpu.memory_space<vmem>>
      %dma_start3A_425 = arith.constant 0 : i32
      %dma_start3A_426 = arith.constant 0 : i32
      %dma_start3A_427 = tpu.memref_slice %dma_start3A_424[%dma_start3A_425, %dma_start3A_426] : memref<48x128xf32, #tpu.memory_space<vmem>> -> memref<32x128xf32, #tpu.memory_space<vmem>>
      %dma_start3A_428 = arith.constant 64 : i32
      %dma_start3A_429 = tpu.memref_slice %arg9[%dma_start3A_428] : memref<128xi32, #tpu.memory_space<vmem>> -> memref<32xi32, #tpu.memory_space<vmem>>
      %dma_start3A_430 = arith.constant 0 : i32
      %dma_start3A_431 = arith.constant 0 : i32
      %dma_start3A_432 = tpu.memref_slice %arg11[%dma_start3A_430, %dma_start3A_431] : memref<10000x128xf32, #tpu.memory_space<vmem_shared>> -> memref<10000x128xf32, #tpu.memory_space<vmem_shared>>
      tpu.enqueue_indirect_dma source(%dma_start3A_427 : memref<32x128xf32, #tpu.memory_space<vmem>>) target(%dma_start3A_432 : memref<10000x128xf32, #tpu.memory_space<vmem_shared>>) offsets(%dma_start3A_429 : memref<32xi32, #tpu.memory_space<vmem>>) semaphore(%arg14 : memref<!tpu.dma_semaphore, #tpu.memory_space<semaphore_mem>>) {add = true}
      %dma_wait3A_433 = arith.constant 3 : i32
      %dma_wait3A_434 = arith.constant 0 : i32
      %dma_wait3A_435 = arith.constant 0 : i32
      %dma_wait3A_436 = tpu.memref_slice %arg10[%dma_wait3A_433, %dma_wait3A_434, %dma_wait3A_435] : memref<4x48x128xf32, #tpu.memory_space<vmem>> -> memref<1x48x128xf32, #tpu.memory_space<vmem>>
      %dma_wait3A_437 = tpu.memref_squeeze %dma_wait3A_436 : memref<1x48x128xf32, #tpu.memory_space<vmem>> -> memref<48x128xf32, #tpu.memory_space<vmem>>
      %dma_wait3A_438 = arith.constant 0 : i32
      %dma_wait3A_439 = arith.constant 0 : i32
      %dma_wait3A_440 = tpu.memref_slice %dma_wait3A_437[%dma_wait3A_438, %dma_wait3A_439] : memref<48x128xf32, #tpu.memory_space<vmem>> -> memref<32x128xf32, #tpu.memory_space<vmem>>
      %dma_wait3A_441 = arith.constant 0 : i32
      %dma_wait3A_442 = arith.constant 0 : i32
      %dma_wait3A_443 = tpu.memref_slice %arg2[%dma_wait3A_441, %dma_wait3A_442] : memref<10000x128xf32, #tpu.memory_space<hbm>> -> memref<32x128xf32, #tpu.memory_space<hbm>>
      %dma_wait3A_444 = arith.constant 0 : i32
      %dma_wait3A_445 = arith.constant 0 : i32
      %dma_wait3A_446 = tpu.memref_slice %arg10[%dma_wait3A_433, %dma_wait3A_444, %dma_wait3A_445] : memref<4x48x128xf32, #tpu.memory_space<vmem>> -> memref<1x48x128xf32, #tpu.memory_space<vmem>>
      %dma_wait3A_447 = tpu.memref_squeeze %dma_wait3A_446 : memref<1x48x128xf32, #tpu.memory_space<vmem>> -> memref<48x128xf32, #tpu.memory_space<vmem>>
      %dma_wait3A_448 = arith.constant 0 : i32
      %dma_wait3A_449 = arith.constant 0 : i32
      %dma_wait3A_450 = tpu.memref_slice %dma_wait3A_447[%dma_wait3A_448, %dma_wait3A_449] : memref<48x128xf32, #tpu.memory_space<vmem>> -> memref<32x128xf32, #tpu.memory_space<vmem>>
      %dma_wait3A_451 = arith.constant 0 : i32
      %dma_wait3A_452 = arith.constant 0 : i32
      %dma_wait3A_453 = tpu.memref_slice %arg2[%dma_wait3A_451, %dma_wait3A_452] : memref<10000x128xf32, #tpu.memory_space<hbm>> -> memref<32x128xf32, #tpu.memory_space<hbm>>
      tpu.wait_dma2 semaphore(%arg13 : memref<!tpu.dma_semaphore, #tpu.memory_space<semaphore_mem>>) src(%dma_wait3A_453 : memref<32x128xf32, #tpu.memory_space<hbm>>) dst(%dma_wait3A_450 : memref<32x128xf32, #tpu.memory_space<vmem>>)
      %dma_start3A_454 = arith.constant 3 : i32
      %dma_start3A_455 = arith.constant 0 : i32
      %dma_start3A_456 = arith.constant 0 : i32
      %dma_start3A_457 = tpu.memref_slice %arg10[%dma_start3A_454, %dma_start3A_455, %dma_start3A_456] : memref<4x48x128xf32, #tpu.memory_space<vmem>> -> memref<1x48x128xf32, #tpu.memory_space<vmem>>
      %dma_start3A_458 = tpu.memref_squeeze %dma_start3A_457 : memref<1x48x128xf32, #tpu.memory_space<vmem>> -> memref<48x128xf32, #tpu.memory_space<vmem>>
      %dma_start3A_459 = arith.constant 0 : i32
      %dma_start3A_460 = arith.constant 0 : i32
      %dma_start3A_461 = tpu.memref_slice %dma_start3A_458[%dma_start3A_459, %dma_start3A_460] : memref<48x128xf32, #tpu.memory_space<vmem>> -> memref<32x128xf32, #tpu.memory_space<vmem>>
      %dma_start3A_462 = arith.constant 96 : i32
      %dma_start3A_463 = tpu.memref_slice %arg9[%dma_start3A_462] : memref<128xi32, #tpu.memory_space<vmem>> -> memref<32xi32, #tpu.memory_space<vmem>>
      %dma_start3A_464 = arith.constant 0 : i32
      %dma_start3A_465 = arith.constant 0 : i32
      %dma_start3A_466 = tpu.memref_slice %arg11[%dma_start3A_464, %dma_start3A_465] : memref<10000x128xf32, #tpu.memory_space<vmem_shared>> -> memref<10000x128xf32, #tpu.memory_space<vmem_shared>>
      tpu.enqueue_indirect_dma source(%dma_start3A_461 : memref<32x128xf32, #tpu.memory_space<vmem>>) target(%dma_start3A_466 : memref<10000x128xf32, #tpu.memory_space<vmem_shared>>) offsets(%dma_start3A_463 : memref<32xi32, #tpu.memory_space<vmem>>) semaphore(%arg14 : memref<!tpu.dma_semaphore, #tpu.memory_space<semaphore_mem>>) {add = true}
      %dma_wait3A_467 = arith.constant 0 : i32
      %dma_wait3A_468 = arith.constant 0 : i32
      %dma_wait3A_469 = arith.constant 0 : i32
      %dma_wait3A_470 = tpu.memref_slice %arg10[%dma_wait3A_467, %dma_wait3A_468, %dma_wait3A_469] : memref<4x48x128xf32, #tpu.memory_space<vmem>> -> memref<1x48x128xf32, #tpu.memory_space<vmem>>
      %dma_wait3A_471 = tpu.memref_squeeze %dma_wait3A_470 : memref<1x48x128xf32, #tpu.memory_space<vmem>> -> memref<48x128xf32, #tpu.memory_space<vmem>>
      %dma_wait3A_472 = arith.constant 0 : i32
      %dma_wait3A_473 = arith.constant 0 : i32
      %dma_wait3A_474 = tpu.memref_slice %dma_wait3A_471[%dma_wait3A_472, %dma_wait3A_473] : memref<48x128xf32, #tpu.memory_space<vmem>> -> memref<32x128xf32, #tpu.memory_space<vmem>>
      %dma_wait3A_475 = arith.constant 0 : i32
      %dma_wait3A_476 = arith.constant 0 : i32
      %dma_wait3A_477 = tpu.memref_slice %arg2[%dma_wait3A_475, %dma_wait3A_476] : memref<10000x128xf32, #tpu.memory_space<hbm>> -> memref<32x128xf32, #tpu.memory_space<hbm>>
      %dma_wait3A_478 = arith.constant 0 : i32
      %dma_wait3A_479 = arith.constant 0 : i32
      %dma_wait3A_480 = tpu.memref_slice %arg10[%dma_wait3A_467, %dma_wait3A_478, %dma_wait3A_479] : memref<4x48x128xf32, #tpu.memory_space<vmem>> -> memref<1x48x128xf32, #tpu.memory_space<vmem>>
      %dma_wait3A_481 = tpu.memref_squeeze %dma_wait3A_480 : memref<1x48x128xf32, #tpu.memory_space<vmem>> -> memref<48x128xf32, #tpu.memory_space<vmem>>
      %dma_wait3A_482 = arith.constant 0 : i32
      %dma_wait3A_483 = arith.constant 0 : i32
      %dma_wait3A_484 = tpu.memref_slice %dma_wait3A_481[%dma_wait3A_482, %dma_wait3A_483] : memref<48x128xf32, #tpu.memory_space<vmem>> -> memref<32x128xf32, #tpu.memory_space<vmem>>
      %dma_wait3A_485 = arith.constant 0 : i32
      %dma_wait3A_486 = arith.constant 0 : i32
      %dma_wait3A_487 = tpu.memref_slice %arg2[%dma_wait3A_485, %dma_wait3A_486] : memref<10000x128xf32, #tpu.memory_space<hbm>> -> memref<32x128xf32, #tpu.memory_space<hbm>>
      tpu.wait_dma2 semaphore(%arg14 : memref<!tpu.dma_semaphore, #tpu.memory_space<semaphore_mem>>) src(%dma_wait3A_487 : memref<32x128xf32, #tpu.memory_space<hbm>>) dst(%dma_wait3A_484 : memref<32x128xf32, #tpu.memory_space<vmem>>)
      %dma_wait3A_488 = arith.constant 1 : i32
      %dma_wait3A_489 = arith.constant 0 : i32
      %dma_wait3A_490 = arith.constant 0 : i32
      %dma_wait3A_491 = tpu.memref_slice %arg10[%dma_wait3A_488, %dma_wait3A_489, %dma_wait3A_490] : memref<4x48x128xf32, #tpu.memory_space<vmem>> -> memref<1x48x128xf32, #tpu.memory_space<vmem>>
      %dma_wait3A_492 = tpu.memref_squeeze %dma_wait3A_491 : memref<1x48x128xf32, #tpu.memory_space<vmem>> -> memref<48x128xf32, #tpu.memory_space<vmem>>
      %dma_wait3A_493 = arith.constant 0 : i32
      %dma_wait3A_494 = arith.constant 0 : i32
      %dma_wait3A_495 = tpu.memref_slice %dma_wait3A_492[%dma_wait3A_493, %dma_wait3A_494] : memref<48x128xf32, #tpu.memory_space<vmem>> -> memref<32x128xf32, #tpu.memory_space<vmem>>
      %dma_wait3A_496 = arith.constant 0 : i32
      %dma_wait3A_497 = arith.constant 0 : i32
      %dma_wait3A_498 = tpu.memref_slice %arg2[%dma_wait3A_496, %dma_wait3A_497] : memref<10000x128xf32, #tpu.memory_space<hbm>> -> memref<32x128xf32, #tpu.memory_space<hbm>>
      %dma_wait3A_499 = arith.constant 0 : i32
      %dma_wait3A_500 = arith.constant 0 : i32
      %dma_wait3A_501 = tpu.memref_slice %arg10[%dma_wait3A_488, %dma_wait3A_499, %dma_wait3A_500] : memref<4x48x128xf32, #tpu.memory_space<vmem>> -> memref<1x48x128xf32, #tpu.memory_space<vmem>>
      %dma_wait3A_502 = tpu.memref_squeeze %dma_wait3A_501 : memref<1x48x128xf32, #tpu.memory_space<vmem>> -> memref<48x128xf32, #tpu.memory_space<vmem>>
      %dma_wait3A_503 = arith.constant 0 : i32
      %dma_wait3A_504 = arith.constant 0 : i32
      %dma_wait3A_505 = tpu.memref_slice %dma_wait3A_502[%dma_wait3A_503, %dma_wait3A_504] : memref<48x128xf32, #tpu.memory_space<vmem>> -> memref<32x128xf32, #tpu.memory_space<vmem>>
      %dma_wait3A_506 = arith.constant 0 : i32
      %dma_wait3A_507 = arith.constant 0 : i32
      %dma_wait3A_508 = tpu.memref_slice %arg2[%dma_wait3A_506, %dma_wait3A_507] : memref<10000x128xf32, #tpu.memory_space<hbm>> -> memref<32x128xf32, #tpu.memory_space<hbm>>
      tpu.wait_dma2 semaphore(%arg14 : memref<!tpu.dma_semaphore, #tpu.memory_space<semaphore_mem>>) src(%dma_wait3A_508 : memref<32x128xf32, #tpu.memory_space<hbm>>) dst(%dma_wait3A_505 : memref<32x128xf32, #tpu.memory_space<vmem>>)
      %dma_wait3A_509 = arith.constant 2 : i32
      %dma_wait3A_510 = arith.constant 0 : i32
      %dma_wait3A_511 = arith.constant 0 : i32
      %dma_wait3A_512 = tpu.memref_slice %arg10[%dma_wait3A_509, %dma_wait3A_510, %dma_wait3A_511] : memref<4x48x128xf32, #tpu.memory_space<vmem>> -> memref<1x48x128xf32, #tpu.memory_space<vmem>>
      %dma_wait3A_513 = tpu.memref_squeeze %dma_wait3A_512 : memref<1x48x128xf32, #tpu.memory_space<vmem>> -> memref<48x128xf32, #tpu.memory_space<vmem>>
      %dma_wait3A_514 = arith.constant 0 : i32
      %dma_wait3A_515 = arith.constant 0 : i32
      %dma_wait3A_516 = tpu.memref_slice %dma_wait3A_513[%dma_wait3A_514, %dma_wait3A_515] : memref<48x128xf32, #tpu.memory_space<vmem>> -> memref<32x128xf32, #tpu.memory_space<vmem>>
      %dma_wait3A_517 = arith.constant 0 : i32
      %dma_wait3A_518 = arith.constant 0 : i32
      %dma_wait3A_519 = tpu.memref_slice %arg2[%dma_wait3A_517, %dma_wait3A_518] : memref<10000x128xf32, #tpu.memory_space<hbm>> -> memref<32x128xf32, #tpu.memory_space<hbm>>
      %dma_wait3A_520 = arith.constant 0 : i32
      %dma_wait3A_521 = arith.constant 0 : i32
      %dma_wait3A_522 = tpu.memref_slice %arg10[%dma_wait3A_509, %dma_wait3A_520, %dma_wait3A_521] : memref<4x48x128xf32, #tpu.memory_space<vmem>> -> memref<1x48x128xf32, #tpu.memory_space<vmem>>
      %dma_wait3A_523 = tpu.memref_squeeze %dma_wait3A_522 : memref<1x48x128xf32, #tpu.memory_space<vmem>> -> memref<48x128xf32, #tpu.memory_space<vmem>>
      %dma_wait3A_524 = arith.constant 0 : i32
      %dma_wait3A_525 = arith.constant 0 : i32
      %dma_wait3A_526 = tpu.memref_slice %dma_wait3A_523[%dma_wait3A_524, %dma_wait3A_525] : memref<48x128xf32, #tpu.memory_space<vmem>> -> memref<32x128xf32, #tpu.memory_space<vmem>>
      %dma_wait3A_527 = arith.constant 0 : i32
      %dma_wait3A_528 = arith.constant 0 : i32
      %dma_wait3A_529 = tpu.memref_slice %arg2[%dma_wait3A_527, %dma_wait3A_528] : memref<10000x128xf32, #tpu.memory_space<hbm>> -> memref<32x128xf32, #tpu.memory_space<hbm>>
      tpu.wait_dma2 semaphore(%arg14 : memref<!tpu.dma_semaphore, #tpu.memory_space<semaphore_mem>>) src(%dma_wait3A_529 : memref<32x128xf32, #tpu.memory_space<hbm>>) dst(%dma_wait3A_526 : memref<32x128xf32, #tpu.memory_space<vmem>>)
      %dma_wait3A_530 = arith.constant 3 : i32
      %dma_wait3A_531 = arith.constant 0 : i32
      %dma_wait3A_532 = arith.constant 0 : i32
      %dma_wait3A_533 = tpu.memref_slice %arg10[%dma_wait3A_530, %dma_wait3A_531, %dma_wait3A_532] : memref<4x48x128xf32, #tpu.memory_space<vmem>> -> memref<1x48x128xf32, #tpu.memory_space<vmem>>
      %dma_wait3A_534 = tpu.memref_squeeze %dma_wait3A_533 : memref<1x48x128xf32, #tpu.memory_space<vmem>> -> memref<48x128xf32, #tpu.memory_space<vmem>>
      %dma_wait3A_535 = arith.constant 0 : i32
      %dma_wait3A_536 = arith.constant 0 : i32
      %dma_wait3A_537 = tpu.memref_slice %dma_wait3A_534[%dma_wait3A_535, %dma_wait3A_536] : memref<48x128xf32, #tpu.memory_space<vmem>> -> memref<32x128xf32, #tpu.memory_space<vmem>>
      %dma_wait3A_538 = arith.constant 0 : i32
      %dma_wait3A_539 = arith.constant 0 : i32
      %dma_wait3A_540 = tpu.memref_slice %arg2[%dma_wait3A_538, %dma_wait3A_539] : memref<10000x128xf32, #tpu.memory_space<hbm>> -> memref<32x128xf32, #tpu.memory_space<hbm>>
      %dma_wait3A_541 = arith.constant 0 : i32
      %dma_wait3A_542 = arith.constant 0 : i32
      %dma_wait3A_543 = tpu.memref_slice %arg10[%dma_wait3A_530, %dma_wait3A_541, %dma_wait3A_542] : memref<4x48x128xf32, #tpu.memory_space<vmem>> -> memref<1x48x128xf32, #tpu.memory_space<vmem>>
      %dma_wait3A_544 = tpu.memref_squeeze %dma_wait3A_543 : memref<1x48x128xf32, #tpu.memory_space<vmem>> -> memref<48x128xf32, #tpu.memory_space<vmem>>
      %dma_wait3A_545 = arith.constant 0 : i32
      %dma_wait3A_546 = arith.constant 0 : i32
      %dma_wait3A_547 = tpu.memref_slice %dma_wait3A_544[%dma_wait3A_545, %dma_wait3A_546] : memref<48x128xf32, #tpu.memory_space<vmem>> -> memref<32x128xf32, #tpu.memory_space<vmem>>
      %dma_wait3A_548 = arith.constant 0 : i32
      %dma_wait3A_549 = arith.constant 0 : i32
      %dma_wait3A_550 = tpu.memref_slice %arg2[%dma_wait3A_548, %dma_wait3A_549] : memref<10000x128xf32, #tpu.memory_space<hbm>> -> memref<32x128xf32, #tpu.memory_space<hbm>>
      tpu.wait_dma2 semaphore(%arg14 : memref<!tpu.dma_semaphore, #tpu.memory_space<semaphore_mem>>) src(%dma_wait3A_550 : memref<32x128xf32, #tpu.memory_space<hbm>>) dst(%dma_wait3A_547 : memref<32x128xf32, #tpu.memory_space<vmem>>)
    } else {
    }
    %barrier3A_273 = arith.constant 0 : index
    tpu.barrier barrier_id(%barrier3A_273)
    %lt3A_274 = arith.constant 10 : i32
    %lt3A_275 = arith.cmpi slt, %arg1, %lt3A_274 : i32
    %convert_element_type3A_276 = arith.extui %lt3A_275 : i1 to i32
    %cond3A_277 = arith.constant 0 : i32
    %cond3A_278 = arith.cmpi ne, %convert_element_type3A_276, %cond3A_277 : i32
    scf.if %cond3A_278 {
      %mul3A_279 = arith.constant 10000 : i32
      %mul3A_280 = arith.muli %arg0, %mul3A_279 : i32
      %add3A_281 = arith.addi %mul3A_280, %mul3A_2 : i32
      "tpu.region"() ({
        %run_scoped3A = tpu.sem_alloc : memref<!tpu.dma_semaphore, #tpu.memory_space<semaphore_mem>>
        %dma_start3A_282 = arith.constant 0 : i32
        %dma_start3A_283 = tpu.memref_slice %arg5[%add3A_281, %dma_start3A_282] : memref<20000x128xf32, #tpu.memory_space<hbm>> -> memref<1000x128xf32, #tpu.memory_space<hbm>>
        %dma_start3A_284 = arith.constant 0 : i32
        %dma_start3A_285 = tpu.memref_slice %arg11[%mul3A_2, %dma_start3A_284] : memref<10000x128xf32, #tpu.memory_space<vmem_shared>> -> memref<1000x128xf32, #tpu.memory_space<vmem_shared>>
        tpu.enqueue_dma source(%dma_start3A_285 : memref<1000x128xf32, #tpu.memory_space<vmem_shared>>) target(%dma_start3A_283 : memref<1000x128xf32, #tpu.memory_space<hbm>>) target_semaphore(%run_scoped3A : memref<!tpu.dma_semaphore, #tpu.memory_space<semaphore_mem>>)
        %dma_wait3A_286 = arith.constant 0 : i32
        %dma_wait3A_287 = tpu.memref_slice %arg5[%add3A_281, %dma_wait3A_286] : memref<20000x128xf32, #tpu.memory_space<hbm>> -> memref<1000x128xf32, #tpu.memory_space<hbm>>
        %dma_wait3A_288 = arith.constant 0 : i32
        %dma_wait3A_289 = tpu.memref_slice %arg11[%mul3A_2, %dma_wait3A_288] : memref<10000x128xf32, #tpu.memory_space<vmem_shared>> -> memref<1000x128xf32, #tpu.memory_space<vmem_shared>>
        tpu.wait_dma2 semaphore(%run_scoped3A : memref<!tpu.dma_semaphore, #tpu.memory_space<semaphore_mem>>) src(%dma_wait3A_289 : memref<1000x128xf32, #tpu.memory_space<vmem_shared>>) dst(%dma_wait3A_287 : memref<1000x128xf32, #tpu.memory_space<hbm>>)
        tpu.yield
      }) : () -> ()
    } else {
    }
    return
  }
}

#map = affine_map<(d0, d1) -> (0, 0)>
module attributes {stable_mosaic.version = 14 : i64} {
  func.func @k(%arg0: i32, %arg1: i32, %arg2: memref<10000x128xf32, #tpu.memory_space<hbm>>, %arg3: memref<10000x128xf32, #tpu.memory_space<hbm>>, %arg4: memref<2x320000xi32, #tpu.memory_space<hbm>>, %arg5: memref<20000x128xf32, #tpu.memory_space<hbm>>, %arg6: memref<9984xi32, #tpu.memory_space<vmem>>, %arg7: memref<9984xi32, #tpu.memory_space<vmem>>, %arg8: memref<128xi32, #tpu.memory_space<vmem>>, %arg9: memref<128xi32, #tpu.memory_space<vmem>>, %arg10: memref<4x48x128xf32, #tpu.memory_space<vmem>>, %arg11: memref<10000x128xf32, #tpu.memory_space<vmem_shared>>, %arg12: memref<!tpu.dma_semaphore, #tpu.memory_space<semaphore_mem>>, %arg13: memref<!tpu.dma_semaphore, #tpu.memory_space<semaphore_mem>>, %arg14: memref<!tpu.dma_semaphore, #tpu.memory_space<semaphore_mem>>) attributes {dimension_semantics = [#tpu.dimension_semantics<core_parallel>, #tpu.dimension_semantics<subcore_parallel>], iteration_bounds = array<i64: 2, 16>, scalar_prefetch = 0 : i64, scratch_operands = 9 : i64, tpu.core_type = #tpu.core_type<sc_vector_subcore>, window_params = [{transform_indices = #map}, {transform_indices = #map}, {transform_indices = #map}, {transform_indices = #map}]} {
    %mul3A = arith.constant 2 : i32
    %mul3A_0 = arith.muli %arg1, %mul3A : i32
    %add3A = arith.addi %mul3A_0, %arg0 : i32
    %mul3A_1 = arith.constant 1000 : i32
    %mul3A_2 = arith.muli %arg1, %mul3A_1 : i32
    %mul3A_3 = arith.constant 9984 : i32
    %mul3A_4 = arith.muli %add3A, %mul3A_3 : i32
    %dma_start3A = arith.constant 0 : i32
    %dma_start3A_5 = arith.constant 0 : i32
    %dma_start3A_6 = tpu.memref_slice %arg4[%dma_start3A, %dma_start3A_5] : memref<2x320000xi32, #tpu.memory_space<hbm>> -> memref<1x320000xi32, #tpu.memory_space<hbm>>
    %dma_start3A_7 = tpu.memref_squeeze %dma_start3A_6 : memref<1x320000xi32, #tpu.memory_space<hbm>> -> memref<320000xi32, #tpu.memory_space<hbm>>
    %dma_start3A_8 = tpu.memref_slice %dma_start3A_7[%mul3A_4] : memref<320000xi32, #tpu.memory_space<hbm>> -> memref<9984xi32, #tpu.memory_space<hbm>>
    %dma_start3A_9 = arith.constant 0 : i32
    %dma_start3A_10 = tpu.memref_slice %arg4[%dma_start3A, %dma_start3A_9] : memref<2x320000xi32, #tpu.memory_space<hbm>> -> memref<1x320000xi32, #tpu.memory_space<hbm>>
    %dma_start3A_11 = tpu.memref_squeeze %dma_start3A_10 : memref<1x320000xi32, #tpu.memory_space<hbm>> -> memref<320000xi32, #tpu.memory_space<hbm>>
    %dma_start3A_12 = tpu.memref_slice %dma_start3A_11[%mul3A_4] : memref<320000xi32, #tpu.memory_space<hbm>> -> memref<9984xi32, #tpu.memory_space<hbm>>
    tpu.enqueue_dma source(%dma_start3A_12 : memref<9984xi32, #tpu.memory_space<hbm>>) target(%arg6 : memref<9984xi32, #tpu.memory_space<vmem>>) target_semaphore(%arg12 : memref<!tpu.dma_semaphore, #tpu.memory_space<semaphore_mem>>)
    %dma_start3A_13 = arith.constant 1 : i32
    %dma_start3A_14 = arith.constant 0 : i32
    %dma_start3A_15 = tpu.memref_slice %arg4[%dma_start3A_13, %dma_start3A_14] : memref<2x320000xi32, #tpu.memory_space<hbm>> -> memref<1x320000xi32, #tpu.memory_space<hbm>>
    %dma_start3A_16 = tpu.memref_squeeze %dma_start3A_15 : memref<1x320000xi32, #tpu.memory_space<hbm>> -> memref<320000xi32, #tpu.memory_space<hbm>>
    %dma_start3A_17 = tpu.memref_slice %dma_start3A_16[%mul3A_4] : memref<320000xi32, #tpu.memory_space<hbm>> -> memref<9984xi32, #tpu.memory_space<hbm>>
    %dma_start3A_18 = arith.constant 0 : i32
    %dma_start3A_19 = tpu.memref_slice %arg4[%dma_start3A_13, %dma_start3A_18] : memref<2x320000xi32, #tpu.memory_space<hbm>> -> memref<1x320000xi32, #tpu.memory_space<hbm>>
    %dma_start3A_20 = tpu.memref_squeeze %dma_start3A_19 : memref<1x320000xi32, #tpu.memory_space<hbm>> -> memref<320000xi32, #tpu.memory_space<hbm>>
    %dma_start3A_21 = tpu.memref_slice %dma_start3A_20[%mul3A_4] : memref<320000xi32, #tpu.memory_space<hbm>> -> memref<9984xi32, #tpu.memory_space<hbm>>
    tpu.enqueue_dma source(%dma_start3A_21 : memref<9984xi32, #tpu.memory_space<hbm>>) target(%arg7 : memref<9984xi32, #tpu.memory_space<vmem>>) target_semaphore(%arg12 : memref<!tpu.dma_semaphore, #tpu.memory_space<semaphore_mem>>)
    %lt3A = arith.constant 4 : i32
    %lt3A_22 = arith.cmpi slt, %add3A, %lt3A : i32
    %convert_element_type3A = arith.extui %lt3A_22 : i1 to i32
    %cond3A = arith.constant 0 : i32
    %cond3A_23 = arith.cmpi ne, %convert_element_type3A, %cond3A : i32
    scf.if %cond3A_23 {
      %mul3A_279 = arith.constant 128 : i32
      %mul3A_280 = arith.muli %add3A, %mul3A_279 : i32
      %add3A_281 = arith.constant 319488 : i32
      %add3A_282 = arith.addi %add3A_281, %mul3A_280 : i32
      %dma_start3A_283 = arith.constant 0 : i32
      %dma_start3A_284 = arith.constant 0 : i32
      %dma_start3A_285 = tpu.memref_slice %arg4[%dma_start3A_283, %dma_start3A_284] : memref<2x320000xi32, #tpu.memory_space<hbm>> -> memref<1x320000xi32, #tpu.memory_space<hbm>>
      %dma_start3A_286 = tpu.memref_squeeze %dma_start3A_285 : memref<1x320000xi32, #tpu.memory_space<hbm>> -> memref<320000xi32, #tpu.memory_space<hbm>>
      %dma_start3A_287 = tpu.memref_slice %dma_start3A_286[%add3A_282] : memref<320000xi32, #tpu.memory_space<hbm>> -> memref<128xi32, #tpu.memory_space<hbm>>
      %dma_start3A_288 = arith.constant 0 : i32
      %dma_start3A_289 = tpu.memref_slice %arg4[%dma_start3A_283, %dma_start3A_288] : memref<2x320000xi32, #tpu.memory_space<hbm>> -> memref<1x320000xi32, #tpu.memory_space<hbm>>
      %dma_start3A_290 = tpu.memref_squeeze %dma_start3A_289 : memref<1x320000xi32, #tpu.memory_space<hbm>> -> memref<320000xi32, #tpu.memory_space<hbm>>
      %dma_start3A_291 = tpu.memref_slice %dma_start3A_290[%add3A_282] : memref<320000xi32, #tpu.memory_space<hbm>> -> memref<128xi32, #tpu.memory_space<hbm>>
      tpu.enqueue_dma source(%dma_start3A_291 : memref<128xi32, #tpu.memory_space<hbm>>) target(%arg8 : memref<128xi32, #tpu.memory_space<vmem>>) target_semaphore(%arg12 : memref<!tpu.dma_semaphore, #tpu.memory_space<semaphore_mem>>)
      %dma_start3A_292 = arith.constant 1 : i32
      %dma_start3A_293 = arith.constant 0 : i32
      %dma_start3A_294 = tpu.memref_slice %arg4[%dma_start3A_292, %dma_start3A_293] : memref<2x320000xi32, #tpu.memory_space<hbm>> -> memref<1x320000xi32, #tpu.memory_space<hbm>>
      %dma_start3A_295 = tpu.memref_squeeze %dma_start3A_294 : memref<1x320000xi32, #tpu.memory_space<hbm>> -> memref<320000xi32, #tpu.memory_space<hbm>>
      %dma_start3A_296 = tpu.memref_slice %dma_start3A_295[%add3A_282] : memref<320000xi32, #tpu.memory_space<hbm>> -> memref<128xi32, #tpu.memory_space<hbm>>
      %dma_start3A_297 = arith.constant 0 : i32
      %dma_start3A_298 = tpu.memref_slice %arg4[%dma_start3A_292, %dma_start3A_297] : memref<2x320000xi32, #tpu.memory_space<hbm>> -> memref<1x320000xi32, #tpu.memory_space<hbm>>
      %dma_start3A_299 = tpu.memref_squeeze %dma_start3A_298 : memref<1x320000xi32, #tpu.memory_space<hbm>> -> memref<320000xi32, #tpu.memory_space<hbm>>
      %dma_start3A_300 = tpu.memref_slice %dma_start3A_299[%add3A_282] : memref<320000xi32, #tpu.memory_space<hbm>> -> memref<128xi32, #tpu.memory_space<hbm>>
      tpu.enqueue_dma source(%dma_start3A_300 : memref<128xi32, #tpu.memory_space<hbm>>) target(%arg9 : memref<128xi32, #tpu.memory_space<vmem>>) target_semaphore(%arg12 : memref<!tpu.dma_semaphore, #tpu.memory_space<semaphore_mem>>)
    } else {
    }
    %lt3A_24 = arith.constant 10 : i32
    %lt3A_25 = arith.cmpi slt, %arg1, %lt3A_24 : i32
    %eq3A = arith.constant 0 : i32
    %eq3A_26 = arith.cmpi eq, %arg0, %eq3A : i32
    %and3A = arith.andi %lt3A_25, %eq3A_26 : i1
    %convert_element_type3A_27 = arith.extui %and3A : i1 to i32
    %cond3A_28 = arith.constant 0 : i32
    %cond3A_29 = arith.cmpi ne, %convert_element_type3A_27, %cond3A_28 : i32
    scf.if %cond3A_29 {
      "tpu.region"() ({
        %run_scoped3A = tpu.sem_alloc : memref<!tpu.dma_semaphore, #tpu.memory_space<semaphore_mem>>
        %dma_start3A_279 = arith.constant 0 : i32
        %dma_start3A_280 = tpu.memref_slice %arg11[%mul3A_2, %dma_start3A_279] : memref<10000x128xf32, #tpu.memory_space<vmem_shared>> -> memref<1000x128xf32, #tpu.memory_space<vmem_shared>>
        %dma_start3A_281 = arith.constant 0 : i32
        %dma_start3A_282 = tpu.memref_slice %arg2[%mul3A_2, %dma_start3A_281] : memref<10000x128xf32, #tpu.memory_space<hbm>> -> memref<1000x128xf32, #tpu.memory_space<hbm>>
        tpu.enqueue_dma source(%dma_start3A_282 : memref<1000x128xf32, #tpu.memory_space<hbm>>) target(%dma_start3A_280 : memref<1000x128xf32, #tpu.memory_space<vmem_shared>>) target_semaphore(%run_scoped3A : memref<!tpu.dma_semaphore, #tpu.memory_space<semaphore_mem>>)
        %dma_wait3A_283 = arith.constant 0 : i32
        %dma_wait3A_284 = tpu.memref_slice %arg11[%mul3A_2, %dma_wait3A_283] : memref<10000x128xf32, #tpu.memory_space<vmem_shared>> -> memref<1000x128xf32, #tpu.memory_space<vmem_shared>>
        %dma_wait3A_285 = arith.constant 0 : i32
        %dma_wait3A_286 = tpu.memref_slice %arg2[%mul3A_2, %dma_wait3A_285] : memref<10000x128xf32, #tpu.memory_space<hbm>> -> memref<1000x128xf32, #tpu.memory_space<hbm>>
        tpu.wait_dma2 semaphore(%run_scoped3A : memref<!tpu.dma_semaphore, #tpu.memory_space<semaphore_mem>>) src(%dma_wait3A_286 : memref<1000x128xf32, #tpu.memory_space<hbm>>) dst(%dma_wait3A_284 : memref<1000x128xf32, #tpu.memory_space<vmem_shared>>)
        tpu.yield
      }) : () -> ()
    } else {
    }
    %lt3A_30 = arith.constant 10 : i32
    %lt3A_31 = arith.cmpi slt, %arg1, %lt3A_30 : i32
    %ne3A = arith.constant 0 : i32
    %ne3A_32 = arith.cmpi ne, %arg0, %ne3A : i32
    %and3A_33 = arith.andi %lt3A_31, %ne3A_32 : i1
    %convert_element_type3A_34 = arith.extui %and3A_33 : i1 to i32
    %cond3A_35 = arith.constant 0 : i32
    %cond3A_36 = arith.cmpi ne, %convert_element_type3A_34, %cond3A_35 : i32
    scf.if %cond3A_36 {
      "tpu.region"() ({
        %run_scoped3A = tpu.sem_alloc : memref<!tpu.dma_semaphore, #tpu.memory_space<semaphore_mem>>
        %dma_start3A_279 = arith.constant 0 : i32
        %dma_start3A_280 = tpu.memref_slice %arg11[%mul3A_2, %dma_start3A_279] : memref<10000x128xf32, #tpu.memory_space<vmem_shared>> -> memref<1000x128xf32, #tpu.memory_space<vmem_shared>>
        %dma_start3A_281 = arith.constant 0 : i32
        %dma_start3A_282 = tpu.memref_slice %arg3[%mul3A_2, %dma_start3A_281] : memref<10000x128xf32, #tpu.memory_space<hbm>> -> memref<1000x128xf32, #tpu.memory_space<hbm>>
        tpu.enqueue_dma source(%dma_start3A_282 : memref<1000x128xf32, #tpu.memory_space<hbm>>) target(%dma_start3A_280 : memref<1000x128xf32, #tpu.memory_space<vmem_shared>>) target_semaphore(%run_scoped3A : memref<!tpu.dma_semaphore, #tpu.memory_space<semaphore_mem>>)
        %dma_wait3A_283 = arith.constant 0 : i32
        %dma_wait3A_284 = tpu.memref_slice %arg11[%mul3A_2, %dma_wait3A_283] : memref<10000x128xf32, #tpu.memory_space<vmem_shared>> -> memref<1000x128xf32, #tpu.memory_space<vmem_shared>>
        %dma_wait3A_285 = arith.constant 0 : i32
        %dma_wait3A_286 = tpu.memref_slice %arg3[%mul3A_2, %dma_wait3A_285] : memref<10000x128xf32, #tpu.memory_space<hbm>> -> memref<1000x128xf32, #tpu.memory_space<hbm>>
        tpu.wait_dma2 semaphore(%run_scoped3A : memref<!tpu.dma_semaphore, #tpu.memory_space<semaphore_mem>>) src(%dma_wait3A_286 : memref<1000x128xf32, #tpu.memory_space<hbm>>) dst(%dma_wait3A_284 : memref<1000x128xf32, #tpu.memory_space<vmem_shared>>)
        tpu.yield
      }) : () -> ()
    } else {
    }
    %dma_wait3A = arith.constant 0 : i32
    %dma_wait3A_37 = arith.constant 0 : i32
    %dma_wait3A_38 = tpu.memref_slice %arg4[%dma_wait3A, %dma_wait3A_37] : memref<2x320000xi32, #tpu.memory_space<hbm>> -> memref<1x320000xi32, #tpu.memory_space<hbm>>
    %dma_wait3A_39 = tpu.memref_squeeze %dma_wait3A_38 : memref<1x320000xi32, #tpu.memory_space<hbm>> -> memref<320000xi32, #tpu.memory_space<hbm>>
    %dma_wait3A_40 = arith.constant 0 : i32
    %dma_wait3A_41 = tpu.memref_slice %dma_wait3A_39[%dma_wait3A_40] : memref<320000xi32, #tpu.memory_space<hbm>> -> memref<9984xi32, #tpu.memory_space<hbm>>
    %dma_wait3A_42 = arith.constant 0 : i32
    %dma_wait3A_43 = tpu.memref_slice %arg4[%dma_wait3A, %dma_wait3A_42] : memref<2x320000xi32, #tpu.memory_space<hbm>> -> memref<1x320000xi32, #tpu.memory_space<hbm>>
    %dma_wait3A_44 = tpu.memref_squeeze %dma_wait3A_43 : memref<1x320000xi32, #tpu.memory_space<hbm>> -> memref<320000xi32, #tpu.memory_space<hbm>>
    %dma_wait3A_45 = arith.constant 0 : i32
    %dma_wait3A_46 = tpu.memref_slice %dma_wait3A_44[%dma_wait3A_45] : memref<320000xi32, #tpu.memory_space<hbm>> -> memref<9984xi32, #tpu.memory_space<hbm>>
    tpu.wait_dma2 semaphore(%arg12 : memref<!tpu.dma_semaphore, #tpu.memory_space<semaphore_mem>>) src(%dma_wait3A_46 : memref<9984xi32, #tpu.memory_space<hbm>>) dst(%arg6 : memref<9984xi32, #tpu.memory_space<vmem>>)
    %dma_wait3A_47 = arith.constant 0 : i32
    %dma_wait3A_48 = arith.constant 0 : i32
    %dma_wait3A_49 = tpu.memref_slice %arg4[%dma_wait3A_47, %dma_wait3A_48] : memref<2x320000xi32, #tpu.memory_space<hbm>> -> memref<1x320000xi32, #tpu.memory_space<hbm>>
    %dma_wait3A_50 = tpu.memref_squeeze %dma_wait3A_49 : memref<1x320000xi32, #tpu.memory_space<hbm>> -> memref<320000xi32, #tpu.memory_space<hbm>>
    %dma_wait3A_51 = arith.constant 0 : i32
    %dma_wait3A_52 = tpu.memref_slice %dma_wait3A_50[%dma_wait3A_51] : memref<320000xi32, #tpu.memory_space<hbm>> -> memref<9984xi32, #tpu.memory_space<hbm>>
    %dma_wait3A_53 = arith.constant 0 : i32
    %dma_wait3A_54 = tpu.memref_slice %arg4[%dma_wait3A_47, %dma_wait3A_53] : memref<2x320000xi32, #tpu.memory_space<hbm>> -> memref<1x320000xi32, #tpu.memory_space<hbm>>
    %dma_wait3A_55 = tpu.memref_squeeze %dma_wait3A_54 : memref<1x320000xi32, #tpu.memory_space<hbm>> -> memref<320000xi32, #tpu.memory_space<hbm>>
    %dma_wait3A_56 = arith.constant 0 : i32
    %dma_wait3A_57 = tpu.memref_slice %dma_wait3A_55[%dma_wait3A_56] : memref<320000xi32, #tpu.memory_space<hbm>> -> memref<9984xi32, #tpu.memory_space<hbm>>
    tpu.wait_dma2 semaphore(%arg12 : memref<!tpu.dma_semaphore, #tpu.memory_space<semaphore_mem>>) src(%dma_wait3A_57 : memref<9984xi32, #tpu.memory_space<hbm>>) dst(%arg7 : memref<9984xi32, #tpu.memory_space<vmem>>)
    %lt3A_58 = arith.constant 4 : i32
    %lt3A_59 = arith.cmpi slt, %add3A, %lt3A_58 : i32
    %convert_element_type3A_60 = arith.extui %lt3A_59 : i1 to i32
    %cond3A_61 = arith.constant 0 : i32
    %cond3A_62 = arith.cmpi ne, %convert_element_type3A_60, %cond3A_61 : i32
    scf.if %cond3A_62 {
      %dma_wait3A_279 = arith.constant 0 : i32
      %dma_wait3A_280 = arith.constant 0 : i32
      %dma_wait3A_281 = tpu.memref_slice %arg4[%dma_wait3A_279, %dma_wait3A_280] : memref<2x320000xi32, #tpu.memory_space<hbm>> -> memref<1x320000xi32, #tpu.memory_space<hbm>>
      %dma_wait3A_282 = tpu.memref_squeeze %dma_wait3A_281 : memref<1x320000xi32, #tpu.memory_space<hbm>> -> memref<320000xi32, #tpu.memory_space<hbm>>
      %dma_wait3A_283 = arith.constant 0 : i32
      %dma_wait3A_284 = tpu.memref_slice %dma_wait3A_282[%dma_wait3A_283] : memref<320000xi32, #tpu.memory_space<hbm>> -> memref<128xi32, #tpu.memory_space<hbm>>
      %dma_wait3A_285 = arith.constant 0 : i32
      %dma_wait3A_286 = tpu.memref_slice %arg4[%dma_wait3A_279, %dma_wait3A_285] : memref<2x320000xi32, #tpu.memory_space<hbm>> -> memref<1x320000xi32, #tpu.memory_space<hbm>>
      %dma_wait3A_287 = tpu.memref_squeeze %dma_wait3A_286 : memref<1x320000xi32, #tpu.memory_space<hbm>> -> memref<320000xi32, #tpu.memory_space<hbm>>
      %dma_wait3A_288 = arith.constant 0 : i32
      %dma_wait3A_289 = tpu.memref_slice %dma_wait3A_287[%dma_wait3A_288] : memref<320000xi32, #tpu.memory_space<hbm>> -> memref<128xi32, #tpu.memory_space<hbm>>
      tpu.wait_dma2 semaphore(%arg12 : memref<!tpu.dma_semaphore, #tpu.memory_space<semaphore_mem>>) src(%dma_wait3A_289 : memref<128xi32, #tpu.memory_space<hbm>>) dst(%arg8 : memref<128xi32, #tpu.memory_space<vmem>>)
      %dma_wait3A_290 = arith.constant 0 : i32
      %dma_wait3A_291 = arith.constant 0 : i32
      %dma_wait3A_292 = tpu.memref_slice %arg4[%dma_wait3A_290, %dma_wait3A_291] : memref<2x320000xi32, #tpu.memory_space<hbm>> -> memref<1x320000xi32, #tpu.memory_space<hbm>>
      %dma_wait3A_293 = tpu.memref_squeeze %dma_wait3A_292 : memref<1x320000xi32, #tpu.memory_space<hbm>> -> memref<320000xi32, #tpu.memory_space<hbm>>
      %dma_wait3A_294 = arith.constant 0 : i32
      %dma_wait3A_295 = tpu.memref_slice %dma_wait3A_293[%dma_wait3A_294] : memref<320000xi32, #tpu.memory_space<hbm>> -> memref<128xi32, #tpu.memory_space<hbm>>
      %dma_wait3A_296 = arith.constant 0 : i32
      %dma_wait3A_297 = tpu.memref_slice %arg4[%dma_wait3A_290, %dma_wait3A_296] : memref<2x320000xi32, #tpu.memory_space<hbm>> -> memref<1x320000xi32, #tpu.memory_space<hbm>>
      %dma_wait3A_298 = tpu.memref_squeeze %dma_wait3A_297 : memref<1x320000xi32, #tpu.memory_space<hbm>> -> memref<320000xi32, #tpu.memory_space<hbm>>
      %dma_wait3A_299 = arith.constant 0 : i32
      %dma_wait3A_300 = tpu.memref_slice %dma_wait3A_298[%dma_wait3A_299] : memref<320000xi32, #tpu.memory_space<hbm>> -> memref<128xi32, #tpu.memory_space<hbm>>
      tpu.wait_dma2 semaphore(%arg12 : memref<!tpu.dma_semaphore, #tpu.memory_space<semaphore_mem>>) src(%dma_wait3A_300 : memref<128xi32, #tpu.memory_space<hbm>>) dst(%arg9 : memref<128xi32, #tpu.memory_space<vmem>>)
    } else {
    }
    %barrier3A = arith.constant 0 : index
    tpu.barrier barrier_id(%barrier3A)
    %dma_start3A_63 = arith.constant 0 : i32
    %dma_start3A_64 = arith.constant 0 : i32
    %dma_start3A_65 = arith.constant 0 : i32
    %dma_start3A_66 = tpu.memref_slice %arg10[%dma_start3A_63, %dma_start3A_64, %dma_start3A_65] : memref<4x48x128xf32, #tpu.memory_space<vmem>> -> memref<1x48x128xf32, #tpu.memory_space<vmem>>
    %dma_start3A_67 = tpu.memref_squeeze %dma_start3A_66 : memref<1x48x128xf32, #tpu.memory_space<vmem>> -> memref<48x128xf32, #tpu.memory_space<vmem>>
    %dma_start3A_68 = arith.constant 0 : i32
    %dma_start3A_69 = tpu.memref_slice %arg6[%dma_start3A_68] : memref<9984xi32, #tpu.memory_space<vmem>> -> memref<48xi32, #tpu.memory_space<vmem>>
    %dma_start3A_70 = arith.constant 0 : i32
    %dma_start3A_71 = arith.constant 0 : i32
    %dma_start3A_72 = tpu.memref_slice %arg2[%dma_start3A_70, %dma_start3A_71] : memref<10000x128xf32, #tpu.memory_space<hbm>> -> memref<10000x128xf32, #tpu.memory_space<hbm>>
    tpu.enqueue_indirect_dma source(%dma_start3A_72 : memref<10000x128xf32, #tpu.memory_space<hbm>>) target(%dma_start3A_67 : memref<48x128xf32, #tpu.memory_space<vmem>>) offsets(%dma_start3A_69 : memref<48xi32, #tpu.memory_space<vmem>>) semaphore(%arg13 : memref<!tpu.dma_semaphore, #tpu.memory_space<semaphore_mem>>)
    %dma_start3A_73 = arith.constant 1 : i32
    %dma_start3A_74 = arith.constant 0 : i32
    %dma_start3A_75 = arith.constant 0 : i32
    %dma_start3A_76 = tpu.memref_slice %arg10[%dma_start3A_73, %dma_start3A_74, %dma_start3A_75] : memref<4x48x128xf32, #tpu.memory_space<vmem>> -> memref<1x48x128xf32, #tpu.memory_space<vmem>>
    %dma_start3A_77 = tpu.memref_squeeze %dma_start3A_76 : memref<1x48x128xf32, #tpu.memory_space<vmem>> -> memref<48x128xf32, #tpu.memory_space<vmem>>
    %dma_start3A_78 = arith.constant 48 : i32
    %dma_start3A_79 = tpu.memref_slice %arg6[%dma_start3A_78] : memref<9984xi32, #tpu.memory_space<vmem>> -> memref<48xi32, #tpu.memory_space<vmem>>
    %dma_start3A_80 = arith.constant 0 : i32
    %dma_start3A_81 = arith.constant 0 : i32
    %dma_start3A_82 = tpu.memref_slice %arg2[%dma_start3A_80, %dma_start3A_81] : memref<10000x128xf32, #tpu.memory_space<hbm>> -> memref<10000x128xf32, #tpu.memory_space<hbm>>
    tpu.enqueue_indirect_dma source(%dma_start3A_82 : memref<10000x128xf32, #tpu.memory_space<hbm>>) target(%dma_start3A_77 : memref<48x128xf32, #tpu.memory_space<vmem>>) offsets(%dma_start3A_79 : memref<48xi32, #tpu.memory_space<vmem>>) semaphore(%arg13 : memref<!tpu.dma_semaphore, #tpu.memory_space<semaphore_mem>>)
    %dma_start3A_83 = arith.constant 2 : i32
    %dma_start3A_84 = arith.constant 0 : i32
    %dma_start3A_85 = arith.constant 0 : i32
    %dma_start3A_86 = tpu.memref_slice %arg10[%dma_start3A_83, %dma_start3A_84, %dma_start3A_85] : memref<4x48x128xf32, #tpu.memory_space<vmem>> -> memref<1x48x128xf32, #tpu.memory_space<vmem>>
    %dma_start3A_87 = tpu.memref_squeeze %dma_start3A_86 : memref<1x48x128xf32, #tpu.memory_space<vmem>> -> memref<48x128xf32, #tpu.memory_space<vmem>>
    %dma_start3A_88 = arith.constant 96 : i32
    %dma_start3A_89 = tpu.memref_slice %arg6[%dma_start3A_88] : memref<9984xi32, #tpu.memory_space<vmem>> -> memref<48xi32, #tpu.memory_space<vmem>>
    %dma_start3A_90 = arith.constant 0 : i32
    %dma_start3A_91 = arith.constant 0 : i32
    %dma_start3A_92 = tpu.memref_slice %arg2[%dma_start3A_90, %dma_start3A_91] : memref<10000x128xf32, #tpu.memory_space<hbm>> -> memref<10000x128xf32, #tpu.memory_space<hbm>>
    tpu.enqueue_indirect_dma source(%dma_start3A_92 : memref<10000x128xf32, #tpu.memory_space<hbm>>) target(%dma_start3A_87 : memref<48x128xf32, #tpu.memory_space<vmem>>) offsets(%dma_start3A_89 : memref<48xi32, #tpu.memory_space<vmem>>) semaphore(%arg13 : memref<!tpu.dma_semaphore, #tpu.memory_space<semaphore_mem>>)
    %dma_wait3A_93 = arith.constant 0 : i32
    %dma_wait3A_94 = arith.constant 0 : i32
    %dma_wait3A_95 = arith.constant 0 : i32
    %dma_wait3A_96 = tpu.memref_slice %arg10[%dma_wait3A_93, %dma_wait3A_94, %dma_wait3A_95] : memref<4x48x128xf32, #tpu.memory_space<vmem>> -> memref<1x48x128xf32, #tpu.memory_space<vmem>>
    %dma_wait3A_97 = tpu.memref_squeeze %dma_wait3A_96 : memref<1x48x128xf32, #tpu.memory_space<vmem>> -> memref<48x128xf32, #tpu.memory_space<vmem>>
    %dma_wait3A_98 = arith.constant 0 : i32
    %dma_wait3A_99 = arith.constant 0 : i32
    %dma_wait3A_100 = tpu.memref_slice %arg2[%dma_wait3A_98, %dma_wait3A_99] : memref<10000x128xf32, #tpu.memory_space<hbm>> -> memref<48x128xf32, #tpu.memory_space<hbm>>
    %dma_wait3A_101 = arith.constant 0 : i32
    %dma_wait3A_102 = arith.constant 0 : i32
    %dma_wait3A_103 = tpu.memref_slice %arg10[%dma_wait3A_93, %dma_wait3A_101, %dma_wait3A_102] : memref<4x48x128xf32, #tpu.memory_space<vmem>> -> memref<1x48x128xf32, #tpu.memory_space<vmem>>
    %dma_wait3A_104 = tpu.memref_squeeze %dma_wait3A_103 : memref<1x48x128xf32, #tpu.memory_space<vmem>> -> memref<48x128xf32, #tpu.memory_space<vmem>>
    %dma_wait3A_105 = arith.constant 0 : i32
    %dma_wait3A_106 = arith.constant 0 : i32
    %dma_wait3A_107 = tpu.memref_slice %arg2[%dma_wait3A_105, %dma_wait3A_106] : memref<10000x128xf32, #tpu.memory_space<hbm>> -> memref<48x128xf32, #tpu.memory_space<hbm>>
    tpu.wait_dma2 semaphore(%arg13 : memref<!tpu.dma_semaphore, #tpu.memory_space<semaphore_mem>>) src(%dma_wait3A_107 : memref<48x128xf32, #tpu.memory_space<hbm>>) dst(%dma_wait3A_104 : memref<48x128xf32, #tpu.memory_space<vmem>>)
    %dma_start3A_108 = arith.constant 0 : i32
    %dma_start3A_109 = arith.constant 0 : i32
    %dma_start3A_110 = arith.constant 0 : i32
    %dma_start3A_111 = tpu.memref_slice %arg10[%dma_start3A_108, %dma_start3A_109, %dma_start3A_110] : memref<4x48x128xf32, #tpu.memory_space<vmem>> -> memref<1x48x128xf32, #tpu.memory_space<vmem>>
    %dma_start3A_112 = tpu.memref_squeeze %dma_start3A_111 : memref<1x48x128xf32, #tpu.memory_space<vmem>> -> memref<48x128xf32, #tpu.memory_space<vmem>>
    %dma_start3A_113 = arith.constant 0 : i32
    %dma_start3A_114 = tpu.memref_slice %arg7[%dma_start3A_113] : memref<9984xi32, #tpu.memory_space<vmem>> -> memref<48xi32, #tpu.memory_space<vmem>>
    %dma_start3A_115 = arith.constant 0 : i32
    %dma_start3A_116 = arith.constant 0 : i32
    %dma_start3A_117 = tpu.memref_slice %arg11[%dma_start3A_115, %dma_start3A_116] : memref<10000x128xf32, #tpu.memory_space<vmem_shared>> -> memref<10000x128xf32, #tpu.memory_space<vmem_shared>>
    tpu.enqueue_indirect_dma source(%dma_start3A_112 : memref<48x128xf32, #tpu.memory_space<vmem>>) target(%dma_start3A_117 : memref<10000x128xf32, #tpu.memory_space<vmem_shared>>) offsets(%dma_start3A_114 : memref<48xi32, #tpu.memory_space<vmem>>) semaphore(%arg14 : memref<!tpu.dma_semaphore, #tpu.memory_space<semaphore_mem>>) {add = true}
    %dma_start3A_118 = arith.constant 3 : i32
    %dma_start3A_119 = arith.constant 0 : i32
    %dma_start3A_120 = arith.constant 0 : i32
    %dma_start3A_121 = tpu.memref_slice %arg10[%dma_start3A_118, %dma_start3A_119, %dma_start3A_120] : memref<4x48x128xf32, #tpu.memory_space<vmem>> -> memref<1x48x128xf32, #tpu.memory_space<vmem>>
    %dma_start3A_122 = tpu.memref_squeeze %dma_start3A_121 : memref<1x48x128xf32, #tpu.memory_space<vmem>> -> memref<48x128xf32, #tpu.memory_space<vmem>>
    %dma_start3A_123 = arith.constant 144 : i32
    %dma_start3A_124 = tpu.memref_slice %arg6[%dma_start3A_123] : memref<9984xi32, #tpu.memory_space<vmem>> -> memref<48xi32, #tpu.memory_space<vmem>>
    %dma_start3A_125 = arith.constant 0 : i32
    %dma_start3A_126 = arith.constant 0 : i32
    %dma_start3A_127 = tpu.memref_slice %arg2[%dma_start3A_125, %dma_start3A_126] : memref<10000x128xf32, #tpu.memory_space<hbm>> -> memref<10000x128xf32, #tpu.memory_space<hbm>>
    tpu.enqueue_indirect_dma source(%dma_start3A_127 : memref<10000x128xf32, #tpu.memory_space<hbm>>) target(%dma_start3A_122 : memref<48x128xf32, #tpu.memory_space<vmem>>) offsets(%dma_start3A_124 : memref<48xi32, #tpu.memory_space<vmem>>) semaphore(%arg13 : memref<!tpu.dma_semaphore, #tpu.memory_space<semaphore_mem>>)
    %dma_wait3A_128 = arith.constant 1 : i32
    %dma_wait3A_129 = arith.constant 0 : i32
    %dma_wait3A_130 = arith.constant 0 : i32
    %dma_wait3A_131 = tpu.memref_slice %arg10[%dma_wait3A_128, %dma_wait3A_129, %dma_wait3A_130] : memref<4x48x128xf32, #tpu.memory_space<vmem>> -> memref<1x48x128xf32, #tpu.memory_space<vmem>>
    %dma_wait3A_132 = tpu.memref_squeeze %dma_wait3A_131 : memref<1x48x128xf32, #tpu.memory_space<vmem>> -> memref<48x128xf32, #tpu.memory_space<vmem>>
    %dma_wait3A_133 = arith.constant 0 : i32
    %dma_wait3A_134 = arith.constant 0 : i32
    %dma_wait3A_135 = tpu.memref_slice %arg2[%dma_wait3A_133, %dma_wait3A_134] : memref<10000x128xf32, #tpu.memory_space<hbm>> -> memref<48x128xf32, #tpu.memory_space<hbm>>
    %dma_wait3A_136 = arith.constant 0 : i32
    %dma_wait3A_137 = arith.constant 0 : i32
    %dma_wait3A_138 = tpu.memref_slice %arg10[%dma_wait3A_128, %dma_wait3A_136, %dma_wait3A_137] : memref<4x48x128xf32, #tpu.memory_space<vmem>> -> memref<1x48x128xf32, #tpu.memory_space<vmem>>
    %dma_wait3A_139 = tpu.memref_squeeze %dma_wait3A_138 : memref<1x48x128xf32, #tpu.memory_space<vmem>> -> memref<48x128xf32, #tpu.memory_space<vmem>>
    %dma_wait3A_140 = arith.constant 0 : i32
    %dma_wait3A_141 = arith.constant 0 : i32
    %dma_wait3A_142 = tpu.memref_slice %arg2[%dma_wait3A_140, %dma_wait3A_141] : memref<10000x128xf32, #tpu.memory_space<hbm>> -> memref<48x128xf32, #tpu.memory_space<hbm>>
    tpu.wait_dma2 semaphore(%arg13 : memref<!tpu.dma_semaphore, #tpu.memory_space<semaphore_mem>>) src(%dma_wait3A_142 : memref<48x128xf32, #tpu.memory_space<hbm>>) dst(%dma_wait3A_139 : memref<48x128xf32, #tpu.memory_space<vmem>>)
    %dma_start3A_143 = arith.constant 1 : i32
    %dma_start3A_144 = arith.constant 0 : i32
    %dma_start3A_145 = arith.constant 0 : i32
    %dma_start3A_146 = tpu.memref_slice %arg10[%dma_start3A_143, %dma_start3A_144, %dma_start3A_145] : memref<4x48x128xf32, #tpu.memory_space<vmem>> -> memref<1x48x128xf32, #tpu.memory_space<vmem>>
    %dma_start3A_147 = tpu.memref_squeeze %dma_start3A_146 : memref<1x48x128xf32, #tpu.memory_space<vmem>> -> memref<48x128xf32, #tpu.memory_space<vmem>>
    %dma_start3A_148 = arith.constant 48 : i32
    %dma_start3A_149 = tpu.memref_slice %arg7[%dma_start3A_148] : memref<9984xi32, #tpu.memory_space<vmem>> -> memref<48xi32, #tpu.memory_space<vmem>>
    %dma_start3A_150 = arith.constant 0 : i32
    %dma_start3A_151 = arith.constant 0 : i32
    %dma_start3A_152 = tpu.memref_slice %arg11[%dma_start3A_150, %dma_start3A_151] : memref<10000x128xf32, #tpu.memory_space<vmem_shared>> -> memref<10000x128xf32, #tpu.memory_space<vmem_shared>>
    tpu.enqueue_indirect_dma source(%dma_start3A_147 : memref<48x128xf32, #tpu.memory_space<vmem>>) target(%dma_start3A_152 : memref<10000x128xf32, #tpu.memory_space<vmem_shared>>) offsets(%dma_start3A_149 : memref<48xi32, #tpu.memory_space<vmem>>) semaphore(%arg14 : memref<!tpu.dma_semaphore, #tpu.memory_space<semaphore_mem>>) {add = true}
    %scan3A = arith.constant 0 : i32
    %scan3A_153 = arith.constant 0 : i32
    %scan3A_154 = arith.constant 51 : i32
    %scan3A_155 = arith.addi %scan3A_153, %scan3A_154 : i32
    %scan3A_156 = arith.constant 1 : i32
    scf.for %scan3A_279 = %scan3A_153 to %scan3A_155 step %scan3A_156  : i32 {
      %mul3A_280 = arith.constant 4 : i32
      %mul3A_281 = arith.muli %scan3A_279, %mul3A_280 : i32
      %add3A_282 = arith.constant 2 : i32
      %add3A_283 = arith.addi %add3A_282, %mul3A_281 : i32
      %add3A_284 = arith.constant 0 : i32
      %add3A_285 = arith.addi %add3A_283, %add3A_284 : i32
      %dma_wait3A_286 = arith.constant 0 : i32
      %dma_wait3A_287 = arith.constant 0 : i32
      %dma_wait3A_288 = arith.constant 0 : i32
      %dma_wait3A_289 = tpu.memref_slice %arg10[%dma_wait3A_286, %dma_wait3A_287, %dma_wait3A_288] : memref<4x48x128xf32, #tpu.memory_space<vmem>> -> memref<1x48x128xf32, #tpu.memory_space<vmem>>
      %dma_wait3A_290 = tpu.memref_squeeze %dma_wait3A_289 : memref<1x48x128xf32, #tpu.memory_space<vmem>> -> memref<48x128xf32, #tpu.memory_space<vmem>>
      %dma_wait3A_291 = arith.constant 0 : i32
      %dma_wait3A_292 = arith.constant 0 : i32
      %dma_wait3A_293 = tpu.memref_slice %arg2[%dma_wait3A_291, %dma_wait3A_292] : memref<10000x128xf32, #tpu.memory_space<hbm>> -> memref<48x128xf32, #tpu.memory_space<hbm>>
      %dma_wait3A_294 = arith.constant 0 : i32
      %dma_wait3A_295 = arith.constant 0 : i32
      %dma_wait3A_296 = tpu.memref_slice %arg10[%dma_wait3A_286, %dma_wait3A_294, %dma_wait3A_295] : memref<4x48x128xf32, #tpu.memory_space<vmem>> -> memref<1x48x128xf32, #tpu.memory_space<vmem>>
      %dma_wait3A_297 = tpu.memref_squeeze %dma_wait3A_296 : memref<1x48x128xf32, #tpu.memory_space<vmem>> -> memref<48x128xf32, #tpu.memory_space<vmem>>
      %dma_wait3A_298 = arith.constant 0 : i32
      %dma_wait3A_299 = arith.constant 0 : i32
      %dma_wait3A_300 = tpu.memref_slice %arg2[%dma_wait3A_298, %dma_wait3A_299] : memref<10000x128xf32, #tpu.memory_space<hbm>> -> memref<48x128xf32, #tpu.memory_space<hbm>>
      tpu.wait_dma2 semaphore(%arg14 : memref<!tpu.dma_semaphore, #tpu.memory_space<semaphore_mem>>) src(%dma_wait3A_300 : memref<48x128xf32, #tpu.memory_space<hbm>>) dst(%dma_wait3A_297 : memref<48x128xf32, #tpu.memory_space<vmem>>)
      %add3A_301 = arith.constant 2 : i32
      %add3A_302 = arith.addi %add3A_285, %add3A_301 : i32
      %mul3A_303 = arith.constant 48 : i32
      %mul3A_304 = arith.muli %add3A_302, %mul3A_303 : i32
      %dma_start3A_305 = arith.constant 0 : i32
      %dma_start3A_306 = arith.constant 0 : i32
      %dma_start3A_307 = arith.constant 0 : i32
      %dma_start3A_308 = tpu.memref_slice %arg10[%dma_start3A_305, %dma_start3A_306, %dma_start3A_307] : memref<4x48x128xf32, #tpu.memory_space<vmem>> -> memref<1x48x128xf32, #tpu.memory_space<vmem>>
      %dma_start3A_309 = tpu.memref_squeeze %dma_start3A_308 : memref<1x48x128xf32, #tpu.memory_space<vmem>> -> memref<48x128xf32, #tpu.memory_space<vmem>>
      %dma_start3A_310 = tpu.memref_slice %arg6[%mul3A_304] : memref<9984xi32, #tpu.memory_space<vmem>> -> memref<48xi32, #tpu.memory_space<vmem>>
      %dma_start3A_311 = arith.constant 0 : i32
      %dma_start3A_312 = arith.constant 0 : i32
      %dma_start3A_313 = tpu.memref_slice %arg2[%dma_start3A_311, %dma_start3A_312] : memref<10000x128xf32, #tpu.memory_space<hbm>> -> memref<10000x128xf32, #tpu.memory_space<hbm>>
      tpu.enqueue_indirect_dma source(%dma_start3A_313 : memref<10000x128xf32, #tpu.memory_space<hbm>>) target(%dma_start3A_309 : memref<48x128xf32, #tpu.memory_space<vmem>>) offsets(%dma_start3A_310 : memref<48xi32, #tpu.memory_space<vmem>>) semaphore(%arg13 : memref<!tpu.dma_semaphore, #tpu.memory_space<semaphore_mem>>)
      %dma_wait3A_314 = arith.constant 2 : i32
      %dma_wait3A_315 = arith.constant 0 : i32
      %dma_wait3A_316 = arith.constant 0 : i32
      %dma_wait3A_317 = tpu.memref_slice %arg10[%dma_wait3A_314, %dma_wait3A_315, %dma_wait3A_316] : memref<4x48x128xf32, #tpu.memory_space<vmem>> -> memref<1x48x128xf32, #tpu.memory_space<vmem>>
      %dma_wait3A_318 = tpu.memref_squeeze %dma_wait3A_317 : memref<1x48x128xf32, #tpu.memory_space<vmem>> -> memref<48x128xf32, #tpu.memory_space<vmem>>
      %dma_wait3A_319 = arith.constant 0 : i32
      %dma_wait3A_320 = arith.constant 0 : i32
      %dma_wait3A_321 = tpu.memref_slice %arg2[%dma_wait3A_319, %dma_wait3A_320] : memref<10000x128xf32, #tpu.memory_space<hbm>> -> memref<48x128xf32, #tpu.memory_space<hbm>>
      %dma_wait3A_322 = arith.constant 0 : i32
      %dma_wait3A_323 = arith.constant 0 : i32
      %dma_wait3A_324 = tpu.memref_slice %arg10[%dma_wait3A_314, %dma_wait3A_322, %dma_wait3A_323] : memref<4x48x128xf32, #tpu.memory_space<vmem>> -> memref<1x48x128xf32, #tpu.memory_space<vmem>>
      %dma_wait3A_325 = tpu.memref_squeeze %dma_wait3A_324 : memref<1x48x128xf32, #tpu.memory_space<vmem>> -> memref<48x128xf32, #tpu.memory_space<vmem>>
      %dma_wait3A_326 = arith.constant 0 : i32
      %dma_wait3A_327 = arith.constant 0 : i32
      %dma_wait3A_328 = tpu.memref_slice %arg2[%dma_wait3A_326, %dma_wait3A_327] : memref<10000x128xf32, #tpu.memory_space<hbm>> -> memref<48x128xf32, #tpu.memory_space<hbm>>
      tpu.wait_dma2 semaphore(%arg13 : memref<!tpu.dma_semaphore, #tpu.memory_space<semaphore_mem>>) src(%dma_wait3A_328 : memref<48x128xf32, #tpu.memory_space<hbm>>) dst(%dma_wait3A_325 : memref<48x128xf32, #tpu.memory_space<vmem>>)
      %mul3A_329 = arith.constant 48 : i32
      %mul3A_330 = arith.muli %add3A_285, %mul3A_329 : i32
      %dma_start3A_331 = arith.constant 2 : i32
      %dma_start3A_332 = arith.constant 0 : i32
      %dma_start3A_333 = arith.constant 0 : i32
      %dma_start3A_334 = tpu.memref_slice %arg10[%dma_start3A_331, %dma_start3A_332, %dma_start3A_333] : memref<4x48x128xf32, #tpu.memory_space<vmem>> -> memref<1x48x128xf32, #tpu.memory_space<vmem>>
      %dma_start3A_335 = tpu.memref_squeeze %dma_start3A_334 : memref<1x48x128xf32, #tpu.memory_space<vmem>> -> memref<48x128xf32, #tpu.memory_space<vmem>>
      %dma_start3A_336 = tpu.memref_slice %arg7[%mul3A_330] : memref<9984xi32, #tpu.memory_space<vmem>> -> memref<48xi32, #tpu.memory_space<vmem>>
      %dma_start3A_337 = arith.constant 0 : i32
      %dma_start3A_338 = arith.constant 0 : i32
      %dma_start3A_339 = tpu.memref_slice %arg11[%dma_start3A_337, %dma_start3A_338] : memref<10000x128xf32, #tpu.memory_space<vmem_shared>> -> memref<10000x128xf32, #tpu.memory_space<vmem_shared>>
      tpu.enqueue_indirect_dma source(%dma_start3A_335 : memref<48x128xf32, #tpu.memory_space<vmem>>) target(%dma_start3A_339 : memref<10000x128xf32, #tpu.memory_space<vmem_shared>>) offsets(%dma_start3A_336 : memref<48xi32, #tpu.memory_space<vmem>>) semaphore(%arg14 : memref<!tpu.dma_semaphore, #tpu.memory_space<semaphore_mem>>) {add = true}
      %add3A_340 = arith.constant 1 : i32
      %add3A_341 = arith.addi %add3A_283, %add3A_340 : i32
      %dma_wait3A_342 = arith.constant 1 : i32
      %dma_wait3A_343 = arith.constant 0 : i32
      %dma_wait3A_344 = arith.constant 0 : i32
      %dma_wait3A_345 = tpu.memref_slice %arg10[%dma_wait3A_342, %dma_wait3A_343, %dma_wait3A_344] : memref<4x48x128xf32, #tpu.memory_space<vmem>> -> memref<1x48x128xf32, #tpu.memory_space<vmem>>
      %dma_wait3A_346 = tpu.memref_squeeze %dma_wait3A_345 : memref<1x48x128xf32, #tpu.memory_space<vmem>> -> memref<48x128xf32, #tpu.memory_space<vmem>>
      %dma_wait3A_347 = arith.constant 0 : i32
      %dma_wait3A_348 = arith.constant 0 : i32
      %dma_wait3A_349 = tpu.memref_slice %arg2[%dma_wait3A_347, %dma_wait3A_348] : memref<10000x128xf32, #tpu.memory_space<hbm>> -> memref<48x128xf32, #tpu.memory_space<hbm>>
      %dma_wait3A_350 = arith.constant 0 : i32
      %dma_wait3A_351 = arith.constant 0 : i32
      %dma_wait3A_352 = tpu.memref_slice %arg10[%dma_wait3A_342, %dma_wait3A_350, %dma_wait3A_351] : memref<4x48x128xf32, #tpu.memory_space<vmem>> -> memref<1x48x128xf32, #tpu.memory_space<vmem>>
      %dma_wait3A_353 = tpu.memref_squeeze %dma_wait3A_352 : memref<1x48x128xf32, #tpu.memory_space<vmem>> -> memref<48x128xf32, #tpu.memory_space<vmem>>
      %dma_wait3A_354 = arith.constant 0 : i32
      %dma_wait3A_355 = arith.constant 0 : i32
      %dma_wait3A_356 = tpu.memref_slice %arg2[%dma_wait3A_354, %dma_wait3A_355] : memref<10000x128xf32, #tpu.memory_space<hbm>> -> memref<48x128xf32, #tpu.memory_space<hbm>>
      tpu.wait_dma2 semaphore(%arg14 : memref<!tpu.dma_semaphore, #tpu.memory_space<semaphore_mem>>) src(%dma_wait3A_356 : memref<48x128xf32, #tpu.memory_space<hbm>>) dst(%dma_wait3A_353 : memref<48x128xf32, #tpu.memory_space<vmem>>)
      %add3A_357 = arith.constant 2 : i32
      %add3A_358 = arith.addi %add3A_341, %add3A_357 : i32
      %mul3A_359 = arith.constant 48 : i32
      %mul3A_360 = arith.muli %add3A_358, %mul3A_359 : i32
      %dma_start3A_361 = arith.constant 1 : i32
      %dma_start3A_362 = arith.constant 0 : i32
      %dma_start3A_363 = arith.constant 0 : i32
      %dma_start3A_364 = tpu.memref_slice %arg10[%dma_start3A_361, %dma_start3A_362, %dma_start3A_363] : memref<4x48x128xf32, #tpu.memory_space<vmem>> -> memref<1x48x128xf32, #tpu.memory_space<vmem>>
      %dma_start3A_365 = tpu.memref_squeeze %dma_start3A_364 : memref<1x48x128xf32, #tpu.memory_space<vmem>> -> memref<48x128xf32, #tpu.memory_space<vmem>>
      %dma_start3A_366 = tpu.memref_slice %arg6[%mul3A_360] : memref<9984xi32, #tpu.memory_space<vmem>> -> memref<48xi32, #tpu.memory_space<vmem>>
      %dma_start3A_367 = arith.constant 0 : i32
      %dma_start3A_368 = arith.constant 0 : i32
      %dma_start3A_369 = tpu.memref_slice %arg2[%dma_start3A_367, %dma_start3A_368] : memref<10000x128xf32, #tpu.memory_space<hbm>> -> memref<10000x128xf32, #tpu.memory_space<hbm>>
      tpu.enqueue_indirect_dma source(%dma_start3A_369 : memref<10000x128xf32, #tpu.memory_space<hbm>>) target(%dma_start3A_365 : memref<48x128xf32, #tpu.memory_space<vmem>>) offsets(%dma_start3A_366 : memref<48xi32, #tpu.memory_space<vmem>>) semaphore(%arg13 : memref<!tpu.dma_semaphore, #tpu.memory_space<semaphore_mem>>)
      %dma_wait3A_370 = arith.constant 3 : i32
      %dma_wait3A_371 = arith.constant 0 : i32
      %dma_wait3A_372 = arith.constant 0 : i32
      %dma_wait3A_373 = tpu.memref_slice %arg10[%dma_wait3A_370, %dma_wait3A_371, %dma_wait3A_372] : memref<4x48x128xf32, #tpu.memory_space<vmem>> -> memref<1x48x128xf32, #tpu.memory_space<vmem>>
      %dma_wait3A_374 = tpu.memref_squeeze %dma_wait3A_373 : memref<1x48x128xf32, #tpu.memory_space<vmem>> -> memref<48x128xf32, #tpu.memory_space<vmem>>
      %dma_wait3A_375 = arith.constant 0 : i32
      %dma_wait3A_376 = arith.constant 0 : i32
      %dma_wait3A_377 = tpu.memref_slice %arg2[%dma_wait3A_375, %dma_wait3A_376] : memref<10000x128xf32, #tpu.memory_space<hbm>> -> memref<48x128xf32, #tpu.memory_space<hbm>>
      %dma_wait3A_378 = arith.constant 0 : i32
      %dma_wait3A_379 = arith.constant 0 : i32
      %dma_wait3A_380 = tpu.memref_slice %arg10[%dma_wait3A_370, %dma_wait3A_378, %dma_wait3A_379] : memref<4x48x128xf32, #tpu.memory_space<vmem>> -> memref<1x48x128xf32, #tpu.memory_space<vmem>>
      %dma_wait3A_381 = tpu.memref_squeeze %dma_wait3A_380 : memref<1x48x128xf32, #tpu.memory_space<vmem>> -> memref<48x128xf32, #tpu.memory_space<vmem>>
      %dma_wait3A_382 = arith.constant 0 : i32
      %dma_wait3A_383 = arith.constant 0 : i32
      %dma_wait3A_384 = tpu.memref_slice %arg2[%dma_wait3A_382, %dma_wait3A_383] : memref<10000x128xf32, #tpu.memory_space<hbm>> -> memref<48x128xf32, #tpu.memory_space<hbm>>
      tpu.wait_dma2 semaphore(%arg13 : memref<!tpu.dma_semaphore, #tpu.memory_space<semaphore_mem>>) src(%dma_wait3A_384 : memref<48x128xf32, #tpu.memory_space<hbm>>) dst(%dma_wait3A_381 : memref<48x128xf32, #tpu.memory_space<vmem>>)
      %mul3A_385 = arith.constant 48 : i32
      %mul3A_386 = arith.muli %add3A_341, %mul3A_385 : i32
      %dma_start3A_387 = arith.constant 3 : i32
      %dma_start3A_388 = arith.constant 0 : i32
      %dma_start3A_389 = arith.constant 0 : i32
      %dma_start3A_390 = tpu.memref_slice %arg10[%dma_start3A_387, %dma_start3A_388, %dma_start3A_389] : memref<4x48x128xf32, #tpu.memory_space<vmem>> -> memref<1x48x128xf32, #tpu.memory_space<vmem>>
      %dma_start3A_391 = tpu.memref_squeeze %dma_start3A_390 : memref<1x48x128xf32, #tpu.memory_space<vmem>> -> memref<48x128xf32, #tpu.memory_space<vmem>>
      %dma_start3A_392 = tpu.memref_slice %arg7[%mul3A_386] : memref<9984xi32, #tpu.memory_space<vmem>> -> memref<48xi32, #tpu.memory_space<vmem>>
      %dma_start3A_393 = arith.constant 0 : i32
      %dma_start3A_394 = arith.constant 0 : i32
      %dma_start3A_395 = tpu.memref_slice %arg11[%dma_start3A_393, %dma_start3A_394] : memref<10000x128xf32, #tpu.memory_space<vmem_shared>> -> memref<10000x128xf32, #tpu.memory_space<vmem_shared>>
      tpu.enqueue_indirect_dma source(%dma_start3A_391 : memref<48x128xf32, #tpu.memory_space<vmem>>) target(%dma_start3A_395 : memref<10000x128xf32, #tpu.memory_space<vmem_shared>>) offsets(%dma_start3A_392 : memref<48xi32, #tpu.memory_space<vmem>>) semaphore(%arg14 : memref<!tpu.dma_semaphore, #tpu.memory_space<semaphore_mem>>) {add = true}
      %add3A_396 = arith.constant 2 : i32
      %add3A_397 = arith.addi %add3A_283, %add3A_396 : i32
      %dma_wait3A_398 = arith.constant 2 : i32
      %dma_wait3A_399 = arith.constant 0 : i32
      %dma_wait3A_400 = arith.constant 0 : i32
      %dma_wait3A_401 = tpu.memref_slice %arg10[%dma_wait3A_398, %dma_wait3A_399, %dma_wait3A_400] : memref<4x48x128xf32, #tpu.memory_space<vmem>> -> memref<1x48x128xf32, #tpu.memory_space<vmem>>
      %dma_wait3A_402 = tpu.memref_squeeze %dma_wait3A_401 : memref<1x48x128xf32, #tpu.memory_space<vmem>> -> memref<48x128xf32, #tpu.memory_space<vmem>>
      %dma_wait3A_403 = arith.constant 0 : i32
      %dma_wait3A_404 = arith.constant 0 : i32
      %dma_wait3A_405 = tpu.memref_slice %arg2[%dma_wait3A_403, %dma_wait3A_404] : memref<10000x128xf32, #tpu.memory_space<hbm>> -> memref<48x128xf32, #tpu.memory_space<hbm>>
      %dma_wait3A_406 = arith.constant 0 : i32
      %dma_wait3A_407 = arith.constant 0 : i32
      %dma_wait3A_408 = tpu.memref_slice %arg10[%dma_wait3A_398, %dma_wait3A_406, %dma_wait3A_407] : memref<4x48x128xf32, #tpu.memory_space<vmem>> -> memref<1x48x128xf32, #tpu.memory_space<vmem>>
      %dma_wait3A_409 = tpu.memref_squeeze %dma_wait3A_408 : memref<1x48x128xf32, #tpu.memory_space<vmem>> -> memref<48x128xf32, #tpu.memory_space<vmem>>
      %dma_wait3A_410 = arith.constant 0 : i32
      %dma_wait3A_411 = arith.constant 0 : i32
      %dma_wait3A_412 = tpu.memref_slice %arg2[%dma_wait3A_410, %dma_wait3A_411] : memref<10000x128xf32, #tpu.memory_space<hbm>> -> memref<48x128xf32, #tpu.memory_space<hbm>>
      tpu.wait_dma2 semaphore(%arg14 : memref<!tpu.dma_semaphore, #tpu.memory_space<semaphore_mem>>) src(%dma_wait3A_412 : memref<48x128xf32, #tpu.memory_space<hbm>>) dst(%dma_wait3A_409 : memref<48x128xf32, #tpu.memory_space<vmem>>)
      %add3A_413 = arith.constant 2 : i32
      %add3A_414 = arith.addi %add3A_397, %add3A_413 : i32
      %mul3A_415 = arith.constant 48 : i32
      %mul3A_416 = arith.muli %add3A_414, %mul3A_415 : i32
      %dma_start3A_417 = arith.constant 2 : i32
      %dma_start3A_418 = arith.constant 0 : i32
      %dma_start3A_419 = arith.constant 0 : i32
      %dma_start3A_420 = tpu.memref_slice %arg10[%dma_start3A_417, %dma_start3A_418, %dma_start3A_419] : memref<4x48x128xf32, #tpu.memory_space<vmem>> -> memref<1x48x128xf32, #tpu.memory_space<vmem>>
      %dma_start3A_421 = tpu.memref_squeeze %dma_start3A_420 : memref<1x48x128xf32, #tpu.memory_space<vmem>> -> memref<48x128xf32, #tpu.memory_space<vmem>>
      %dma_start3A_422 = tpu.memref_slice %arg6[%mul3A_416] : memref<9984xi32, #tpu.memory_space<vmem>> -> memref<48xi32, #tpu.memory_space<vmem>>
      %dma_start3A_423 = arith.constant 0 : i32
      %dma_start3A_424 = arith.constant 0 : i32
      %dma_start3A_425 = tpu.memref_slice %arg2[%dma_start3A_423, %dma_start3A_424] : memref<10000x128xf32, #tpu.memory_space<hbm>> -> memref<10000x128xf32, #tpu.memory_space<hbm>>
      tpu.enqueue_indirect_dma source(%dma_start3A_425 : memref<10000x128xf32, #tpu.memory_space<hbm>>) target(%dma_start3A_421 : memref<48x128xf32, #tpu.memory_space<vmem>>) offsets(%dma_start3A_422 : memref<48xi32, #tpu.memory_space<vmem>>) semaphore(%arg13 : memref<!tpu.dma_semaphore, #tpu.memory_space<semaphore_mem>>)
      %dma_wait3A_426 = arith.constant 0 : i32
      %dma_wait3A_427 = arith.constant 0 : i32
      %dma_wait3A_428 = arith.constant 0 : i32
      %dma_wait3A_429 = tpu.memref_slice %arg10[%dma_wait3A_426, %dma_wait3A_427, %dma_wait3A_428] : memref<4x48x128xf32, #tpu.memory_space<vmem>> -> memref<1x48x128xf32, #tpu.memory_space<vmem>>
      %dma_wait3A_430 = tpu.memref_squeeze %dma_wait3A_429 : memref<1x48x128xf32, #tpu.memory_space<vmem>> -> memref<48x128xf32, #tpu.memory_space<vmem>>
      %dma_wait3A_431 = arith.constant 0 : i32
      %dma_wait3A_432 = arith.constant 0 : i32
      %dma_wait3A_433 = tpu.memref_slice %arg2[%dma_wait3A_431, %dma_wait3A_432] : memref<10000x128xf32, #tpu.memory_space<hbm>> -> memref<48x128xf32, #tpu.memory_space<hbm>>
      %dma_wait3A_434 = arith.constant 0 : i32
      %dma_wait3A_435 = arith.constant 0 : i32
      %dma_wait3A_436 = tpu.memref_slice %arg10[%dma_wait3A_426, %dma_wait3A_434, %dma_wait3A_435] : memref<4x48x128xf32, #tpu.memory_space<vmem>> -> memref<1x48x128xf32, #tpu.memory_space<vmem>>
      %dma_wait3A_437 = tpu.memref_squeeze %dma_wait3A_436 : memref<1x48x128xf32, #tpu.memory_space<vmem>> -> memref<48x128xf32, #tpu.memory_space<vmem>>
      %dma_wait3A_438 = arith.constant 0 : i32
      %dma_wait3A_439 = arith.constant 0 : i32
      %dma_wait3A_440 = tpu.memref_slice %arg2[%dma_wait3A_438, %dma_wait3A_439] : memref<10000x128xf32, #tpu.memory_space<hbm>> -> memref<48x128xf32, #tpu.memory_space<hbm>>
      tpu.wait_dma2 semaphore(%arg13 : memref<!tpu.dma_semaphore, #tpu.memory_space<semaphore_mem>>) src(%dma_wait3A_440 : memref<48x128xf32, #tpu.memory_space<hbm>>) dst(%dma_wait3A_437 : memref<48x128xf32, #tpu.memory_space<vmem>>)
      %mul3A_441 = arith.constant 48 : i32
      %mul3A_442 = arith.muli %add3A_397, %mul3A_441 : i32
      %dma_start3A_443 = arith.constant 0 : i32
      %dma_start3A_444 = arith.constant 0 : i32
      %dma_start3A_445 = arith.constant 0 : i32
      %dma_start3A_446 = tpu.memref_slice %arg10[%dma_start3A_443, %dma_start3A_444, %dma_start3A_445] : memref<4x48x128xf32, #tpu.memory_space<vmem>> -> memref<1x48x128xf32, #tpu.memory_space<vmem>>
      %dma_start3A_447 = tpu.memref_squeeze %dma_start3A_446 : memref<1x48x128xf32, #tpu.memory_space<vmem>> -> memref<48x128xf32, #tpu.memory_space<vmem>>
      %dma_start3A_448 = tpu.memref_slice %arg7[%mul3A_442] : memref<9984xi32, #tpu.memory_space<vmem>> -> memref<48xi32, #tpu.memory_space<vmem>>
      %dma_start3A_449 = arith.constant 0 : i32
      %dma_start3A_450 = arith.constant 0 : i32
      %dma_start3A_451 = tpu.memref_slice %arg11[%dma_start3A_449, %dma_start3A_450] : memref<10000x128xf32, #tpu.memory_space<vmem_shared>> -> memref<10000x128xf32, #tpu.memory_space<vmem_shared>>
      tpu.enqueue_indirect_dma source(%dma_start3A_447 : memref<48x128xf32, #tpu.memory_space<vmem>>) target(%dma_start3A_451 : memref<10000x128xf32, #tpu.memory_space<vmem_shared>>) offsets(%dma_start3A_448 : memref<48xi32, #tpu.memory_space<vmem>>) semaphore(%arg14 : memref<!tpu.dma_semaphore, #tpu.memory_space<semaphore_mem>>) {add = true}
      %add3A_452 = arith.constant 3 : i32
      %add3A_453 = arith.addi %add3A_283, %add3A_452 : i32
      %dma_wait3A_454 = arith.constant 3 : i32
      %dma_wait3A_455 = arith.constant 0 : i32
      %dma_wait3A_456 = arith.constant 0 : i32
      %dma_wait3A_457 = tpu.memref_slice %arg10[%dma_wait3A_454, %dma_wait3A_455, %dma_wait3A_456] : memref<4x48x128xf32, #tpu.memory_space<vmem>> -> memref<1x48x128xf32, #tpu.memory_space<vmem>>
      %dma_wait3A_458 = tpu.memref_squeeze %dma_wait3A_457 : memref<1x48x128xf32, #tpu.memory_space<vmem>> -> memref<48x128xf32, #tpu.memory_space<vmem>>
      %dma_wait3A_459 = arith.constant 0 : i32
      %dma_wait3A_460 = arith.constant 0 : i32
      %dma_wait3A_461 = tpu.memref_slice %arg2[%dma_wait3A_459, %dma_wait3A_460] : memref<10000x128xf32, #tpu.memory_space<hbm>> -> memref<48x128xf32, #tpu.memory_space<hbm>>
      %dma_wait3A_462 = arith.constant 0 : i32
      %dma_wait3A_463 = arith.constant 0 : i32
      %dma_wait3A_464 = tpu.memref_slice %arg10[%dma_wait3A_454, %dma_wait3A_462, %dma_wait3A_463] : memref<4x48x128xf32, #tpu.memory_space<vmem>> -> memref<1x48x128xf32, #tpu.memory_space<vmem>>
      %dma_wait3A_465 = tpu.memref_squeeze %dma_wait3A_464 : memref<1x48x128xf32, #tpu.memory_space<vmem>> -> memref<48x128xf32, #tpu.memory_space<vmem>>
      %dma_wait3A_466 = arith.constant 0 : i32
      %dma_wait3A_467 = arith.constant 0 : i32
      %dma_wait3A_468 = tpu.memref_slice %arg2[%dma_wait3A_466, %dma_wait3A_467] : memref<10000x128xf32, #tpu.memory_space<hbm>> -> memref<48x128xf32, #tpu.memory_space<hbm>>
      tpu.wait_dma2 semaphore(%arg14 : memref<!tpu.dma_semaphore, #tpu.memory_space<semaphore_mem>>) src(%dma_wait3A_468 : memref<48x128xf32, #tpu.memory_space<hbm>>) dst(%dma_wait3A_465 : memref<48x128xf32, #tpu.memory_space<vmem>>)
      %add3A_469 = arith.constant 2 : i32
      %add3A_470 = arith.addi %add3A_453, %add3A_469 : i32
      %mul3A_471 = arith.constant 48 : i32
      %mul3A_472 = arith.muli %add3A_470, %mul3A_471 : i32
      %dma_start3A_473 = arith.constant 3 : i32
      %dma_start3A_474 = arith.constant 0 : i32
      %dma_start3A_475 = arith.constant 0 : i32
      %dma_start3A_476 = tpu.memref_slice %arg10[%dma_start3A_473, %dma_start3A_474, %dma_start3A_475] : memref<4x48x128xf32, #tpu.memory_space<vmem>> -> memref<1x48x128xf32, #tpu.memory_space<vmem>>
      %dma_start3A_477 = tpu.memref_squeeze %dma_start3A_476 : memref<1x48x128xf32, #tpu.memory_space<vmem>> -> memref<48x128xf32, #tpu.memory_space<vmem>>
      %dma_start3A_478 = tpu.memref_slice %arg6[%mul3A_472] : memref<9984xi32, #tpu.memory_space<vmem>> -> memref<48xi32, #tpu.memory_space<vmem>>
      %dma_start3A_479 = arith.constant 0 : i32
      %dma_start3A_480 = arith.constant 0 : i32
      %dma_start3A_481 = tpu.memref_slice %arg2[%dma_start3A_479, %dma_start3A_480] : memref<10000x128xf32, #tpu.memory_space<hbm>> -> memref<10000x128xf32, #tpu.memory_space<hbm>>
      tpu.enqueue_indirect_dma source(%dma_start3A_481 : memref<10000x128xf32, #tpu.memory_space<hbm>>) target(%dma_start3A_477 : memref<48x128xf32, #tpu.memory_space<vmem>>) offsets(%dma_start3A_478 : memref<48xi32, #tpu.memory_space<vmem>>) semaphore(%arg13 : memref<!tpu.dma_semaphore, #tpu.memory_space<semaphore_mem>>)
      %dma_wait3A_482 = arith.constant 1 : i32
      %dma_wait3A_483 = arith.constant 0 : i32
      %dma_wait3A_484 = arith.constant 0 : i32
      %dma_wait3A_485 = tpu.memref_slice %arg10[%dma_wait3A_482, %dma_wait3A_483, %dma_wait3A_484] : memref<4x48x128xf32, #tpu.memory_space<vmem>> -> memref<1x48x128xf32, #tpu.memory_space<vmem>>
      %dma_wait3A_486 = tpu.memref_squeeze %dma_wait3A_485 : memref<1x48x128xf32, #tpu.memory_space<vmem>> -> memref<48x128xf32, #tpu.memory_space<vmem>>
      %dma_wait3A_487 = arith.constant 0 : i32
      %dma_wait3A_488 = arith.constant 0 : i32
      %dma_wait3A_489 = tpu.memref_slice %arg2[%dma_wait3A_487, %dma_wait3A_488] : memref<10000x128xf32, #tpu.memory_space<hbm>> -> memref<48x128xf32, #tpu.memory_space<hbm>>
      %dma_wait3A_490 = arith.constant 0 : i32
      %dma_wait3A_491 = arith.constant 0 : i32
      %dma_wait3A_492 = tpu.memref_slice %arg10[%dma_wait3A_482, %dma_wait3A_490, %dma_wait3A_491] : memref<4x48x128xf32, #tpu.memory_space<vmem>> -> memref<1x48x128xf32, #tpu.memory_space<vmem>>
      %dma_wait3A_493 = tpu.memref_squeeze %dma_wait3A_492 : memref<1x48x128xf32, #tpu.memory_space<vmem>> -> memref<48x128xf32, #tpu.memory_space<vmem>>
      %dma_wait3A_494 = arith.constant 0 : i32
      %dma_wait3A_495 = arith.constant 0 : i32
      %dma_wait3A_496 = tpu.memref_slice %arg2[%dma_wait3A_494, %dma_wait3A_495] : memref<10000x128xf32, #tpu.memory_space<hbm>> -> memref<48x128xf32, #tpu.memory_space<hbm>>
      tpu.wait_dma2 semaphore(%arg13 : memref<!tpu.dma_semaphore, #tpu.memory_space<semaphore_mem>>) src(%dma_wait3A_496 : memref<48x128xf32, #tpu.memory_space<hbm>>) dst(%dma_wait3A_493 : memref<48x128xf32, #tpu.memory_space<vmem>>)
      %mul3A_497 = arith.constant 48 : i32
      %mul3A_498 = arith.muli %add3A_453, %mul3A_497 : i32
      %dma_start3A_499 = arith.constant 1 : i32
      %dma_start3A_500 = arith.constant 0 : i32
      %dma_start3A_501 = arith.constant 0 : i32
      %dma_start3A_502 = tpu.memref_slice %arg10[%dma_start3A_499, %dma_start3A_500, %dma_start3A_501] : memref<4x48x128xf32, #tpu.memory_space<vmem>> -> memref<1x48x128xf32, #tpu.memory_space<vmem>>
      %dma_start3A_503 = tpu.memref_squeeze %dma_start3A_502 : memref<1x48x128xf32, #tpu.memory_space<vmem>> -> memref<48x128xf32, #tpu.memory_space<vmem>>
      %dma_start3A_504 = tpu.memref_slice %arg7[%mul3A_498] : memref<9984xi32, #tpu.memory_space<vmem>> -> memref<48xi32, #tpu.memory_space<vmem>>
      %dma_start3A_505 = arith.constant 0 : i32
      %dma_start3A_506 = arith.constant 0 : i32
      %dma_start3A_507 = tpu.memref_slice %arg11[%dma_start3A_505, %dma_start3A_506] : memref<10000x128xf32, #tpu.memory_space<vmem_shared>> -> memref<10000x128xf32, #tpu.memory_space<vmem_shared>>
      tpu.enqueue_indirect_dma source(%dma_start3A_503 : memref<48x128xf32, #tpu.memory_space<vmem>>) target(%dma_start3A_507 : memref<10000x128xf32, #tpu.memory_space<vmem_shared>>) offsets(%dma_start3A_504 : memref<48xi32, #tpu.memory_space<vmem>>) semaphore(%arg14 : memref<!tpu.dma_semaphore, #tpu.memory_space<semaphore_mem>>) {add = true}
    }
    %scan3A_157 = arith.constant 51 : i32
    %dma_wait3A_158 = arith.constant 0 : i32
    %dma_wait3A_159 = arith.constant 0 : i32
    %dma_wait3A_160 = arith.constant 0 : i32
    %dma_wait3A_161 = tpu.memref_slice %arg10[%dma_wait3A_158, %dma_wait3A_159, %dma_wait3A_160] : memref<4x48x128xf32, #tpu.memory_space<vmem>> -> memref<1x48x128xf32, #tpu.memory_space<vmem>>
    %dma_wait3A_162 = tpu.memref_squeeze %dma_wait3A_161 : memref<1x48x128xf32, #tpu.memory_space<vmem>> -> memref<48x128xf32, #tpu.memory_space<vmem>>
    %dma_wait3A_163 = arith.constant 0 : i32
    %dma_wait3A_164 = arith.constant 0 : i32
    %dma_wait3A_165 = tpu.memref_slice %arg2[%dma_wait3A_163, %dma_wait3A_164] : memref<10000x128xf32, #tpu.memory_space<hbm>> -> memref<48x128xf32, #tpu.memory_space<hbm>>
    %dma_wait3A_166 = arith.constant 0 : i32
    %dma_wait3A_167 = arith.constant 0 : i32
    %dma_wait3A_168 = tpu.memref_slice %arg10[%dma_wait3A_158, %dma_wait3A_166, %dma_wait3A_167] : memref<4x48x128xf32, #tpu.memory_space<vmem>> -> memref<1x48x128xf32, #tpu.memory_space<vmem>>
    %dma_wait3A_169 = tpu.memref_squeeze %dma_wait3A_168 : memref<1x48x128xf32, #tpu.memory_space<vmem>> -> memref<48x128xf32, #tpu.memory_space<vmem>>
    %dma_wait3A_170 = arith.constant 0 : i32
    %dma_wait3A_171 = arith.constant 0 : i32
    %dma_wait3A_172 = tpu.memref_slice %arg2[%dma_wait3A_170, %dma_wait3A_171] : memref<10000x128xf32, #tpu.memory_space<hbm>> -> memref<48x128xf32, #tpu.memory_space<hbm>>
    tpu.wait_dma2 semaphore(%arg14 : memref<!tpu.dma_semaphore, #tpu.memory_space<semaphore_mem>>) src(%dma_wait3A_172 : memref<48x128xf32, #tpu.memory_space<hbm>>) dst(%dma_wait3A_169 : memref<48x128xf32, #tpu.memory_space<vmem>>)
    %dma_wait3A_173 = arith.constant 2 : i32
    %dma_wait3A_174 = arith.constant 0 : i32
    %dma_wait3A_175 = arith.constant 0 : i32
    %dma_wait3A_176 = tpu.memref_slice %arg10[%dma_wait3A_173, %dma_wait3A_174, %dma_wait3A_175] : memref<4x48x128xf32, #tpu.memory_space<vmem>> -> memref<1x48x128xf32, #tpu.memory_space<vmem>>
    %dma_wait3A_177 = tpu.memref_squeeze %dma_wait3A_176 : memref<1x48x128xf32, #tpu.memory_space<vmem>> -> memref<48x128xf32, #tpu.memory_space<vmem>>
    %dma_wait3A_178 = arith.constant 0 : i32
    %dma_wait3A_179 = arith.constant 0 : i32
    %dma_wait3A_180 = tpu.memref_slice %arg2[%dma_wait3A_178, %dma_wait3A_179] : memref<10000x128xf32, #tpu.memory_space<hbm>> -> memref<48x128xf32, #tpu.memory_space<hbm>>
    %dma_wait3A_181 = arith.constant 0 : i32
    %dma_wait3A_182 = arith.constant 0 : i32
    %dma_wait3A_183 = tpu.memref_slice %arg10[%dma_wait3A_173, %dma_wait3A_181, %dma_wait3A_182] : memref<4x48x128xf32, #tpu.memory_space<vmem>> -> memref<1x48x128xf32, #tpu.memory_space<vmem>>
    %dma_wait3A_184 = tpu.memref_squeeze %dma_wait3A_183 : memref<1x48x128xf32, #tpu.memory_space<vmem>> -> memref<48x128xf32, #tpu.memory_space<vmem>>
    %dma_wait3A_185 = arith.constant 0 : i32
    %dma_wait3A_186 = arith.constant 0 : i32
    %dma_wait3A_187 = tpu.memref_slice %arg2[%dma_wait3A_185, %dma_wait3A_186] : memref<10000x128xf32, #tpu.memory_space<hbm>> -> memref<48x128xf32, #tpu.memory_space<hbm>>
    tpu.wait_dma2 semaphore(%arg13 : memref<!tpu.dma_semaphore, #tpu.memory_space<semaphore_mem>>) src(%dma_wait3A_187 : memref<48x128xf32, #tpu.memory_space<hbm>>) dst(%dma_wait3A_184 : memref<48x128xf32, #tpu.memory_space<vmem>>)
    %dma_start3A_188 = arith.constant 2 : i32
    %dma_start3A_189 = arith.constant 0 : i32
    %dma_start3A_190 = arith.constant 0 : i32
    %dma_start3A_191 = tpu.memref_slice %arg10[%dma_start3A_188, %dma_start3A_189, %dma_start3A_190] : memref<4x48x128xf32, #tpu.memory_space<vmem>> -> memref<1x48x128xf32, #tpu.memory_space<vmem>>
    %dma_start3A_192 = tpu.memref_squeeze %dma_start3A_191 : memref<1x48x128xf32, #tpu.memory_space<vmem>> -> memref<48x128xf32, #tpu.memory_space<vmem>>
    %dma_start3A_193 = arith.constant 9888 : i32
    %dma_start3A_194 = tpu.memref_slice %arg7[%dma_start3A_193] : memref<9984xi32, #tpu.memory_space<vmem>> -> memref<48xi32, #tpu.memory_space<vmem>>
    %dma_start3A_195 = arith.constant 0 : i32
    %dma_start3A_196 = arith.constant 0 : i32
    %dma_start3A_197 = tpu.memref_slice %arg11[%dma_start3A_195, %dma_start3A_196] : memref<10000x128xf32, #tpu.memory_space<vmem_shared>> -> memref<10000x128xf32, #tpu.memory_space<vmem_shared>>
    tpu.enqueue_indirect_dma source(%dma_start3A_192 : memref<48x128xf32, #tpu.memory_space<vmem>>) target(%dma_start3A_197 : memref<10000x128xf32, #tpu.memory_space<vmem_shared>>) offsets(%dma_start3A_194 : memref<48xi32, #tpu.memory_space<vmem>>) semaphore(%arg14 : memref<!tpu.dma_semaphore, #tpu.memory_space<semaphore_mem>>) {add = true}
    %dma_wait3A_198 = arith.constant 1 : i32
    %dma_wait3A_199 = arith.constant 0 : i32
    %dma_wait3A_200 = arith.constant 0 : i32
    %dma_wait3A_201 = tpu.memref_slice %arg10[%dma_wait3A_198, %dma_wait3A_199, %dma_wait3A_200] : memref<4x48x128xf32, #tpu.memory_space<vmem>> -> memref<1x48x128xf32, #tpu.memory_space<vmem>>
    %dma_wait3A_202 = tpu.memref_squeeze %dma_wait3A_201 : memref<1x48x128xf32, #tpu.memory_space<vmem>> -> memref<48x128xf32, #tpu.memory_space<vmem>>
    %dma_wait3A_203 = arith.constant 0 : i32
    %dma_wait3A_204 = arith.constant 0 : i32
    %dma_wait3A_205 = tpu.memref_slice %arg2[%dma_wait3A_203, %dma_wait3A_204] : memref<10000x128xf32, #tpu.memory_space<hbm>> -> memref<48x128xf32, #tpu.memory_space<hbm>>
    %dma_wait3A_206 = arith.constant 0 : i32
    %dma_wait3A_207 = arith.constant 0 : i32
    %dma_wait3A_208 = tpu.memref_slice %arg10[%dma_wait3A_198, %dma_wait3A_206, %dma_wait3A_207] : memref<4x48x128xf32, #tpu.memory_space<vmem>> -> memref<1x48x128xf32, #tpu.memory_space<vmem>>
    %dma_wait3A_209 = tpu.memref_squeeze %dma_wait3A_208 : memref<1x48x128xf32, #tpu.memory_space<vmem>> -> memref<48x128xf32, #tpu.memory_space<vmem>>
    %dma_wait3A_210 = arith.constant 0 : i32
    %dma_wait3A_211 = arith.constant 0 : i32
    %dma_wait3A_212 = tpu.memref_slice %arg2[%dma_wait3A_210, %dma_wait3A_211] : memref<10000x128xf32, #tpu.memory_space<hbm>> -> memref<48x128xf32, #tpu.memory_space<hbm>>
    tpu.wait_dma2 semaphore(%arg14 : memref<!tpu.dma_semaphore, #tpu.memory_space<semaphore_mem>>) src(%dma_wait3A_212 : memref<48x128xf32, #tpu.memory_space<hbm>>) dst(%dma_wait3A_209 : memref<48x128xf32, #tpu.memory_space<vmem>>)
    %dma_wait3A_213 = arith.constant 3 : i32
    %dma_wait3A_214 = arith.constant 0 : i32
    %dma_wait3A_215 = arith.constant 0 : i32
    %dma_wait3A_216 = tpu.memref_slice %arg10[%dma_wait3A_213, %dma_wait3A_214, %dma_wait3A_215] : memref<4x48x128xf32, #tpu.memory_space<vmem>> -> memref<1x48x128xf32, #tpu.memory_space<vmem>>
    %dma_wait3A_217 = tpu.memref_squeeze %dma_wait3A_216 : memref<1x48x128xf32, #tpu.memory_space<vmem>> -> memref<48x128xf32, #tpu.memory_space<vmem>>
    %dma_wait3A_218 = arith.constant 0 : i32
    %dma_wait3A_219 = arith.constant 0 : i32
    %dma_wait3A_220 = tpu.memref_slice %arg2[%dma_wait3A_218, %dma_wait3A_219] : memref<10000x128xf32, #tpu.memory_space<hbm>> -> memref<48x128xf32, #tpu.memory_space<hbm>>
    %dma_wait3A_221 = arith.constant 0 : i32
    %dma_wait3A_222 = arith.constant 0 : i32
    %dma_wait3A_223 = tpu.memref_slice %arg10[%dma_wait3A_213, %dma_wait3A_221, %dma_wait3A_222] : memref<4x48x128xf32, #tpu.memory_space<vmem>> -> memref<1x48x128xf32, #tpu.memory_space<vmem>>
    %dma_wait3A_224 = tpu.memref_squeeze %dma_wait3A_223 : memref<1x48x128xf32, #tpu.memory_space<vmem>> -> memref<48x128xf32, #tpu.memory_space<vmem>>
    %dma_wait3A_225 = arith.constant 0 : i32
    %dma_wait3A_226 = arith.constant 0 : i32
    %dma_wait3A_227 = tpu.memref_slice %arg2[%dma_wait3A_225, %dma_wait3A_226] : memref<10000x128xf32, #tpu.memory_space<hbm>> -> memref<48x128xf32, #tpu.memory_space<hbm>>
    tpu.wait_dma2 semaphore(%arg13 : memref<!tpu.dma_semaphore, #tpu.memory_space<semaphore_mem>>) src(%dma_wait3A_227 : memref<48x128xf32, #tpu.memory_space<hbm>>) dst(%dma_wait3A_224 : memref<48x128xf32, #tpu.memory_space<vmem>>)
    %dma_start3A_228 = arith.constant 3 : i32
    %dma_start3A_229 = arith.constant 0 : i32
    %dma_start3A_230 = arith.constant 0 : i32
    %dma_start3A_231 = tpu.memref_slice %arg10[%dma_start3A_228, %dma_start3A_229, %dma_start3A_230] : memref<4x48x128xf32, #tpu.memory_space<vmem>> -> memref<1x48x128xf32, #tpu.memory_space<vmem>>
    %dma_start3A_232 = tpu.memref_squeeze %dma_start3A_231 : memref<1x48x128xf32, #tpu.memory_space<vmem>> -> memref<48x128xf32, #tpu.memory_space<vmem>>
    %dma_start3A_233 = arith.constant 9936 : i32
    %dma_start3A_234 = tpu.memref_slice %arg7[%dma_start3A_233] : memref<9984xi32, #tpu.memory_space<vmem>> -> memref<48xi32, #tpu.memory_space<vmem>>
    %dma_start3A_235 = arith.constant 0 : i32
    %dma_start3A_236 = arith.constant 0 : i32
    %dma_start3A_237 = tpu.memref_slice %arg11[%dma_start3A_235, %dma_start3A_236] : memref<10000x128xf32, #tpu.memory_space<vmem_shared>> -> memref<10000x128xf32, #tpu.memory_space<vmem_shared>>
    tpu.enqueue_indirect_dma source(%dma_start3A_232 : memref<48x128xf32, #tpu.memory_space<vmem>>) target(%dma_start3A_237 : memref<10000x128xf32, #tpu.memory_space<vmem_shared>>) offsets(%dma_start3A_234 : memref<48xi32, #tpu.memory_space<vmem>>) semaphore(%arg14 : memref<!tpu.dma_semaphore, #tpu.memory_space<semaphore_mem>>) {add = true}
    %dma_wait3A_238 = arith.constant 2 : i32
    %dma_wait3A_239 = arith.constant 0 : i32
    %dma_wait3A_240 = arith.constant 0 : i32
    %dma_wait3A_241 = tpu.memref_slice %arg10[%dma_wait3A_238, %dma_wait3A_239, %dma_wait3A_240] : memref<4x48x128xf32, #tpu.memory_space<vmem>> -> memref<1x48x128xf32, #tpu.memory_space<vmem>>
    %dma_wait3A_242 = tpu.memref_squeeze %dma_wait3A_241 : memref<1x48x128xf32, #tpu.memory_space<vmem>> -> memref<48x128xf32, #tpu.memory_space<vmem>>
    %dma_wait3A_243 = arith.constant 0 : i32
    %dma_wait3A_244 = arith.constant 0 : i32
    %dma_wait3A_245 = tpu.memref_slice %arg2[%dma_wait3A_243, %dma_wait3A_244] : memref<10000x128xf32, #tpu.memory_space<hbm>> -> memref<48x128xf32, #tpu.memory_space<hbm>>
    %dma_wait3A_246 = arith.constant 0 : i32
    %dma_wait3A_247 = arith.constant 0 : i32
    %dma_wait3A_248 = tpu.memref_slice %arg10[%dma_wait3A_238, %dma_wait3A_246, %dma_wait3A_247] : memref<4x48x128xf32, #tpu.memory_space<vmem>> -> memref<1x48x128xf32, #tpu.memory_space<vmem>>
    %dma_wait3A_249 = tpu.memref_squeeze %dma_wait3A_248 : memref<1x48x128xf32, #tpu.memory_space<vmem>> -> memref<48x128xf32, #tpu.memory_space<vmem>>
    %dma_wait3A_250 = arith.constant 0 : i32
    %dma_wait3A_251 = arith.constant 0 : i32
    %dma_wait3A_252 = tpu.memref_slice %arg2[%dma_wait3A_250, %dma_wait3A_251] : memref<10000x128xf32, #tpu.memory_space<hbm>> -> memref<48x128xf32, #tpu.memory_space<hbm>>
    tpu.wait_dma2 semaphore(%arg14 : memref<!tpu.dma_semaphore, #tpu.memory_space<semaphore_mem>>) src(%dma_wait3A_252 : memref<48x128xf32, #tpu.memory_space<hbm>>) dst(%dma_wait3A_249 : memref<48x128xf32, #tpu.memory_space<vmem>>)
    %dma_wait3A_253 = arith.constant 3 : i32
    %dma_wait3A_254 = arith.constant 0 : i32
    %dma_wait3A_255 = arith.constant 0 : i32
    %dma_wait3A_256 = tpu.memref_slice %arg10[%dma_wait3A_253, %dma_wait3A_254, %dma_wait3A_255] : memref<4x48x128xf32, #tpu.memory_space<vmem>> -> memref<1x48x128xf32, #tpu.memory_space<vmem>>
    %dma_wait3A_257 = tpu.memref_squeeze %dma_wait3A_256 : memref<1x48x128xf32, #tpu.memory_space<vmem>> -> memref<48x128xf32, #tpu.memory_space<vmem>>
    %dma_wait3A_258 = arith.constant 0 : i32
    %dma_wait3A_259 = arith.constant 0 : i32
    %dma_wait3A_260 = tpu.memref_slice %arg2[%dma_wait3A_258, %dma_wait3A_259] : memref<10000x128xf32, #tpu.memory_space<hbm>> -> memref<48x128xf32, #tpu.memory_space<hbm>>
    %dma_wait3A_261 = arith.constant 0 : i32
    %dma_wait3A_262 = arith.constant 0 : i32
    %dma_wait3A_263 = tpu.memref_slice %arg10[%dma_wait3A_253, %dma_wait3A_261, %dma_wait3A_262] : memref<4x48x128xf32, #tpu.memory_space<vmem>> -> memref<1x48x128xf32, #tpu.memory_space<vmem>>
    %dma_wait3A_264 = tpu.memref_squeeze %dma_wait3A_263 : memref<1x48x128xf32, #tpu.memory_space<vmem>> -> memref<48x128xf32, #tpu.memory_space<vmem>>
    %dma_wait3A_265 = arith.constant 0 : i32
    %dma_wait3A_266 = arith.constant 0 : i32
    %dma_wait3A_267 = tpu.memref_slice %arg2[%dma_wait3A_265, %dma_wait3A_266] : memref<10000x128xf32, #tpu.memory_space<hbm>> -> memref<48x128xf32, #tpu.memory_space<hbm>>
    tpu.wait_dma2 semaphore(%arg14 : memref<!tpu.dma_semaphore, #tpu.memory_space<semaphore_mem>>) src(%dma_wait3A_267 : memref<48x128xf32, #tpu.memory_space<hbm>>) dst(%dma_wait3A_264 : memref<48x128xf32, #tpu.memory_space<vmem>>)
    %lt3A_268 = arith.constant 4 : i32
    %lt3A_269 = arith.cmpi slt, %add3A, %lt3A_268 : i32
    %convert_element_type3A_270 = arith.extui %lt3A_269 : i1 to i32
    %cond3A_271 = arith.constant 0 : i32
    %cond3A_272 = arith.cmpi ne, %convert_element_type3A_270, %cond3A_271 : i32
    scf.if %cond3A_272 {
      %dma_start3A_279 = arith.constant 0 : i32
      %dma_start3A_280 = arith.constant 0 : i32
      %dma_start3A_281 = arith.constant 0 : i32
      %dma_start3A_282 = tpu.memref_slice %arg10[%dma_start3A_279, %dma_start3A_280, %dma_start3A_281] : memref<4x48x128xf32, #tpu.memory_space<vmem>> -> memref<1x48x128xf32, #tpu.memory_space<vmem>>
      %dma_start3A_283 = tpu.memref_squeeze %dma_start3A_282 : memref<1x48x128xf32, #tpu.memory_space<vmem>> -> memref<48x128xf32, #tpu.memory_space<vmem>>
      %dma_start3A_284 = arith.constant 0 : i32
      %dma_start3A_285 = arith.constant 0 : i32
      %dma_start3A_286 = tpu.memref_slice %dma_start3A_283[%dma_start3A_284, %dma_start3A_285] : memref<48x128xf32, #tpu.memory_space<vmem>> -> memref<32x128xf32, #tpu.memory_space<vmem>>
      %dma_start3A_287 = arith.constant 0 : i32
      %dma_start3A_288 = tpu.memref_slice %arg8[%dma_start3A_287] : memref<128xi32, #tpu.memory_space<vmem>> -> memref<32xi32, #tpu.memory_space<vmem>>
      %dma_start3A_289 = arith.constant 0 : i32
      %dma_start3A_290 = arith.constant 0 : i32
      %dma_start3A_291 = tpu.memref_slice %arg2[%dma_start3A_289, %dma_start3A_290] : memref<10000x128xf32, #tpu.memory_space<hbm>> -> memref<10000x128xf32, #tpu.memory_space<hbm>>
      tpu.enqueue_indirect_dma source(%dma_start3A_291 : memref<10000x128xf32, #tpu.memory_space<hbm>>) target(%dma_start3A_286 : memref<32x128xf32, #tpu.memory_space<vmem>>) offsets(%dma_start3A_288 : memref<32xi32, #tpu.memory_space<vmem>>) semaphore(%arg13 : memref<!tpu.dma_semaphore, #tpu.memory_space<semaphore_mem>>)
      %dma_start3A_292 = arith.constant 1 : i32
      %dma_start3A_293 = arith.constant 0 : i32
      %dma_start3A_294 = arith.constant 0 : i32
      %dma_start3A_295 = tpu.memref_slice %arg10[%dma_start3A_292, %dma_start3A_293, %dma_start3A_294] : memref<4x48x128xf32, #tpu.memory_space<vmem>> -> memref<1x48x128xf32, #tpu.memory_space<vmem>>
      %dma_start3A_296 = tpu.memref_squeeze %dma_start3A_295 : memref<1x48x128xf32, #tpu.memory_space<vmem>> -> memref<48x128xf32, #tpu.memory_space<vmem>>
      %dma_start3A_297 = arith.constant 0 : i32
      %dma_start3A_298 = arith.constant 0 : i32
      %dma_start3A_299 = tpu.memref_slice %dma_start3A_296[%dma_start3A_297, %dma_start3A_298] : memref<48x128xf32, #tpu.memory_space<vmem>> -> memref<32x128xf32, #tpu.memory_space<vmem>>
      %dma_start3A_300 = arith.constant 32 : i32
      %dma_start3A_301 = tpu.memref_slice %arg8[%dma_start3A_300] : memref<128xi32, #tpu.memory_space<vmem>> -> memref<32xi32, #tpu.memory_space<vmem>>
      %dma_start3A_302 = arith.constant 0 : i32
      %dma_start3A_303 = arith.constant 0 : i32
      %dma_start3A_304 = tpu.memref_slice %arg2[%dma_start3A_302, %dma_start3A_303] : memref<10000x128xf32, #tpu.memory_space<hbm>> -> memref<10000x128xf32, #tpu.memory_space<hbm>>
      tpu.enqueue_indirect_dma source(%dma_start3A_304 : memref<10000x128xf32, #tpu.memory_space<hbm>>) target(%dma_start3A_299 : memref<32x128xf32, #tpu.memory_space<vmem>>) offsets(%dma_start3A_301 : memref<32xi32, #tpu.memory_space<vmem>>) semaphore(%arg13 : memref<!tpu.dma_semaphore, #tpu.memory_space<semaphore_mem>>)
      %dma_start3A_305 = arith.constant 2 : i32
      %dma_start3A_306 = arith.constant 0 : i32
      %dma_start3A_307 = arith.constant 0 : i32
      %dma_start3A_308 = tpu.memref_slice %arg10[%dma_start3A_305, %dma_start3A_306, %dma_start3A_307] : memref<4x48x128xf32, #tpu.memory_space<vmem>> -> memref<1x48x128xf32, #tpu.memory_space<vmem>>
      %dma_start3A_309 = tpu.memref_squeeze %dma_start3A_308 : memref<1x48x128xf32, #tpu.memory_space<vmem>> -> memref<48x128xf32, #tpu.memory_space<vmem>>
      %dma_start3A_310 = arith.constant 0 : i32
      %dma_start3A_311 = arith.constant 0 : i32
      %dma_start3A_312 = tpu.memref_slice %dma_start3A_309[%dma_start3A_310, %dma_start3A_311] : memref<48x128xf32, #tpu.memory_space<vmem>> -> memref<32x128xf32, #tpu.memory_space<vmem>>
      %dma_start3A_313 = arith.constant 64 : i32
      %dma_start3A_314 = tpu.memref_slice %arg8[%dma_start3A_313] : memref<128xi32, #tpu.memory_space<vmem>> -> memref<32xi32, #tpu.memory_space<vmem>>
      %dma_start3A_315 = arith.constant 0 : i32
      %dma_start3A_316 = arith.constant 0 : i32
      %dma_start3A_317 = tpu.memref_slice %arg2[%dma_start3A_315, %dma_start3A_316] : memref<10000x128xf32, #tpu.memory_space<hbm>> -> memref<10000x128xf32, #tpu.memory_space<hbm>>
      tpu.enqueue_indirect_dma source(%dma_start3A_317 : memref<10000x128xf32, #tpu.memory_space<hbm>>) target(%dma_start3A_312 : memref<32x128xf32, #tpu.memory_space<vmem>>) offsets(%dma_start3A_314 : memref<32xi32, #tpu.memory_space<vmem>>) semaphore(%arg13 : memref<!tpu.dma_semaphore, #tpu.memory_space<semaphore_mem>>)
      %dma_start3A_318 = arith.constant 3 : i32
      %dma_start3A_319 = arith.constant 0 : i32
      %dma_start3A_320 = arith.constant 0 : i32
      %dma_start3A_321 = tpu.memref_slice %arg10[%dma_start3A_318, %dma_start3A_319, %dma_start3A_320] : memref<4x48x128xf32, #tpu.memory_space<vmem>> -> memref<1x48x128xf32, #tpu.memory_space<vmem>>
      %dma_start3A_322 = tpu.memref_squeeze %dma_start3A_321 : memref<1x48x128xf32, #tpu.memory_space<vmem>> -> memref<48x128xf32, #tpu.memory_space<vmem>>
      %dma_start3A_323 = arith.constant 0 : i32
      %dma_start3A_324 = arith.constant 0 : i32
      %dma_start3A_325 = tpu.memref_slice %dma_start3A_322[%dma_start3A_323, %dma_start3A_324] : memref<48x128xf32, #tpu.memory_space<vmem>> -> memref<32x128xf32, #tpu.memory_space<vmem>>
      %dma_start3A_326 = arith.constant 96 : i32
      %dma_start3A_327 = tpu.memref_slice %arg8[%dma_start3A_326] : memref<128xi32, #tpu.memory_space<vmem>> -> memref<32xi32, #tpu.memory_space<vmem>>
      %dma_start3A_328 = arith.constant 0 : i32
      %dma_start3A_329 = arith.constant 0 : i32
      %dma_start3A_330 = tpu.memref_slice %arg2[%dma_start3A_328, %dma_start3A_329] : memref<10000x128xf32, #tpu.memory_space<hbm>> -> memref<10000x128xf32, #tpu.memory_space<hbm>>
      tpu.enqueue_indirect_dma source(%dma_start3A_330 : memref<10000x128xf32, #tpu.memory_space<hbm>>) target(%dma_start3A_325 : memref<32x128xf32, #tpu.memory_space<vmem>>) offsets(%dma_start3A_327 : memref<32xi32, #tpu.memory_space<vmem>>) semaphore(%arg13 : memref<!tpu.dma_semaphore, #tpu.memory_space<semaphore_mem>>)
      %dma_wait3A_331 = arith.constant 0 : i32
      %dma_wait3A_332 = arith.constant 0 : i32
      %dma_wait3A_333 = arith.constant 0 : i32
      %dma_wait3A_334 = tpu.memref_slice %arg10[%dma_wait3A_331, %dma_wait3A_332, %dma_wait3A_333] : memref<4x48x128xf32, #tpu.memory_space<vmem>> -> memref<1x48x128xf32, #tpu.memory_space<vmem>>
      %dma_wait3A_335 = tpu.memref_squeeze %dma_wait3A_334 : memref<1x48x128xf32, #tpu.memory_space<vmem>> -> memref<48x128xf32, #tpu.memory_space<vmem>>
      %dma_wait3A_336 = arith.constant 0 : i32
      %dma_wait3A_337 = arith.constant 0 : i32
      %dma_wait3A_338 = tpu.memref_slice %dma_wait3A_335[%dma_wait3A_336, %dma_wait3A_337] : memref<48x128xf32, #tpu.memory_space<vmem>> -> memref<32x128xf32, #tpu.memory_space<vmem>>
      %dma_wait3A_339 = arith.constant 0 : i32
      %dma_wait3A_340 = arith.constant 0 : i32
      %dma_wait3A_341 = tpu.memref_slice %arg2[%dma_wait3A_339, %dma_wait3A_340] : memref<10000x128xf32, #tpu.memory_space<hbm>> -> memref<32x128xf32, #tpu.memory_space<hbm>>
      %dma_wait3A_342 = arith.constant 0 : i32
      %dma_wait3A_343 = arith.constant 0 : i32
      %dma_wait3A_344 = tpu.memref_slice %arg10[%dma_wait3A_331, %dma_wait3A_342, %dma_wait3A_343] : memref<4x48x128xf32, #tpu.memory_space<vmem>> -> memref<1x48x128xf32, #tpu.memory_space<vmem>>
      %dma_wait3A_345 = tpu.memref_squeeze %dma_wait3A_344 : memref<1x48x128xf32, #tpu.memory_space<vmem>> -> memref<48x128xf32, #tpu.memory_space<vmem>>
      %dma_wait3A_346 = arith.constant 0 : i32
      %dma_wait3A_347 = arith.constant 0 : i32
      %dma_wait3A_348 = tpu.memref_slice %dma_wait3A_345[%dma_wait3A_346, %dma_wait3A_347] : memref<48x128xf32, #tpu.memory_space<vmem>> -> memref<32x128xf32, #tpu.memory_space<vmem>>
      %dma_wait3A_349 = arith.constant 0 : i32
      %dma_wait3A_350 = arith.constant 0 : i32
      %dma_wait3A_351 = tpu.memref_slice %arg2[%dma_wait3A_349, %dma_wait3A_350] : memref<10000x128xf32, #tpu.memory_space<hbm>> -> memref<32x128xf32, #tpu.memory_space<hbm>>
      tpu.wait_dma2 semaphore(%arg13 : memref<!tpu.dma_semaphore, #tpu.memory_space<semaphore_mem>>) src(%dma_wait3A_351 : memref<32x128xf32, #tpu.memory_space<hbm>>) dst(%dma_wait3A_348 : memref<32x128xf32, #tpu.memory_space<vmem>>)
      %dma_start3A_352 = arith.constant 0 : i32
      %dma_start3A_353 = arith.constant 0 : i32
      %dma_start3A_354 = arith.constant 0 : i32
      %dma_start3A_355 = tpu.memref_slice %arg10[%dma_start3A_352, %dma_start3A_353, %dma_start3A_354] : memref<4x48x128xf32, #tpu.memory_space<vmem>> -> memref<1x48x128xf32, #tpu.memory_space<vmem>>
      %dma_start3A_356 = tpu.memref_squeeze %dma_start3A_355 : memref<1x48x128xf32, #tpu.memory_space<vmem>> -> memref<48x128xf32, #tpu.memory_space<vmem>>
      %dma_start3A_357 = arith.constant 0 : i32
      %dma_start3A_358 = arith.constant 0 : i32
      %dma_start3A_359 = tpu.memref_slice %dma_start3A_356[%dma_start3A_357, %dma_start3A_358] : memref<48x128xf32, #tpu.memory_space<vmem>> -> memref<32x128xf32, #tpu.memory_space<vmem>>
      %dma_start3A_360 = arith.constant 0 : i32
      %dma_start3A_361 = tpu.memref_slice %arg9[%dma_start3A_360] : memref<128xi32, #tpu.memory_space<vmem>> -> memref<32xi32, #tpu.memory_space<vmem>>
      %dma_start3A_362 = arith.constant 0 : i32
      %dma_start3A_363 = arith.constant 0 : i32
      %dma_start3A_364 = tpu.memref_slice %arg11[%dma_start3A_362, %dma_start3A_363] : memref<10000x128xf32, #tpu.memory_space<vmem_shared>> -> memref<10000x128xf32, #tpu.memory_space<vmem_shared>>
      tpu.enqueue_indirect_dma source(%dma_start3A_359 : memref<32x128xf32, #tpu.memory_space<vmem>>) target(%dma_start3A_364 : memref<10000x128xf32, #tpu.memory_space<vmem_shared>>) offsets(%dma_start3A_361 : memref<32xi32, #tpu.memory_space<vmem>>) semaphore(%arg14 : memref<!tpu.dma_semaphore, #tpu.memory_space<semaphore_mem>>) {add = true}
      %dma_wait3A_365 = arith.constant 1 : i32
      %dma_wait3A_366 = arith.constant 0 : i32
      %dma_wait3A_367 = arith.constant 0 : i32
      %dma_wait3A_368 = tpu.memref_slice %arg10[%dma_wait3A_365, %dma_wait3A_366, %dma_wait3A_367] : memref<4x48x128xf32, #tpu.memory_space<vmem>> -> memref<1x48x128xf32, #tpu.memory_space<vmem>>
      %dma_wait3A_369 = tpu.memref_squeeze %dma_wait3A_368 : memref<1x48x128xf32, #tpu.memory_space<vmem>> -> memref<48x128xf32, #tpu.memory_space<vmem>>
      %dma_wait3A_370 = arith.constant 0 : i32
      %dma_wait3A_371 = arith.constant 0 : i32
      %dma_wait3A_372 = tpu.memref_slice %dma_wait3A_369[%dma_wait3A_370, %dma_wait3A_371] : memref<48x128xf32, #tpu.memory_space<vmem>> -> memref<32x128xf32, #tpu.memory_space<vmem>>
      %dma_wait3A_373 = arith.constant 0 : i32
      %dma_wait3A_374 = arith.constant 0 : i32
      %dma_wait3A_375 = tpu.memref_slice %arg2[%dma_wait3A_373, %dma_wait3A_374] : memref<10000x128xf32, #tpu.memory_space<hbm>> -> memref<32x128xf32, #tpu.memory_space<hbm>>
      %dma_wait3A_376 = arith.constant 0 : i32
      %dma_wait3A_377 = arith.constant 0 : i32
      %dma_wait3A_378 = tpu.memref_slice %arg10[%dma_wait3A_365, %dma_wait3A_376, %dma_wait3A_377] : memref<4x48x128xf32, #tpu.memory_space<vmem>> -> memref<1x48x128xf32, #tpu.memory_space<vmem>>
      %dma_wait3A_379 = tpu.memref_squeeze %dma_wait3A_378 : memref<1x48x128xf32, #tpu.memory_space<vmem>> -> memref<48x128xf32, #tpu.memory_space<vmem>>
      %dma_wait3A_380 = arith.constant 0 : i32
      %dma_wait3A_381 = arith.constant 0 : i32
      %dma_wait3A_382 = tpu.memref_slice %dma_wait3A_379[%dma_wait3A_380, %dma_wait3A_381] : memref<48x128xf32, #tpu.memory_space<vmem>> -> memref<32x128xf32, #tpu.memory_space<vmem>>
      %dma_wait3A_383 = arith.constant 0 : i32
      %dma_wait3A_384 = arith.constant 0 : i32
      %dma_wait3A_385 = tpu.memref_slice %arg2[%dma_wait3A_383, %dma_wait3A_384] : memref<10000x128xf32, #tpu.memory_space<hbm>> -> memref<32x128xf32, #tpu.memory_space<hbm>>
      tpu.wait_dma2 semaphore(%arg13 : memref<!tpu.dma_semaphore, #tpu.memory_space<semaphore_mem>>) src(%dma_wait3A_385 : memref<32x128xf32, #tpu.memory_space<hbm>>) dst(%dma_wait3A_382 : memref<32x128xf32, #tpu.memory_space<vmem>>)
      %dma_start3A_386 = arith.constant 1 : i32
      %dma_start3A_387 = arith.constant 0 : i32
      %dma_start3A_388 = arith.constant 0 : i32
      %dma_start3A_389 = tpu.memref_slice %arg10[%dma_start3A_386, %dma_start3A_387, %dma_start3A_388] : memref<4x48x128xf32, #tpu.memory_space<vmem>> -> memref<1x48x128xf32, #tpu.memory_space<vmem>>
      %dma_start3A_390 = tpu.memref_squeeze %dma_start3A_389 : memref<1x48x128xf32, #tpu.memory_space<vmem>> -> memref<48x128xf32, #tpu.memory_space<vmem>>
      %dma_start3A_391 = arith.constant 0 : i32
      %dma_start3A_392 = arith.constant 0 : i32
      %dma_start3A_393 = tpu.memref_slice %dma_start3A_390[%dma_start3A_391, %dma_start3A_392] : memref<48x128xf32, #tpu.memory_space<vmem>> -> memref<32x128xf32, #tpu.memory_space<vmem>>
      %dma_start3A_394 = arith.constant 32 : i32
      %dma_start3A_395 = tpu.memref_slice %arg9[%dma_start3A_394] : memref<128xi32, #tpu.memory_space<vmem>> -> memref<32xi32, #tpu.memory_space<vmem>>
      %dma_start3A_396 = arith.constant 0 : i32
      %dma_start3A_397 = arith.constant 0 : i32
      %dma_start3A_398 = tpu.memref_slice %arg11[%dma_start3A_396, %dma_start3A_397] : memref<10000x128xf32, #tpu.memory_space<vmem_shared>> -> memref<10000x128xf32, #tpu.memory_space<vmem_shared>>
      tpu.enqueue_indirect_dma source(%dma_start3A_393 : memref<32x128xf32, #tpu.memory_space<vmem>>) target(%dma_start3A_398 : memref<10000x128xf32, #tpu.memory_space<vmem_shared>>) offsets(%dma_start3A_395 : memref<32xi32, #tpu.memory_space<vmem>>) semaphore(%arg14 : memref<!tpu.dma_semaphore, #tpu.memory_space<semaphore_mem>>) {add = true}
      %dma_wait3A_399 = arith.constant 2 : i32
      %dma_wait3A_400 = arith.constant 0 : i32
      %dma_wait3A_401 = arith.constant 0 : i32
      %dma_wait3A_402 = tpu.memref_slice %arg10[%dma_wait3A_399, %dma_wait3A_400, %dma_wait3A_401] : memref<4x48x128xf32, #tpu.memory_space<vmem>> -> memref<1x48x128xf32, #tpu.memory_space<vmem>>
      %dma_wait3A_403 = tpu.memref_squeeze %dma_wait3A_402 : memref<1x48x128xf32, #tpu.memory_space<vmem>> -> memref<48x128xf32, #tpu.memory_space<vmem>>
      %dma_wait3A_404 = arith.constant 0 : i32
      %dma_wait3A_405 = arith.constant 0 : i32
      %dma_wait3A_406 = tpu.memref_slice %dma_wait3A_403[%dma_wait3A_404, %dma_wait3A_405] : memref<48x128xf32, #tpu.memory_space<vmem>> -> memref<32x128xf32, #tpu.memory_space<vmem>>
      %dma_wait3A_407 = arith.constant 0 : i32
      %dma_wait3A_408 = arith.constant 0 : i32
      %dma_wait3A_409 = tpu.memref_slice %arg2[%dma_wait3A_407, %dma_wait3A_408] : memref<10000x128xf32, #tpu.memory_space<hbm>> -> memref<32x128xf32, #tpu.memory_space<hbm>>
      %dma_wait3A_410 = arith.constant 0 : i32
      %dma_wait3A_411 = arith.constant 0 : i32
      %dma_wait3A_412 = tpu.memref_slice %arg10[%dma_wait3A_399, %dma_wait3A_410, %dma_wait3A_411] : memref<4x48x128xf32, #tpu.memory_space<vmem>> -> memref<1x48x128xf32, #tpu.memory_space<vmem>>
      %dma_wait3A_413 = tpu.memref_squeeze %dma_wait3A_412 : memref<1x48x128xf32, #tpu.memory_space<vmem>> -> memref<48x128xf32, #tpu.memory_space<vmem>>
      %dma_wait3A_414 = arith.constant 0 : i32
      %dma_wait3A_415 = arith.constant 0 : i32
      %dma_wait3A_416 = tpu.memref_slice %dma_wait3A_413[%dma_wait3A_414, %dma_wait3A_415] : memref<48x128xf32, #tpu.memory_space<vmem>> -> memref<32x128xf32, #tpu.memory_space<vmem>>
      %dma_wait3A_417 = arith.constant 0 : i32
      %dma_wait3A_418 = arith.constant 0 : i32
      %dma_wait3A_419 = tpu.memref_slice %arg2[%dma_wait3A_417, %dma_wait3A_418] : memref<10000x128xf32, #tpu.memory_space<hbm>> -> memref<32x128xf32, #tpu.memory_space<hbm>>
      tpu.wait_dma2 semaphore(%arg13 : memref<!tpu.dma_semaphore, #tpu.memory_space<semaphore_mem>>) src(%dma_wait3A_419 : memref<32x128xf32, #tpu.memory_space<hbm>>) dst(%dma_wait3A_416 : memref<32x128xf32, #tpu.memory_space<vmem>>)
      %dma_start3A_420 = arith.constant 2 : i32
      %dma_start3A_421 = arith.constant 0 : i32
      %dma_start3A_422 = arith.constant 0 : i32
      %dma_start3A_423 = tpu.memref_slice %arg10[%dma_start3A_420, %dma_start3A_421, %dma_start3A_422] : memref<4x48x128xf32, #tpu.memory_space<vmem>> -> memref<1x48x128xf32, #tpu.memory_space<vmem>>
      %dma_start3A_424 = tpu.memref_squeeze %dma_start3A_423 : memref<1x48x128xf32, #tpu.memory_space<vmem>> -> memref<48x128xf32, #tpu.memory_space<vmem>>
      %dma_start3A_425 = arith.constant 0 : i32
      %dma_start3A_426 = arith.constant 0 : i32
      %dma_start3A_427 = tpu.memref_slice %dma_start3A_424[%dma_start3A_425, %dma_start3A_426] : memref<48x128xf32, #tpu.memory_space<vmem>> -> memref<32x128xf32, #tpu.memory_space<vmem>>
      %dma_start3A_428 = arith.constant 64 : i32
      %dma_start3A_429 = tpu.memref_slice %arg9[%dma_start3A_428] : memref<128xi32, #tpu.memory_space<vmem>> -> memref<32xi32, #tpu.memory_space<vmem>>
      %dma_start3A_430 = arith.constant 0 : i32
      %dma_start3A_431 = arith.constant 0 : i32
      %dma_start3A_432 = tpu.memref_slice %arg11[%dma_start3A_430, %dma_start3A_431] : memref<10000x128xf32, #tpu.memory_space<vmem_shared>> -> memref<10000x128xf32, #tpu.memory_space<vmem_shared>>
      tpu.enqueue_indirect_dma source(%dma_start3A_427 : memref<32x128xf32, #tpu.memory_space<vmem>>) target(%dma_start3A_432 : memref<10000x128xf32, #tpu.memory_space<vmem_shared>>) offsets(%dma_start3A_429 : memref<32xi32, #tpu.memory_space<vmem>>) semaphore(%arg14 : memref<!tpu.dma_semaphore, #tpu.memory_space<semaphore_mem>>) {add = true}
      %dma_wait3A_433 = arith.constant 3 : i32
      %dma_wait3A_434 = arith.constant 0 : i32
      %dma_wait3A_435 = arith.constant 0 : i32
      %dma_wait3A_436 = tpu.memref_slice %arg10[%dma_wait3A_433, %dma_wait3A_434, %dma_wait3A_435] : memref<4x48x128xf32, #tpu.memory_space<vmem>> -> memref<1x48x128xf32, #tpu.memory_space<vmem>>
      %dma_wait3A_437 = tpu.memref_squeeze %dma_wait3A_436 : memref<1x48x128xf32, #tpu.memory_space<vmem>> -> memref<48x128xf32, #tpu.memory_space<vmem>>
      %dma_wait3A_438 = arith.constant 0 : i32
      %dma_wait3A_439 = arith.constant 0 : i32
      %dma_wait3A_440 = tpu.memref_slice %dma_wait3A_437[%dma_wait3A_438, %dma_wait3A_439] : memref<48x128xf32, #tpu.memory_space<vmem>> -> memref<32x128xf32, #tpu.memory_space<vmem>>
      %dma_wait3A_441 = arith.constant 0 : i32
      %dma_wait3A_442 = arith.constant 0 : i32
      %dma_wait3A_443 = tpu.memref_slice %arg2[%dma_wait3A_441, %dma_wait3A_442] : memref<10000x128xf32, #tpu.memory_space<hbm>> -> memref<32x128xf32, #tpu.memory_space<hbm>>
      %dma_wait3A_444 = arith.constant 0 : i32
      %dma_wait3A_445 = arith.constant 0 : i32
      %dma_wait3A_446 = tpu.memref_slice %arg10[%dma_wait3A_433, %dma_wait3A_444, %dma_wait3A_445] : memref<4x48x128xf32, #tpu.memory_space<vmem>> -> memref<1x48x128xf32, #tpu.memory_space<vmem>>
      %dma_wait3A_447 = tpu.memref_squeeze %dma_wait3A_446 : memref<1x48x128xf32, #tpu.memory_space<vmem>> -> memref<48x128xf32, #tpu.memory_space<vmem>>
      %dma_wait3A_448 = arith.constant 0 : i32
      %dma_wait3A_449 = arith.constant 0 : i32
      %dma_wait3A_450 = tpu.memref_slice %dma_wait3A_447[%dma_wait3A_448, %dma_wait3A_449] : memref<48x128xf32, #tpu.memory_space<vmem>> -> memref<32x128xf32, #tpu.memory_space<vmem>>
      %dma_wait3A_451 = arith.constant 0 : i32
      %dma_wait3A_452 = arith.constant 0 : i32
      %dma_wait3A_453 = tpu.memref_slice %arg2[%dma_wait3A_451, %dma_wait3A_452] : memref<10000x128xf32, #tpu.memory_space<hbm>> -> memref<32x128xf32, #tpu.memory_space<hbm>>
      tpu.wait_dma2 semaphore(%arg13 : memref<!tpu.dma_semaphore, #tpu.memory_space<semaphore_mem>>) src(%dma_wait3A_453 : memref<32x128xf32, #tpu.memory_space<hbm>>) dst(%dma_wait3A_450 : memref<32x128xf32, #tpu.memory_space<vmem>>)
      %dma_start3A_454 = arith.constant 3 : i32
      %dma_start3A_455 = arith.constant 0 : i32
      %dma_start3A_456 = arith.constant 0 : i32
      %dma_start3A_457 = tpu.memref_slice %arg10[%dma_start3A_454, %dma_start3A_455, %dma_start3A_456] : memref<4x48x128xf32, #tpu.memory_space<vmem>> -> memref<1x48x128xf32, #tpu.memory_space<vmem>>
      %dma_start3A_458 = tpu.memref_squeeze %dma_start3A_457 : memref<1x48x128xf32, #tpu.memory_space<vmem>> -> memref<48x128xf32, #tpu.memory_space<vmem>>
      %dma_start3A_459 = arith.constant 0 : i32
      %dma_start3A_460 = arith.constant 0 : i32
      %dma_start3A_461 = tpu.memref_slice %dma_start3A_458[%dma_start3A_459, %dma_start3A_460] : memref<48x128xf32, #tpu.memory_space<vmem>> -> memref<32x128xf32, #tpu.memory_space<vmem>>
      %dma_start3A_462 = arith.constant 96 : i32
      %dma_start3A_463 = tpu.memref_slice %arg9[%dma_start3A_462] : memref<128xi32, #tpu.memory_space<vmem>> -> memref<32xi32, #tpu.memory_space<vmem>>
      %dma_start3A_464 = arith.constant 0 : i32
      %dma_start3A_465 = arith.constant 0 : i32
      %dma_start3A_466 = tpu.memref_slice %arg11[%dma_start3A_464, %dma_start3A_465] : memref<10000x128xf32, #tpu.memory_space<vmem_shared>> -> memref<10000x128xf32, #tpu.memory_space<vmem_shared>>
      tpu.enqueue_indirect_dma source(%dma_start3A_461 : memref<32x128xf32, #tpu.memory_space<vmem>>) target(%dma_start3A_466 : memref<10000x128xf32, #tpu.memory_space<vmem_shared>>) offsets(%dma_start3A_463 : memref<32xi32, #tpu.memory_space<vmem>>) semaphore(%arg14 : memref<!tpu.dma_semaphore, #tpu.memory_space<semaphore_mem>>) {add = true}
      %dma_wait3A_467 = arith.constant 0 : i32
      %dma_wait3A_468 = arith.constant 0 : i32
      %dma_wait3A_469 = arith.constant 0 : i32
      %dma_wait3A_470 = tpu.memref_slice %arg10[%dma_wait3A_467, %dma_wait3A_468, %dma_wait3A_469] : memref<4x48x128xf32, #tpu.memory_space<vmem>> -> memref<1x48x128xf32, #tpu.memory_space<vmem>>
      %dma_wait3A_471 = tpu.memref_squeeze %dma_wait3A_470 : memref<1x48x128xf32, #tpu.memory_space<vmem>> -> memref<48x128xf32, #tpu.memory_space<vmem>>
      %dma_wait3A_472 = arith.constant 0 : i32
      %dma_wait3A_473 = arith.constant 0 : i32
      %dma_wait3A_474 = tpu.memref_slice %dma_wait3A_471[%dma_wait3A_472, %dma_wait3A_473] : memref<48x128xf32, #tpu.memory_space<vmem>> -> memref<32x128xf32, #tpu.memory_space<vmem>>
      %dma_wait3A_475 = arith.constant 0 : i32
      %dma_wait3A_476 = arith.constant 0 : i32
      %dma_wait3A_477 = tpu.memref_slice %arg2[%dma_wait3A_475, %dma_wait3A_476] : memref<10000x128xf32, #tpu.memory_space<hbm>> -> memref<32x128xf32, #tpu.memory_space<hbm>>
      %dma_wait3A_478 = arith.constant 0 : i32
      %dma_wait3A_479 = arith.constant 0 : i32
      %dma_wait3A_480 = tpu.memref_slice %arg10[%dma_wait3A_467, %dma_wait3A_478, %dma_wait3A_479] : memref<4x48x128xf32, #tpu.memory_space<vmem>> -> memref<1x48x128xf32, #tpu.memory_space<vmem>>
      %dma_wait3A_481 = tpu.memref_squeeze %dma_wait3A_480 : memref<1x48x128xf32, #tpu.memory_space<vmem>> -> memref<48x128xf32, #tpu.memory_space<vmem>>
      %dma_wait3A_482 = arith.constant 0 : i32
      %dma_wait3A_483 = arith.constant 0 : i32
      %dma_wait3A_484 = tpu.memref_slice %dma_wait3A_481[%dma_wait3A_482, %dma_wait3A_483] : memref<48x128xf32, #tpu.memory_space<vmem>> -> memref<32x128xf32, #tpu.memory_space<vmem>>
      %dma_wait3A_485 = arith.constant 0 : i32
      %dma_wait3A_486 = arith.constant 0 : i32
      %dma_wait3A_487 = tpu.memref_slice %arg2[%dma_wait3A_485, %dma_wait3A_486] : memref<10000x128xf32, #tpu.memory_space<hbm>> -> memref<32x128xf32, #tpu.memory_space<hbm>>
      tpu.wait_dma2 semaphore(%arg14 : memref<!tpu.dma_semaphore, #tpu.memory_space<semaphore_mem>>) src(%dma_wait3A_487 : memref<32x128xf32, #tpu.memory_space<hbm>>) dst(%dma_wait3A_484 : memref<32x128xf32, #tpu.memory_space<vmem>>)
      %dma_wait3A_488 = arith.constant 1 : i32
      %dma_wait3A_489 = arith.constant 0 : i32
      %dma_wait3A_490 = arith.constant 0 : i32
      %dma_wait3A_491 = tpu.memref_slice %arg10[%dma_wait3A_488, %dma_wait3A_489, %dma_wait3A_490] : memref<4x48x128xf32, #tpu.memory_space<vmem>> -> memref<1x48x128xf32, #tpu.memory_space<vmem>>
      %dma_wait3A_492 = tpu.memref_squeeze %dma_wait3A_491 : memref<1x48x128xf32, #tpu.memory_space<vmem>> -> memref<48x128xf32, #tpu.memory_space<vmem>>
      %dma_wait3A_493 = arith.constant 0 : i32
      %dma_wait3A_494 = arith.constant 0 : i32
      %dma_wait3A_495 = tpu.memref_slice %dma_wait3A_492[%dma_wait3A_493, %dma_wait3A_494] : memref<48x128xf32, #tpu.memory_space<vmem>> -> memref<32x128xf32, #tpu.memory_space<vmem>>
      %dma_wait3A_496 = arith.constant 0 : i32
      %dma_wait3A_497 = arith.constant 0 : i32
      %dma_wait3A_498 = tpu.memref_slice %arg2[%dma_wait3A_496, %dma_wait3A_497] : memref<10000x128xf32, #tpu.memory_space<hbm>> -> memref<32x128xf32, #tpu.memory_space<hbm>>
      %dma_wait3A_499 = arith.constant 0 : i32
      %dma_wait3A_500 = arith.constant 0 : i32
      %dma_wait3A_501 = tpu.memref_slice %arg10[%dma_wait3A_488, %dma_wait3A_499, %dma_wait3A_500] : memref<4x48x128xf32, #tpu.memory_space<vmem>> -> memref<1x48x128xf32, #tpu.memory_space<vmem>>
      %dma_wait3A_502 = tpu.memref_squeeze %dma_wait3A_501 : memref<1x48x128xf32, #tpu.memory_space<vmem>> -> memref<48x128xf32, #tpu.memory_space<vmem>>
      %dma_wait3A_503 = arith.constant 0 : i32
      %dma_wait3A_504 = arith.constant 0 : i32
      %dma_wait3A_505 = tpu.memref_slice %dma_wait3A_502[%dma_wait3A_503, %dma_wait3A_504] : memref<48x128xf32, #tpu.memory_space<vmem>> -> memref<32x128xf32, #tpu.memory_space<vmem>>
      %dma_wait3A_506 = arith.constant 0 : i32
      %dma_wait3A_507 = arith.constant 0 : i32
      %dma_wait3A_508 = tpu.memref_slice %arg2[%dma_wait3A_506, %dma_wait3A_507] : memref<10000x128xf32, #tpu.memory_space<hbm>> -> memref<32x128xf32, #tpu.memory_space<hbm>>
      tpu.wait_dma2 semaphore(%arg14 : memref<!tpu.dma_semaphore, #tpu.memory_space<semaphore_mem>>) src(%dma_wait3A_508 : memref<32x128xf32, #tpu.memory_space<hbm>>) dst(%dma_wait3A_505 : memref<32x128xf32, #tpu.memory_space<vmem>>)
      %dma_wait3A_509 = arith.constant 2 : i32
      %dma_wait3A_510 = arith.constant 0 : i32
      %dma_wait3A_511 = arith.constant 0 : i32
      %dma_wait3A_512 = tpu.memref_slice %arg10[%dma_wait3A_509, %dma_wait3A_510, %dma_wait3A_511] : memref<4x48x128xf32, #tpu.memory_space<vmem>> -> memref<1x48x128xf32, #tpu.memory_space<vmem>>
      %dma_wait3A_513 = tpu.memref_squeeze %dma_wait3A_512 : memref<1x48x128xf32, #tpu.memory_space<vmem>> -> memref<48x128xf32, #tpu.memory_space<vmem>>
      %dma_wait3A_514 = arith.constant 0 : i32
      %dma_wait3A_515 = arith.constant 0 : i32
      %dma_wait3A_516 = tpu.memref_slice %dma_wait3A_513[%dma_wait3A_514, %dma_wait3A_515] : memref<48x128xf32, #tpu.memory_space<vmem>> -> memref<32x128xf32, #tpu.memory_space<vmem>>
      %dma_wait3A_517 = arith.constant 0 : i32
      %dma_wait3A_518 = arith.constant 0 : i32
      %dma_wait3A_519 = tpu.memref_slice %arg2[%dma_wait3A_517, %dma_wait3A_518] : memref<10000x128xf32, #tpu.memory_space<hbm>> -> memref<32x128xf32, #tpu.memory_space<hbm>>
      %dma_wait3A_520 = arith.constant 0 : i32
      %dma_wait3A_521 = arith.constant 0 : i32
      %dma_wait3A_522 = tpu.memref_slice %arg10[%dma_wait3A_509, %dma_wait3A_520, %dma_wait3A_521] : memref<4x48x128xf32, #tpu.memory_space<vmem>> -> memref<1x48x128xf32, #tpu.memory_space<vmem>>
      %dma_wait3A_523 = tpu.memref_squeeze %dma_wait3A_522 : memref<1x48x128xf32, #tpu.memory_space<vmem>> -> memref<48x128xf32, #tpu.memory_space<vmem>>
      %dma_wait3A_524 = arith.constant 0 : i32
      %dma_wait3A_525 = arith.constant 0 : i32
      %dma_wait3A_526 = tpu.memref_slice %dma_wait3A_523[%dma_wait3A_524, %dma_wait3A_525] : memref<48x128xf32, #tpu.memory_space<vmem>> -> memref<32x128xf32, #tpu.memory_space<vmem>>
      %dma_wait3A_527 = arith.constant 0 : i32
      %dma_wait3A_528 = arith.constant 0 : i32
      %dma_wait3A_529 = tpu.memref_slice %arg2[%dma_wait3A_527, %dma_wait3A_528] : memref<10000x128xf32, #tpu.memory_space<hbm>> -> memref<32x128xf32, #tpu.memory_space<hbm>>
      tpu.wait_dma2 semaphore(%arg14 : memref<!tpu.dma_semaphore, #tpu.memory_space<semaphore_mem>>) src(%dma_wait3A_529 : memref<32x128xf32, #tpu.memory_space<hbm>>) dst(%dma_wait3A_526 : memref<32x128xf32, #tpu.memory_space<vmem>>)
      %dma_wait3A_530 = arith.constant 3 : i32
      %dma_wait3A_531 = arith.constant 0 : i32
      %dma_wait3A_532 = arith.constant 0 : i32
      %dma_wait3A_533 = tpu.memref_slice %arg10[%dma_wait3A_530, %dma_wait3A_531, %dma_wait3A_532] : memref<4x48x128xf32, #tpu.memory_space<vmem>> -> memref<1x48x128xf32, #tpu.memory_space<vmem>>
      %dma_wait3A_534 = tpu.memref_squeeze %dma_wait3A_533 : memref<1x48x128xf32, #tpu.memory_space<vmem>> -> memref<48x128xf32, #tpu.memory_space<vmem>>
      %dma_wait3A_535 = arith.constant 0 : i32
      %dma_wait3A_536 = arith.constant 0 : i32
      %dma_wait3A_537 = tpu.memref_slice %dma_wait3A_534[%dma_wait3A_535, %dma_wait3A_536] : memref<48x128xf32, #tpu.memory_space<vmem>> -> memref<32x128xf32, #tpu.memory_space<vmem>>
      %dma_wait3A_538 = arith.constant 0 : i32
      %dma_wait3A_539 = arith.constant 0 : i32
      %dma_wait3A_540 = tpu.memref_slice %arg2[%dma_wait3A_538, %dma_wait3A_539] : memref<10000x128xf32, #tpu.memory_space<hbm>> -> memref<32x128xf32, #tpu.memory_space<hbm>>
      %dma_wait3A_541 = arith.constant 0 : i32
      %dma_wait3A_542 = arith.constant 0 : i32
      %dma_wait3A_543 = tpu.memref_slice %arg10[%dma_wait3A_530, %dma_wait3A_541, %dma_wait3A_542] : memref<4x48x128xf32, #tpu.memory_space<vmem>> -> memref<1x48x128xf32, #tpu.memory_space<vmem>>
      %dma_wait3A_544 = tpu.memref_squeeze %dma_wait3A_543 : memref<1x48x128xf32, #tpu.memory_space<vmem>> -> memref<48x128xf32, #tpu.memory_space<vmem>>
      %dma_wait3A_545 = arith.constant 0 : i32
      %dma_wait3A_546 = arith.constant 0 : i32
      %dma_wait3A_547 = tpu.memref_slice %dma_wait3A_544[%dma_wait3A_545, %dma_wait3A_546] : memref<48x128xf32, #tpu.memory_space<vmem>> -> memref<32x128xf32, #tpu.memory_space<vmem>>
      %dma_wait3A_548 = arith.constant 0 : i32
      %dma_wait3A_549 = arith.constant 0 : i32
      %dma_wait3A_550 = tpu.memref_slice %arg2[%dma_wait3A_548, %dma_wait3A_549] : memref<10000x128xf32, #tpu.memory_space<hbm>> -> memref<32x128xf32, #tpu.memory_space<hbm>>
      tpu.wait_dma2 semaphore(%arg14 : memref<!tpu.dma_semaphore, #tpu.memory_space<semaphore_mem>>) src(%dma_wait3A_550 : memref<32x128xf32, #tpu.memory_space<hbm>>) dst(%dma_wait3A_547 : memref<32x128xf32, #tpu.memory_space<vmem>>)
    } else {
    }
    %barrier3A_273 = arith.constant 0 : index
    tpu.barrier barrier_id(%barrier3A_273)
    %lt3A_274 = arith.constant 10 : i32
    %lt3A_275 = arith.cmpi slt, %arg1, %lt3A_274 : i32
    %convert_element_type3A_276 = arith.extui %lt3A_275 : i1 to i32
    %cond3A_277 = arith.constant 0 : i32
    %cond3A_278 = arith.cmpi ne, %convert_element_type3A_276, %cond3A_277 : i32
    scf.if %cond3A_278 {
      %mul3A_279 = arith.constant 10000 : i32
      %mul3A_280 = arith.muli %arg0, %mul3A_279 : i32
      %add3A_281 = arith.addi %mul3A_280, %mul3A_2 : i32
      "tpu.region"() ({
        %run_scoped3A = tpu.sem_alloc : memref<!tpu.dma_semaphore, #tpu.memory_space<semaphore_mem>>
        %dma_start3A_282 = arith.constant 0 : i32
        %dma_start3A_283 = tpu.memref_slice %arg5[%add3A_281, %dma_start3A_282] : memref<20000x128xf32, #tpu.memory_space<hbm>> -> memref<1000x128xf32, #tpu.memory_space<hbm>>
        %dma_start3A_284 = arith.constant 0 : i32
        %dma_start3A_285 = tpu.memref_slice %arg11[%mul3A_2, %dma_start3A_284] : memref<10000x128xf32, #tpu.memory_space<vmem_shared>> -> memref<1000x128xf32, #tpu.memory_space<vmem_shared>>
        tpu.enqueue_dma source(%dma_start3A_285 : memref<1000x128xf32, #tpu.memory_space<vmem_shared>>) target(%dma_start3A_283 : memref<1000x128xf32, #tpu.memory_space<hbm>>) target_semaphore(%run_scoped3A : memref<!tpu.dma_semaphore, #tpu.memory_space<semaphore_mem>>)
        %dma_wait3A_286 = arith.constant 0 : i32
        %dma_wait3A_287 = tpu.memref_slice %arg5[%add3A_281, %dma_wait3A_286] : memref<20000x128xf32, #tpu.memory_space<hbm>> -> memref<1000x128xf32, #tpu.memory_space<hbm>>
        %dma_wait3A_288 = arith.constant 0 : i32
        %dma_wait3A_289 = tpu.memref_slice %arg11[%mul3A_2, %dma_wait3A_288] : memref<10000x128xf32, #tpu.memory_space<vmem_shared>> -> memref<1000x128xf32, #tpu.memory_space<vmem_shared>>
        tpu.wait_dma2 semaphore(%run_scoped3A : memref<!tpu.dma_semaphore, #tpu.memory_space<semaphore_mem>>) src(%dma_wait3A_289 : memref<1000x128xf32, #tpu.memory_space<vmem_shared>>) dst(%dma_wait3A_287 : memref<1000x128xf32, #tpu.memory_space<hbm>>)
        tpu.yield
      }) : () -> ()
    } else {
    }
    return
  }
}

module attributes {stable_mosaic.version = 14 : i64} {
  func.func @_mlp_norm_body(%arg0: i32, %arg1: memref<2x1000x128xf32, #tpu.memory_space<vmem>>, %arg2: memref<128x128xf32, #tpu.memory_space<vmem>>, %arg3: memref<128xf32, #tpu.memory_space<vmem>>, %arg4: memref<128x128xf32, #tpu.memory_space<vmem>>, %arg5: memref<128xf32, #tpu.memory_space<vmem>>, %arg6: memref<1000x128xf32, #tpu.memory_space<vmem>>, %arg7: memref<10000x128xf32, #tpu.memory_space<vmem>>, %arg8: memref<1x128xf32, #tpu.memory_space<vmem>>) attributes {dimension_semantics = [#tpu.dimension_semantics<arbitrary>], iteration_bounds = array<i64: 20>, scalar_prefetch = 0 : i64, scratch_operands = 2 : i64, tpu.core_type = #tpu.core_type<tc>, window_params = [{transform_indices = @transform_0, window_bounds = array<i64: 2, 1000, 128>}, {pipeline_mode = #tpu.pipeline_mode<synchronous>, transform_indices = @transform_1, window_bounds = array<i64: 128, 128>}, {pipeline_mode = #tpu.pipeline_mode<synchronous>, transform_indices = @transform_2, window_bounds = array<i64: 128>}, {pipeline_mode = #tpu.pipeline_mode<synchronous>, transform_indices = @transform_3, window_bounds = array<i64: 128, 128>}, {pipeline_mode = #tpu.pipeline_mode<synchronous>, transform_indices = @transform_4, window_bounds = array<i64: 128>}, {transform_indices = @transform_5, window_bounds = array<i64: 1000, 128>}]} {
    %lt3A = arith.constant 10 : i32
    %lt3A_0 = arith.cmpi slt, %arg0, %lt3A : i32
    %convert_element_type3A = arith.extui %lt3A_0 : i1 to i32
    %cond3A = arith.constant 0 : i32
    %cond3A_1 = arith.cmpi ne, %convert_element_type3A, %cond3A : i32
    scf.if %cond3A_1 {
      %get3A = arith.constant 0 : index
      %get3A_6 = arith.constant 0 : index
      %get3A_7 = arith.constant 0 : index
      %get3A_8 = vector.load %arg1[%get3A, %get3A_6, %get3A_7] : memref<2x1000x128xf32, #tpu.memory_space<vmem>>, vector<1x1000x128xf32>
      %get3A_9 = vector.shape_cast %get3A_8 : vector<1x1000x128xf32> to vector<1000x128xf32>
      %get3A_10 = arith.constant 1 : index
      %get3A_11 = arith.constant 0 : index
      %get3A_12 = arith.constant 0 : index
      %get3A_13 = vector.load %arg1[%get3A_10, %get3A_11, %get3A_12] : memref<2x1000x128xf32, #tpu.memory_space<vmem>>, vector<1x1000x128xf32>
      %get3A_14 = vector.shape_cast %get3A_13 : vector<1x1000x128xf32> to vector<1000x128xf32>
      %add3A = arith.addf %get3A_9, %get3A_14 : vector<1000x128xf32>
      %get3A_15 = arith.constant 0 : index
      %get3A_16 = arith.constant 0 : index
      %get3A_17 = vector.load %arg2[%get3A_15, %get3A_16] : memref<128x128xf32, #tpu.memory_space<vmem>>, vector<128x128xf32>
      %dot_general3A = arith.constant dense<0.000000e+00> : vector<1000x128xf32>
      %dot_general3A_18 = tpu.matmul %add3A, %get3A_17, %dot_general3A {dimension_numbers = #tpu.dot_dimension_numbers<[1], [0], [0], [1], [0, 0, 1, 1], [], []>, transpose_lhs_hint = false} : vector<1000x128xf32>, vector<128x128xf32>, vector<1000x128xf32> -> vector<1000x128xf32>
      %get3A_19 = arith.constant 0 : index
      %get3A_20 = vector.load %arg3[%get3A_19] : memref<128xf32, #tpu.memory_space<vmem>>, vector<128xf32>
      %broadcast_in_dim3A = vector.shape_cast %get3A_20 : vector<128xf32> to vector<1x128xf32>
      %add3A_21 = vector.broadcast %broadcast_in_dim3A : vector<1x128xf32> to vector<1000x128xf32>
      %add3A_22 = arith.addf %dot_general3A_18, %add3A_21 : vector<1000x128xf32>
      %max3A = arith.constant 0.000000e+00 : f32
      %max3A_23 = vector.broadcast %max3A : f32 to vector<1000x128xf32>
      %max3A_24 = arith.maximumf %add3A_22, %max3A_23 : vector<1000x128xf32>
      %get3A_25 = arith.constant 0 : index
      %get3A_26 = arith.constant 0 : index
      %get3A_27 = vector.load %arg4[%get3A_25, %get3A_26] : memref<128x128xf32, #tpu.memory_space<vmem>>, vector<128x128xf32>
      %dot_general3A_28 = arith.constant dense<0.000000e+00> : vector<1000x128xf32>
      %dot_general3A_29 = tpu.matmul %max3A_24, %get3A_27, %dot_general3A_28 {dimension_numbers = #tpu.dot_dimension_numbers<[1], [0], [0], [1], [0, 0, 1, 1], [], []>, transpose_lhs_hint = false} : vector<1000x128xf32>, vector<128x128xf32>, vector<1000x128xf32> -> vector<1000x128xf32>
      %get3A_30 = arith.constant 0 : index
      %get3A_31 = vector.load %arg5[%get3A_30] : memref<128xf32, #tpu.memory_space<vmem>>, vector<128xf32>
      %broadcast_in_dim3A_32 = vector.shape_cast %get3A_31 : vector<128xf32> to vector<1x128xf32>
      %add3A_33 = vector.broadcast %broadcast_in_dim3A_32 : vector<1x128xf32> to vector<1000x128xf32>
      %add3A_34 = arith.addf %dot_general3A_29, %add3A_33 : vector<1000x128xf32>
      %mul3A = arith.mulf %add3A_34, %add3A_34 : vector<1000x128xf32>
      %reduce_sum3A = arith.constant dense<0.000000e+00> : vector<1000xf32>
      %reduce_sum3A_35 = vector.multi_reduction <add>, %mul3A, %reduce_sum3A [1] : vector<1000x128xf32> to vector<1000xf32>
      %broadcast_in_dim3A_36 = vector.shape_cast %reduce_sum3A_35 : vector<1000xf32> to vector<1000x1xf32>
      %add3A_37 = arith.constant 9.99999997E-7 : f32
      %add3A_38 = vector.broadcast %add3A_37 : f32 to vector<1000x1xf32>
      %add3A_39 = arith.addf %add3A_38, %broadcast_in_dim3A_36 : vector<1000x1xf32>
      %sqrt3A = math.sqrt %add3A_39 : vector<1000x1xf32>
      %mul3A_40 = arith.constant 2.000000e+01 : f32
      %mul3A_41 = vector.broadcast %mul3A_40 : f32 to vector<1000x128xf32>
      %mul3A_42 = arith.mulf %mul3A_41, %add3A_34 : vector<1000x128xf32>
      %div3A = vector.broadcast %sqrt3A : vector<1000x1xf32> to vector<1000x128xf32>
      %div3A_43 = arith.divf %mul3A_42, %div3A : vector<1000x128xf32>
      %mul3A_44 = arith.constant 1000 : i32
      %mul3A_45 = arith.muli %arg0, %mul3A_44 : i32
      %swap3A = arith.index_cast %mul3A_45 : i32 to index
      %swap3A_46 = arith.constant 0 : index
      %swap3A_47 = vector.load %arg7[%swap3A, %swap3A_46] : memref<10000x128xf32, #tpu.memory_space<vmem>>, vector<1000x128xf32>
      tpu.vector_store %arg7[%swap3A, %swap3A_46], %div3A_43 {strides = array<i32>} : memref<10000x128xf32, #tpu.memory_space<vmem>>, vector<1000x128xf32>,
      %reduce_sum3A_48 = arith.constant dense<0.000000e+00> : vector<128xf32>
      %reduce_sum3A_49 = vector.multi_reduction <add>, %add3A_34, %reduce_sum3A_48 [0] : vector<1000x128xf32> to vector<128xf32>
      %broadcast_in_dim3A_50 = vector.shape_cast %reduce_sum3A_49 : vector<128xf32> to vector<1x128xf32>
      %eq3A = arith.constant 0 : i32
      %eq3A_51 = arith.cmpi eq, %arg0, %eq3A : i32
      %get3A_52 = arith.constant 0 : index
      %get3A_53 = arith.constant 0 : index
      %get3A_54 = vector.load %arg8[%get3A_52, %get3A_53] : memref<1x128xf32, #tpu.memory_space<vmem>>, vector<1x128xf32>
      %add3A_55 = arith.addf %get3A_54, %broadcast_in_dim3A_50 : vector<1x128xf32>
      %select_n3A = arith.select %eq3A_51, %broadcast_in_dim3A_50, %add3A_55 : vector<1x128xf32>
      %swap3A_56 = arith.constant 0 : index
      %swap3A_57 = arith.constant 0 : index
      %swap3A_58 = vector.load %arg8[%swap3A_56, %swap3A_57] : memref<1x128xf32, #tpu.memory_space<vmem>>, vector<1x128xf32>
      tpu.vector_store %arg8[%swap3A_56, %swap3A_57], %select_n3A {strides = array<i32>} : memref<1x128xf32, #tpu.memory_space<vmem>>, vector<1x128xf32>,
    } else {
    }
    %ge3A = arith.constant 10 : i32
    %ge3A_2 = arith.cmpi sge, %arg0, %ge3A : i32
    %convert_element_type3A_3 = arith.extui %ge3A_2 : i1 to i32
    %cond3A_4 = arith.constant 0 : i32
    %cond3A_5 = arith.cmpi ne, %convert_element_type3A_3, %cond3A_4 : i32
    scf.if %cond3A_5 {
      %sub3A = arith.constant 10 : i32
      %sub3A_6 = arith.subi %arg0, %sub3A : i32
      %mul3A = arith.constant 1000 : i32
      %mul3A_7 = arith.muli %sub3A_6, %mul3A : i32
      %get3A = arith.index_cast %mul3A_7 : i32 to index
      %get3A_8 = arith.constant 0 : index
      %get3A_9 = vector.load %arg7[%get3A, %get3A_8] : memref<10000x128xf32, #tpu.memory_space<vmem>>, vector<1000x128xf32>
      %get3A_10 = arith.constant 0 : index
      %get3A_11 = arith.constant 0 : index
      %get3A_12 = vector.load %arg8[%get3A_10, %get3A_11] : memref<1x128xf32, #tpu.memory_space<vmem>>, vector<1x128xf32>
      %mul3A_13 = arith.constant 9.99999974E-5 : f32
      %mul3A_14 = vector.broadcast %mul3A_13 : f32 to vector<1x128xf32>
      %mul3A_15 = arith.mulf %get3A_12, %mul3A_14 : vector<1x128xf32>
      %sub3A_16 = vector.broadcast %mul3A_15 : vector<1x128xf32> to vector<1000x128xf32>
      %sub3A_17 = arith.subf %get3A_9, %sub3A_16 : vector<1000x128xf32>
      %max3A = arith.constant 0.000000e+00 : f32
      %max3A_18 = vector.broadcast %max3A : f32 to vector<1000x128xf32>
      %max3A_19 = arith.maximumf %sub3A_17, %max3A_18 : vector<1000x128xf32>
      %swap3A = arith.constant 0 : index
      %swap3A_20 = arith.constant 0 : index
      %swap3A_21 = vector.load %arg6[%swap3A, %swap3A_20] : memref<1000x128xf32, #tpu.memory_space<vmem>>, vector<1000x128xf32>
      tpu.vector_store %arg6[%swap3A, %swap3A_20], %max3A_19 {strides = array<i32>} : memref<1000x128xf32, #tpu.memory_space<vmem>>, vector<1000x128xf32>,
    } else {
    }
    return
  }
  func.func @transform_0(%arg0: i32) -> (i32, i32, i32) {
    %min3A = arith.constant 9 : i32
    %min3A_0 = arith.minsi %arg0, %min3A : i32
    %c0_i32 = arith.constant 0 : i32
    %c0_i32_1 = arith.constant 0 : i32
    %c0_i32_2 = arith.constant 0 : i32
    return %c0_i32, %min3A_0, %c0_i32_1 : i32, i32, i32
  }
  func.func @transform_1(%arg0: i32) -> (i32, i32) {
    %c0_i32 = arith.constant 0 : i32
    %c0_i32_0 = arith.constant 0 : i32
    %c0_i32_1 = arith.constant 0 : i32
    return %c0_i32, %c0_i32_0 : i32, i32
  }
  func.func @transform_2(%arg0: i32) -> i32 {
    %c0_i32 = arith.constant 0 : i32
    %c0_i32_0 = arith.constant 0 : i32
    return %c0_i32 : i32
  }
  func.func @transform_3(%arg0: i32) -> (i32, i32) {
    %c0_i32 = arith.constant 0 : i32
    %c0_i32_0 = arith.constant 0 : i32
    %c0_i32_1 = arith.constant 0 : i32
    return %c0_i32, %c0_i32_0 : i32, i32
  }
  func.func @transform_4(%arg0: i32) -> i32 {
    %c0_i32 = arith.constant 0 : i32
    %c0_i32_0 = arith.constant 0 : i32
    return %c0_i32 : i32
  }
  func.func @transform_5(%arg0: i32) -> (i32, i32) {
    %sub3A = arith.constant 10 : i32
    %sub3A_0 = arith.subi %arg0, %sub3A : i32
    %max3A = arith.constant 0 : i32
    %max3A_1 = arith.maxsi %sub3A_0, %max3A : i32
    %c0_i32 = arith.constant 0 : i32
    %c0_i32_2 = arith.constant 0 : i32
    return %max3A_1, %c0_i32 : i32, i32
  }
}

module attributes {stable_mosaic.version = 14 : i64} {
  func.func @_mlp_body(%arg0: i32, %arg1: memref<2x1000x128xf32, #tpu.memory_space<vmem>>, %arg2: memref<128x128xf32, #tpu.memory_space<vmem>>, %arg3: memref<128xf32, #tpu.memory_space<vmem>>, %arg4: memref<128x128xf32, #tpu.memory_space<vmem>>, %arg5: memref<128xf32, #tpu.memory_space<vmem>>, %arg6: memref<1000x128xf32, #tpu.memory_space<vmem>>) attributes {dimension_semantics = [#tpu.dimension_semantics<arbitrary>], iteration_bounds = array<i64: 10>, scalar_prefetch = 0 : i64, scratch_operands = 0 : i64, tpu.core_type = #tpu.core_type<tc>, window_params = [{transform_indices = @transform_0, window_bounds = array<i64: 2, 1000, 128>}, {pipeline_mode = #tpu.pipeline_mode<synchronous>, transform_indices = @transform_1, window_bounds = array<i64: 128, 128>}, {pipeline_mode = #tpu.pipeline_mode<synchronous>, transform_indices = @transform_2, window_bounds = array<i64: 128>}, {pipeline_mode = #tpu.pipeline_mode<synchronous>, transform_indices = @transform_3, window_bounds = array<i64: 128, 128>}, {pipeline_mode = #tpu.pipeline_mode<synchronous>, transform_indices = @transform_4, window_bounds = array<i64: 128>}, {transform_indices = @transform_5, window_bounds = array<i64: 1000, 128>}]} {
    %get3A = arith.constant 0 : index
    %get3A_0 = arith.constant 0 : index
    %get3A_1 = arith.constant 0 : index
    %get3A_2 = vector.load %arg1[%get3A, %get3A_0, %get3A_1] : memref<2x1000x128xf32, #tpu.memory_space<vmem>>, vector<1x1000x128xf32>
    %get3A_3 = vector.shape_cast %get3A_2 : vector<1x1000x128xf32> to vector<1000x128xf32>
    %get3A_4 = arith.constant 1 : index
    %get3A_5 = arith.constant 0 : index
    %get3A_6 = arith.constant 0 : index
    %get3A_7 = vector.load %arg1[%get3A_4, %get3A_5, %get3A_6] : memref<2x1000x128xf32, #tpu.memory_space<vmem>>, vector<1x1000x128xf32>
    %get3A_8 = vector.shape_cast %get3A_7 : vector<1x1000x128xf32> to vector<1000x128xf32>
    %add3A = arith.addf %get3A_3, %get3A_8 : vector<1000x128xf32>
    %get3A_9 = arith.constant 0 : index
    %get3A_10 = arith.constant 0 : index
    %get3A_11 = vector.load %arg2[%get3A_9, %get3A_10] : memref<128x128xf32, #tpu.memory_space<vmem>>, vector<128x128xf32>
    %dot_general3A = arith.constant dense<0.000000e+00> : vector<1000x128xf32>
    %dot_general3A_12 = tpu.matmul %add3A, %get3A_11, %dot_general3A {dimension_numbers = #tpu.dot_dimension_numbers<[1], [0], [0], [1], [0, 0, 1, 1], [], []>, transpose_lhs_hint = false} : vector<1000x128xf32>, vector<128x128xf32>, vector<1000x128xf32> -> vector<1000x128xf32>
    %get3A_13 = arith.constant 0 : index
    %get3A_14 = vector.load %arg3[%get3A_13] : memref<128xf32, #tpu.memory_space<vmem>>, vector<128xf32>
    %broadcast_in_dim3A = vector.shape_cast %get3A_14 : vector<128xf32> to vector<1x128xf32>
    %add3A_15 = vector.broadcast %broadcast_in_dim3A : vector<1x128xf32> to vector<1000x128xf32>
    %add3A_16 = arith.addf %dot_general3A_12, %add3A_15 : vector<1000x128xf32>
    %max3A = arith.constant 0.000000e+00 : f32
    %max3A_17 = vector.broadcast %max3A : f32 to vector<1000x128xf32>
    %max3A_18 = arith.maximumf %add3A_16, %max3A_17 : vector<1000x128xf32>
    %get3A_19 = arith.constant 0 : index
    %get3A_20 = arith.constant 0 : index
    %get3A_21 = vector.load %arg4[%get3A_19, %get3A_20] : memref<128x128xf32, #tpu.memory_space<vmem>>, vector<128x128xf32>
    %dot_general3A_22 = arith.constant dense<0.000000e+00> : vector<1000x128xf32>
    %dot_general3A_23 = tpu.matmul %max3A_18, %get3A_21, %dot_general3A_22 {dimension_numbers = #tpu.dot_dimension_numbers<[1], [0], [0], [1], [0, 0, 1, 1], [], []>, transpose_lhs_hint = false} : vector<1000x128xf32>, vector<128x128xf32>, vector<1000x128xf32> -> vector<1000x128xf32>
    %get3A_24 = arith.constant 0 : index
    %get3A_25 = vector.load %arg5[%get3A_24] : memref<128xf32, #tpu.memory_space<vmem>>, vector<128xf32>
    %broadcast_in_dim3A_26 = vector.shape_cast %get3A_25 : vector<128xf32> to vector<1x128xf32>
    %add3A_27 = vector.broadcast %broadcast_in_dim3A_26 : vector<1x128xf32> to vector<1000x128xf32>
    %add3A_28 = arith.addf %dot_general3A_23, %add3A_27 : vector<1000x128xf32>
    %swap3A = arith.constant 0 : index
    %swap3A_29 = arith.constant 0 : index
    %swap3A_30 = vector.load %arg6[%swap3A, %swap3A_29] : memref<1000x128xf32, #tpu.memory_space<vmem>>, vector<1000x128xf32>
    tpu.vector_store %arg6[%swap3A, %swap3A_29], %add3A_28 {strides = array<i32>} : memref<1000x128xf32, #tpu.memory_space<vmem>>, vector<1000x128xf32>,
    return
  }
  func.func @transform_0(%arg0: i32) -> (i32, i32, i32) {
    %c0_i32 = arith.constant 0 : i32
    %c0_i32_0 = arith.constant 0 : i32
    %c0_i32_1 = arith.constant 0 : i32
    return %c0_i32, %arg0, %c0_i32_0 : i32, i32, i32
  }
  func.func @transform_1(%arg0: i32) -> (i32, i32) {
    %c0_i32 = arith.constant 0 : i32
    %c0_i32_0 = arith.constant 0 : i32
    %c0_i32_1 = arith.constant 0 : i32
    return %c0_i32, %c0_i32_0 : i32, i32
  }
  func.func @transform_2(%arg0: i32) -> i32 {
    %c0_i32 = arith.constant 0 : i32
    %c0_i32_0 = arith.constant 0 : i32
    return %c0_i32 : i32
  }
  func.func @transform_3(%arg0: i32) -> (i32, i32) {
    %c0_i32 = arith.constant 0 : i32
    %c0_i32_0 = arith.constant 0 : i32
    %c0_i32_1 = arith.constant 0 : i32
    return %c0_i32, %c0_i32_0 : i32, i32
  }
  func.func @transform_4(%arg0: i32) -> i32 {
    %c0_i32 = arith.constant 0 : i32
    %c0_i32_0 = arith.constant 0 : i32
    return %c0_i32 : i32
  }
  func.func @transform_5(%arg0: i32) -> (i32, i32) {
    %c0_i32 = arith.constant 0 : i32
    %c0_i32_0 = arith.constant 0 : i32
    return %arg0, %c0_i32 : i32, i32
  }
}

</mosaic_0001>

<sc_bundles>
// kernel: kernel.6.cloned.1.call-start
scs
__scs_entry_jumppad:
0x0: {  	(pc) =	sbr.rel $0x88, $3  }
0x1: {  	(tag) =	ssettag $0x0;
	lr =	simm.s32 $0x1  }
0x2: {  	[smem:$0x3F97] =	sst lr;
	_ =	strace $0xD0000000  }
0x3: {  	_ = 	snop  }
0x4: {  	_ = 	snop  }
0x5: {  	_ = 	snop  }
0x6: {  	_ = 	snop  }
0x7: {  	_ = 	snop  }
__scs_overlays_trampoline_lowered:
0x8: {  	[smem:$0x3FA6] =	sst s0  }
0x9: {  	[smem:$0x3FA7] =	sst s1  }
0xa: {  	[smem:$0x3FA8] =	sst s2  }
0xb: {  	[smem:$0x3FA9] =	sst s3  }
0xc: {  	[smem:$0x3FAA] =	sst s4  }
0xd: {  	[smem:$0x3FAB] =	sst s5  }
0xe: {  	[smem:$0x3FAC] =	sst s6  }
0xf: {  	[smem:$0x3FAD] =	sst s7  }
0x10: {  	[smem:$0x3FAE] =	sst s8  }
0x11: {  	[smem:$0x3FAF] =	sst s9;
	s0 =	simm.s32 @!p0 $0x0  }
0x12: {  	s1 =	sld [smem:$0x3F95];
	s0 =	simm.s32 @p0 $0x1  }
0x13: {  	[smem:$0x3FB0] =	sst s0;
	s0 =	simm.s32 @!p1 $0x0  }
0x14: {  	s2 =	sld [smem:$0x3F94];
	s0 =	simm.s32 @p1 $0x1  }
0x15: {  	[smem:$0x3FB1] =	sst s0;
	s0 =	simm.s32 @!p2 $0x0  }
0x16: {  	s3 =	sld [smem:$0x3FDB];
	s0 =	simm.s32 @p2 $0x1  }
0x17: {  	s4 =	simm.s32 $0x1BF5;
	[smem:$0x3FB3] =	sst s0  }
0x18: {  	s0 =	sld [smem:$0x3F96];
	_ =	swait.ge [sflag:s4], $0x0  }
0x19: {  	s7 =	sld [smem:$0x3F97]  }
0x1a: {  	s8 =	sadd.s32 $0xFFFFE003, lr  }
0x1b: {  	s9 =	sadd.s32 $0xFFFFFEF7, lr;
	s5 =	simm.s32 $0xFFFFFFFF;
	p2 =	slt.u32 s8, $0xFFFFF086  }
0x1c: {  	p1 =	slt.u32 s9, $0xF7A;
	s5 =	simm.s32 @!p2 $0x0  }
0x1d: {  	s5 =	simm.s32 @p1 $0x1;
	p0 =	seq.s32 s7, s2  }
0x1e: {  	s7 =	smul.u32 @!p0 $0xF7A, s2;
	p2 =	seq.s32 @!p0 s5, $0x0  }
0x1f: {  	s9 =	smul.u32 $0xF7A, s1;
	s8 =	simm.s32 @!p0 $0x1BF5;
	p2 =	por !p2, p0  }
0x20: {  	[sflag:s8] =	ssyncset.s32 @!p0 $0xFFFFF086;
	s6 =	sadd.s32 @!p0 s3, s7;
	s7 =	simm.s32 @!p0 $0x108  }
0x21: {  	s3 =	sadd.s32 s3, s9;
	s6 =	sadd.s32 @!p0 $0x88, s6;
	s7 =	simm.s32 @p2 $0x1082  }
0x22: {  	[simem:s7], [sflag:s8] =	dma.local @!p0 [hbm:s6], $0xF7A  }
0x23: {  	s9 =	sor.u32 $0xD0000000, s2;
	s6 =	simm.s32 $0x108;
	_ =	swait.ge @!p0 [sflag:s8], $0x0  }
0x24: {  	s3 =	sadd.s32 $0x88, s3;
	s6 =	simm.s32 @!p1 $0x1082;
	[sflag:s4] =	ssyncset.s32 $0xFFFFF086  }
0x25: {  	[simem:s6], [sflag:s4] =	dma.local [hbm:s3], $0xF7A  }
0x26: {  	[smem:$0x3F97] =	sst s1;
	(tag) =	ssettag s2;
	_ =	strace s9  }
0x27: {  	s1 =	sld [smem:$0x3FA7]  }
0x28: {  	s2 =	sld [smem:$0x3FA8]  }
0x29: {  	s4 =	sld [smem:$0x3FAA]  }
0x2a: {  	p0 =	seq.s32 s5, $0x0;
	s5 =	sld [smem:$0x3FAB]  }
0x2b: {  	s6 =	sld [smem:$0x3FAC]  }
0x2c: {  	s7 =	sld [smem:$0x3FAD]  }
0x2d: {  	s3 =	simm.s32 $0x108;
	s8 =	sld [smem:$0x3FAE]  }
0x2e: {  	s3 =	simm.s32 @!p0 $0x1082;
	s9 =	sld [smem:$0x3FAF]  }
0x2f: {  	lr =	sadd.s32 s0, s3;
	s0 =	sld [smem:$0x3FA6]  }
0x30: {  	s3 =	sld [smem:$0x3FA9]  }
0x31: {  	[smem:$0x3FB2] =	sst s10  }
0x32: {  	s10 =	sld [smem:$0x3FB0];
	_ =	sdelay $0x3  }
0x33: {  	p0 =	seq.s32 s10, $0x1;
	s10 =	sld [smem:$0x3FB2];
	_ =	sdelay $0x3  }
0x34: {  	[smem:$0x3FB2] =	sst s10  }
0x35: {  	s10 =	sld [smem:$0x3FB1];
	_ =	sdelay $0x3  }
0x36: {  	p1 =	seq.s32 s10, $0x1;
	s10 =	sld [smem:$0x3FB2];
	_ =	sdelay $0x3  }
0x37: {  	[smem:$0x3FB2] =	sst s10  }
0x38: {  	s10 =	sld [smem:$0x3FB3]  }
0x39: {  	_ = 	snop;
	(pc) =	sbr.ind lr, $3  }
0x3a: {  	_ = 	snop  }
0x3b: {  	_ = 	snop  }
0x3c: {  	p2 =	seq.s32 s10, $0x1;
	s10 =	sld [smem:$0x3FB2]  }
0x3d: {  	_ =	shalt  }
0x3e: {  	_ =	shalt  }
0x3f: {  	_ =	shalt  }
0x40: {  	_ =	shalt  }
0x41: {  	_ =	shalt  }
0x42: {  	_ =	shalt  }
0x43: {  	_ =	shalt  }
0x44: {  	_ =	shalt  }
0x45: {  	_ =	shalt  }
0x46: {  	_ =	shalt  }
0x47: {  	_ =	shalt  }
0x48: {  	_ =	shalt  }
0x49: {  	_ =	shalt  }
0x4a: {  	_ =	shalt  }
0x4b: {  	_ =	shalt  }
0x4c: {  	_ =	shalt  }
0x4d: {  	_ =	shalt  }
0x4e: {  	_ =	shalt  }
0x4f: {  	_ =	shalt  }
0x50: {  	_ =	shalt  }
0x51: {  	_ =	shalt  }
0x52: {  	_ =	shalt  }
0x53: {  	_ =	shalt  }
0x54: {  	_ =	shalt  }
0x55: {  	_ =	shalt  }
0x56: {  	_ =	shalt  }
0x57: {  	_ =	shalt  }
0x58: {  	_ =	shalt  }
0x59: {  	_ =	shalt  }
0x5a: {  	_ =	shalt  }
0x5b: {  	_ =	shalt  }
0x5c: {  	_ =	shalt  }
0x5d: {  	_ =	shalt  }
0x5e: {  	_ =	shalt  }
0x5f: {  	_ =	shalt  }
0x60: {  	_ =	shalt  }
0x61: {  	_ =	shalt  }
0x62: {  	_ =	shalt  }
0x63: {  	_ =	shalt  }
0x64: {  	_ =	shalt  }
0x65: {  	_ =	shalt  }
0x66: {  	_ =	shalt  }
0x67: {  	_ =	shalt  }
0x68: {  	_ =	shalt  }
0x69: {  	_ =	shalt  }
0x6a: {  	_ =	shalt  }
0x6b: {  	_ =	shalt  }
0x6c: {  	_ =	shalt  }
0x6d: {  	_ =	shalt  }
0x6e: {  	_ =	shalt  }
0x6f: {  	_ =	shalt  }
0x70: {  	_ =	shalt  }
0x71: {  	_ =	shalt  }
0x72: {  	_ =	shalt  }
0x73: {  	_ =	shalt  }
0x74: {  	_ =	shalt  }
0x75: {  	_ =	shalt  }
0x76: {  	_ =	shalt  }
0x77: {  	_ =	shalt  }
0x78: {  	_ =	shalt  }
0x79: {  	_ =	shalt  }
0x7a: {  	_ =	shalt  }
0x7b: {  	_ =	shalt  }
0x7c: {  	_ =	shalt  }
0x7d: {  	_ =	shalt  }
0x7e: {  	_ =	shalt  }
0x7f: {  	_ =	shalt  }
0x80: {  	_ =	shalt  }
0x81: {  	_ =	shalt  }
0x82: {  	_ =	shalt  }
0x83: {  	_ =	shalt  }
0x84: {  	_ =	shalt  }
0x85: {  	_ =	shalt  }
0x86: {  	_ =	shalt  }
0x87: {  	_ =	shalt  }
.Lfunc_end0:
.L_simem_size_0:
called_computation_lowered:
.L_overlay_start_0:
0x88: {  	s2 =	sld [smem:$0x3FD9]  }
0x89: {  	s3 =	sld [smem:$0x3FFE];
	_ =	sdelay $0x1  }
0x8a: {  	s1 =	srdreg.scid  }
0x8b: {  	s0 =	sand.u32 $0x1, s1  }
0x8c: {  	s17 =	sshll.u32 s0, $0xA;
	s2 =	sadd.s32 s3, s2  }
0x8d: {  	s2 =	sadd.s32 s2, s17  }
0x8e: {  	[smem:$0x3FBE] =	sst s2  }
0x8f: {  	_ = 	snop  }
0x90: {  	s2 =	sld [smem:$0x3FC9]  }
0x91: {  	s18 =	sld [smem:$0x3FC8]  }
0x92: {  	s4 =	sld [smem:$0x3FD0];
	(tm) =	ssettm $0x1  }
0x93: {  	s5 =	sld [smem:$0x3FFB];
	_ =	sdelay $0x3  }
0x94: {  	_ =	strace s5  }
0x95: {  	s5 =	sld [smem:$0x3FFC];
	_ =	sdelay $0x3  }
0x96: {  	_ =	strace s5  }
0x97: {  	s5 =	sld [smem:$0x3FFD];
	_ =	sdelay $0x3  }
0x98: {  	_ =	strace s5  }
0x99: {  	_ =	strace $0x8FFFFFFF  }
0x9a: {  	s19 =	sld [smem:$0x3FDB];
	_ =	sdelay $0x1  }
0x9b: {  	s6 =	simm.s32 $_scs_section_size  }
0x9c: {  	s7 =	simm.s32 $_size__tile_overlayer_lowered;
	s8 =	simm.s32 $_tile_overlayer_lowered  }
0x9d: {  	s22 =	simm.s32 $0x1BFF;
	s21 =	sshll.u32 s8, $0x1;
	s5 =	sadd.s32 s6, s19  }
0x9e: {  	s9 =	simm.s32 $0x0;
	s20 =	sshll.u32 s7, $0x1;
	s7 =	sadd.s32 s21, s5  }
0x9f: {  	[timem:s9], [sflag:s22] =	dma.local [hbm:s7], s20  }
0xa0: {  	_ =	swait.ge [sflag:s22], s20  }
0xa1: {  	s6 =	ssub.s32 $0x0, s20;
	[sflag:s22] =	ssyncset.done $0x0  }
0xa2: {  	[sflag:s22] =	ssyncadd.s32 s6;
	_ =	sdelay $0x1  }
0xa3: {  	s23 =	simm.s32 $0x1B8B  }
0xa4: {  	_ =	swait.ge [sflag:s23], $0x1  }
0xa5: {  	[sflag:s23] =	ssyncset.done $0x0  }
0xa6: {  	s25 =	simm.s32 $0x1B8E;
	s24 =	sld [smem:$0x3FFE];
	[sflag:s23] =	ssyncadd.s32 $0xFFFFFFFF  }
0xa7: {  	s26 =	simm.s32 $execute0_lowered;
	[smem:$0x3FD2] =	sst s25  }
0xa8: {  	s7 =	sshll.u32 s26, $0x1;
	_ =	strace $0x80000046;
	[dreg:$0x1] =	wrdreg $0xFFFFFFFF  }
0xa9: {  	s28 =	simm.s32 $_size_execute0_lowered;
	s5 =	sadd.s32 s5, s7;
	[dreg:$0x0] =	wrdreg $0x0  }
0xaa: {  	s7 =	sshll.u32 s28, $0x1;
	[dreg:$0x2] =	wrdreg s5  }
0xab: {  	[dreg:$0x3] =	wrdreg s7  }
0xac: {  	[dreg:$0x4] =	wrdreg $0xC0  }
0xad: {  	_ =	task [dreg:s9], $0x5FFFF  }
0xae: {  	[dreg:$0x1] =	wrdreg $0xFFFFFFFF  }
0xaf: {  	[dreg:$0x0] =	wrdreg $0x60  }
0xb0: {  	[dreg:$0x2] =	wrdreg s2  }
0xb1: {  	[dreg:$0x3] =	wrdreg s4  }
0xb2: {  	[dreg:$0x4] =	wrdreg s18  }
0xb3: {  	[dreg:$0x5] =	wrdreg s24  }
0xb4: {  	[dreg:$0x6] =	wrdreg $0xAF000  }
0xb5: {  	[dreg:$0x7] =	wrdreg $0x9  }
0xb6: {  	_ =	task.clear_ibuf [dreg:s9], $0x8FFFF;
	_ =	strace $0x90000046  }
0xb7: {  	s29 =	simm.s32 $0x9;
	_ =	strace $0x80000048  }
0xb8: {  	_ =	swait.ge [sflag:s29], $0x1  }
0xb9: {  	[sflag:s29] =	ssyncadd.s32 $0xFFFFFFFF  }
0xba: {  	_ =	strace $0x90000048  }
0xbb: {  	_ =	sfence  }
0xbc: {  	s30 =	sld [smem:$0x0];
	_ =	sdelay $0x2  }
0xbd: {  	s31 =	sshll.u32 s1, $0xD;
	s1 =	sshrl.u32 s1, $0x2  }
0xbe: {  	s3 =	sand.u32 $0x4000, s31;
	s1 =	sadd.s32 s1, s30  }
0xbf: {  	s0 =	sor.u32 s3, s0;
	s1 =	sshll.u32 s1, $0x11  }
0xc0: {  	s0 =	sor.u32 s1, s0  }
0xc1: {  	s0 =	sadd.s32 $0x8F2B, s0  }
0xc2: {  	[sflag:s0] =	ssyncadd.remote.s32 $0x1  }
0xc3: {  	_ =	sfence.sel $0xFFFF  }
0xc4: {  	[dreg:$0x0] =	wrdreg $0xFFFFFFFF;
	(pc) =	sbr.abs _section_cstart, $3  }
0xc5: {  	[dreg:$0x1] =	wrdreg $0xFFFFFFFF  }
0xc6: {  	_ =	task.clear_ibuf [dreg:s9], $0x2FFFF;
	_ =	strace $0x9FFFFFFF  }
0xc7: {  	(tm) =	ssettm $0x7FFFFFFF  }
tec
execute0_lowered:
.L_overlay_start_1:
0x0: {  	(tag) =	ssettag $0x1  }
0x1: {  	s1 =	rddreg [dreg:$0x0]  }
0x2: {  	s0 =	rddreg [dreg:$0x1]  }
0x3: {  	s2 =	rddreg [dreg:$0x2]  }
0x4: {  	s5 =	rddreg [dreg:$0x3]  }
0x5: {  	s3 =	rddreg [dreg:$0x4]  }
0x6: {  	s6 =	srdreg.scid;
	s25 =	stileid.u32  }
0x7: {  	s4 =	simm.s32 $0x0;
	s15 =	simm.s32 $0x100;
	s16 =	simm.s32 $0x2700  }
0x8: {  	s28 =	simm.s32 $0x2;
	s30 =	simm.s32 $0x9700;
	s29 =	simm.s32 $0x20  }
0x9: {  	s31 =	simm.s32 $0x4;
	s9 =	sand.u32 $0x1, s6;
	s11 =	smul.u32 $0x3E80, s25  }
0xa: {  	[smem:$0x7FF] =	sst s4;
	s7 =	sshll.u32 s25, $0x1;
	s23 =	sadd.s32 $0x10, s2  }
0xb: {  	p1 =	slt.u32 s25, $0xA;
	s14 =	smul.u32 $0x7D000, s25;
	p3 =	sgt.u32 s25, $0x9  }
0xc: {  	s6 =	smul.u32 $0x27100, s9;
	_ =	strace $0x80000047;
	s8 =	ssub.s32 $0x2, s9  }
0xd: {  	s7 =	sor.u32 s9, s7;
	p0 =	seq.s32 s9, $0x0;
	p2 =	seq.s32 s9, $0x1  }
0xe: {  	s21 =	sshrl.u32 s8, $0x1;
	s22 =	smul.u32 $0x9C0, s7;
	s7 =	sshll.u32 s7, $0x5  }
0xf: {  	p0 =	por !p1, !p0;
	s24 =	sshrl.u32 s14, $0x2;
	p1 =	por !p1, !p2  }
0x10: {  	p2 =	sgt.u32 s25, $0x1;
	s14 =	simm.s32 $0x80;
	s6 =	sadd.s32 s11, s6  }
0x11: {  	s13 =	ssub.s32 s8, s21;
	s10 =	sor.u32 $0x13800, s7;
	p0 =	por !p0, !p0  }
0x12: {  	p1 =	por !p1, !p1;
	s21 =	simm.s32 $0x1;
	s12 =	sadd.s32 s6, s5  }
0x13: {  	s5 =	sadd.s32 s2, s22;
	s6 =	sadd.s32 s22, s23;
	s7 =	sadd.s32 s2, s10  }
0x14: {  	s8 =	sadd.s32 s10, s23;
	s2 =	sadd.s32 s24, s3;
	s10 =	sadd.s32 s1, s11  }
0x15: {  	s11 =	sadd.s32 s0, s11;
	s13 =	smax.u32 s13, $0x1;
	s0 =	sshll.u32 @p0 s25, $0x6  }
.Ltmp0:
0x16: {  	s22 =	simm.s32 $0x30;
	s23 =	simm.s32 $0x4F00;
	(pc) =	sbr.rel .LBB2_1-.Ltmp0, $4  }
0x17: {  	s24 =	simm.s32 $0x6700;
	s26 =	sadd.s32 $0x1E00, s12;
	s17 =	sor.u32 @p0 $0x1C04, s0  }
0x18: {  	s18 =	sshrl.u32 @p0 s2, $0x3;
	s0 =	sshll.u32 @p1 s25, $0x6;
	[dreg:$0x6] =	wrdreg s2  }
0x19: {  	s20 =	sshrl.u32 @p1 s2, $0x3;
	s2 =	simm.s32 $0x0;
	[dreg:$0x7] =	wrdreg s26  }
0x1a: {  	s19 =	sor.u32 @p1 $0x1C04, s0;
	s26 =	simm.s32 $0x7F00;
	s0 =	simm.s32 $0x3  }
.LBB2_4:
0x1b: {  	s9 =	simm.s32 $0x4E00  }
0x1c: {  	[tilespmem:s23], [sflag:$0x2] =	stream.indirect.gather [hbm4b:s1+s29], $0x80, s9, s29, $0xb8;
	[tilespmem:$0x1E780] =	vst v63  }
0x1d: {  	s25 =	simm.s32 $0x4E20  }
0x1e: {  	[tilespmem:s24], [sflag:$0x2] =	stream.indirect.gather [hbm4b:s1+s29], $0x80, s25, s29, $0xb8;
	[tilespmem:$0x1E780] =	vst v63  }
0x1f: {  	s12 =	simm.s32 $0x4E40  }
0x20: {  	[tilespmem:s26], [sflag:$0x2] =	stream.indirect.gather [hbm4b:s1+s29], $0x80, s12, s29, $0xb8;
	[tilespmem:$0x1E780] =	vst v63  }
0x21: {  	s25 =	simm.s32 $0x4E60  }
0x22: {  	[tilespmem:s30], [sflag:$0x2] =	stream.indirect.gather [hbm4b:s1+s29], $0x80, s25, s29, $0xb8;
	[tilespmem:$0x1E780] =	vst v63  }
0x23: {  	_ =	swait.ge [sflag:s28], $0x1000  }
0x24: {  	[sflag:s28] =	ssyncset.done $0x0  }
0x25: {  	s12 =	simm.s32 $0x4E80;
	[sflag:s28] =	ssyncadd.s32 $0xFFFFF000  }
0x26: {  	[spmem:s3] =	stream.indirect.scatter.add.f32 [tilespmem:s23], [sflag:$0x3], $0x80, s12, s29, $0xb8;
	[tilespmem:$0x1E780] =	vst v63  }
0x27: {  	_ =	swait.ge [sflag:s28], $0x1000  }
0x28: {  	[sflag:s28] =	ssyncset.done $0x0  }
0x29: {  	s25 =	simm.s32 $0x4EA0;
	[sflag:s28] =	ssyncadd.s32 $0xFFFFF000  }
0x2a: {  	[spmem:s3] =	stream.indirect.scatter.add.f32 [tilespmem:s24], [sflag:$0x3], $0x80, s25, s29, $0xb8;
	[tilespmem:$0x1E780] =	vst v63  }
0x2b: {  	_ =	swait.ge [sflag:s28], $0x1000  }
0x2c: {  	[sflag:s28] =	ssyncset.done $0x0  }
0x2d: {  	s12 =	simm.s32 $0x4EC0;
	[sflag:s28] =	ssyncadd.s32 $0xFFFFF000  }
0x2e: {  	[spmem:s3] =	stream.indirect.scatter.add.f32 [tilespmem:s26], [sflag:$0x3], $0x80, s12, s29, $0xb8;
	[tilespmem:$0x1E780] =	vst v63  }
0x2f: {  	_ =	swait.ge [sflag:s28], $0x1000  }
0x30: {  	[sflag:s28] =	ssyncset.done $0x0  }
0x31: {  	s25 =	simm.s32 $0x4EE0;
	[sflag:s28] =	ssyncadd.s32 $0xFFFFF000  }
0x32: {  	[spmem:s3] =	stream.indirect.scatter.add.f32 [tilespmem:s30], [sflag:$0x3], $0x80, s25, s29, $0xb8;
	[tilespmem:$0x1E780] =	vst v63  }
0x33: {  	_ =	swait.ge [sflag:s0], $0x1000  }
0x34: {  	[sflag:s0] =	ssyncset.done $0x0  }
0x35: {  	[sflag:s0] =	ssyncadd.s32 $0xFFFFF000  }
0x36: {  	_ =	swait.ge [sflag:s0], $0x1000  }
0x37: {  	[sflag:s0] =	ssyncset.done $0x0  }
0x38: {  	[sflag:s0] =	ssyncadd.s32 $0xFFFFF000  }
0x39: {  	_ =	swait.ge [sflag:s0], $0x1000  }
0x3a: {  	[sflag:s0] =	ssyncset.done $0x0  }
0x3b: {  	[sflag:s0] =	ssyncadd.s32 $0xFFFFF000  }
0x3c: {  	_ =	swait.ge [sflag:s0], $0x1000  }
0x3d: {  	[sflag:s0] =	ssyncset.done $0x0  }
0x3e: {  	[sflag:s0] =	ssyncadd.s32 $0xFFFFF000  }
0x3f: {  	[bflag:$0x0] =	sbarrier.arrive $0xFFFF  }
.LBB2_6:
0x40: {  	s9 =	stileid.u32  }
0x41: {  	s12 =	rddreg [dreg:$0x6];
	s9 =	sshll.u32 s9, $0x6  }
0x42: {  	s25 =	rddreg [dreg:$0x7];
	s12 =	sshrl.u32 s12, $0x3;
	s9 =	sor.u32 $0x1C04, s9  }
0x43: {  	[hbm:s25], [sflag:s9] =	dma.local [spmem:s12], $0x3E80  }
0x44: {  	_ =	swait.ge [sflag:s31], $0x3E80  }
0x45: {  	[sflag:s31] =	ssyncset.done $0x0  }
0x46: {  	[sflag:s31] =	ssyncadd.s32 $0xFFFFC180  }
.LBB2_7:
0x47: {  	s2 =	sadd.s32 $0x1, s2  }
0x48: {  	p4 =	sne.s32 s2, s13  }
.Ltmp1:
0x49: {  	_ = 	snop;
	(pc) =	sbr.rel @!p4 .LBB2_8-.Ltmp1, $1  }
0x4a: {  	_ =	sdelay $0x3  }
.LBB2_1:
0x4b: {  	[tilespmem:s4], [sflag:$0x1] =	stream.strided.gather [hbm4b:s5+s14], $0x2700, s15, s14, $0x38;
	[tilespmem:$0x1E780] =	vst v63  }
0x4c: {  	_ = 	snop  }
0x4d: {  	[tilespmem:s16], [sflag:$0x1] =	stream.strided.gather [hbm4b:s6+s14], $0x2700, s15, s14, $0x38;
	[tilespmem:$0x1E780] =	vst v63  }
0x4e: {  	s12 =	simm.s32 @!p2 $0x0;
	s25 =	simm.s32 @!p2 $0x4E00  }
0x4f: {  	[tilespmem:s25], [sflag:$0x1] =	stream.linear.gather @!p2 [hbm4b:s7+s12], $0x80, $0x38;
	[tilespmem:$0x1E780] =	vst v63  }
0x50: {  	s25 =	simm.s32 @!p2 $0x4E80  }
0x51: {  	[tilespmem:s25], [sflag:$0x1] =	stream.linear.gather @!p2 [hbm4b:s8+s12], $0x80, $0x38;
	[tilespmem:$0x1E780] =	vst v63  }
0x52: {  	s12 =	simm.s32 @p0 $0x4  }
0x53: {  	[spmem:s18], [sflag:s17] =	dma.local @p0 [hbm:s10], $0x3E80  }
0x54: {  	_ =	swait.ge @p0 [sflag:s12], $0x3E80  }
0x55: {  	[sflag:s12] =	ssyncset.done @p0 $0x0  }
0x56: {  	[sflag:s12] =	ssyncadd.s32 @p0 $0xFFFFC180;
	s12 =	simm.s32 @p1 $0x4  }
0x57: {  	[spmem:s20], [sflag:s19] =	dma.local @p1 [hbm:s11], $0x3E80  }
0x58: {  	_ =	swait.ge @p1 [sflag:s12], $0x3E80  }
0x59: {  	[sflag:s12] =	ssyncset.done @p1 $0x0  }
0x5a: {  	[sflag:s12] =	ssyncadd.s32 @p1 $0xFFFFC180  }
0x5b: {  	_ =	swait.ge [sflag:s21], $0x2700  }
0x5c: {  	[sflag:s21] =	ssyncset.done $0x0  }
0x5d: {  	[sflag:s21] =	ssyncadd.s32 $0xFFFFD900  }
0x5e: {  	_ =	swait.ge [sflag:s21], $0x2700  }
0x5f: {  	[sflag:s21] =	ssyncset.done $0x0  }
0x60: {  	s12 =	simm.s32 @!p2 $0x1;
	[sflag:s21] =	ssyncadd.s32 $0xFFFFD900  }
0x61: {  	_ =	swait.ge @!p2 [sflag:s12], $0x80  }
0x62: {  	[sflag:s12] =	ssyncset.done @!p2 $0x0  }
0x63: {  	[sflag:s12] =	ssyncadd.s32 @!p2 $0xFFFFFF80  }
0x64: {  	_ =	swait.ge @!p2 [sflag:s12], $0x80  }
0x65: {  	[sflag:s12] =	ssyncset.done @!p2 $0x0  }
0x66: {  	[sflag:s12] =	ssyncadd.s32 @!p2 $0xFFFFFF80  }
0x67: {  	[bflag:$0x0] =	sbarrier.arrive $0xFFFF  }
0x68: {  	[tilespmem:s23], [sflag:$0x2] =	stream.indirect.gather [hbm4b:s1+s22], $0x80, s4, s22, $0xb8;
	[tilespmem:$0x1E780] =	vst v63  }
0x69: {  	_ = 	snop  }
0x6a: {  	[tilespmem:s24], [sflag:$0x2] =	stream.indirect.gather [hbm4b:s1+s22], $0x80, s22, s22, $0xb8;
	[tilespmem:$0x1E780] =	vst v63  }
0x6b: {  	s9 =	simm.s32 $0x60  }
0x6c: {  	[tilespmem:s26], [sflag:$0x2] =	stream.indirect.gather [hbm4b:s1+s22], $0x80, s9, s22, $0xb8;
	[tilespmem:$0x1E780] =	vst v63  }
0x6d: {  	_ =	swait.ge [sflag:s28], $0x1800  }
0x6e: {  	[sflag:s28] =	ssyncset.done $0x0  }
0x6f: {  	[sflag:s28] =	ssyncadd.s32 $0xFFFFE800  }
0x70: {  	[spmem:s3] =	stream.indirect.scatter.add.f32 [tilespmem:s23], [sflag:$0x3], $0x80, s16, s22, $0xb8;
	[tilespmem:$0x1E780] =	vst v63  }
0x71: {  	s25 =	simm.s32 $0x90  }
0x72: {  	[tilespmem:s30], [sflag:$0x2] =	stream.indirect.gather [hbm4b:s1+s22], $0x80, s25, s22, $0xb8;
	[tilespmem:$0x1E780] =	vst v63  }
0x73: {  	_ =	swait.ge [sflag:s28], $0x1800  }
0x74: {  	[sflag:s28] =	ssyncset.done $0x0  }
0x75: {  	s12 =	simm.s32 $0x2730;
	[sflag:s28] =	ssyncadd.s32 $0xFFFFE800  }
0x76: {  	[spmem:s3] =	stream.indirect.scatter.add.f32 [tilespmem:s24], [sflag:$0x3], $0x80, s12, s22, $0xb8;
	[tilespmem:$0x1E780] =	vst v63  }
0x77: {  	_ =	swait.ge [sflag:s0], $0x1800  }
0x78: {  	[sflag:s0] =	ssyncset.done $0x0  }
0x79: {  	s25 =	simm.s32 $0xC0;
	[sflag:s0] =	ssyncadd.s32 $0xFFFFE800  }
0x7a: {  	[tilespmem:s23], [sflag:$0x2] =	stream.indirect.gather [hbm4b:s1+s22], $0x80, s25, s22, $0xb8;
	[tilespmem:$0x1E780] =	vst v63  }
0x7b: {  	_ =	swait.ge [sflag:s28], $0x1800  }
0x7c: {  	[sflag:s28] =	ssyncset.done $0x0  }
0x7d: {  	s9 =	simm.s32 $0x2760;
	[sflag:s28] =	ssyncadd.s32 $0xFFFFE800  }
0x7e: {  	[spmem:s3] =	stream.indirect.scatter.add.f32 [tilespmem:s26], [sflag:$0x3], $0x80, s9, s22, $0xb8;
	[tilespmem:$0x1E780] =	vst v63  }
0x7f: {  	_ =	swait.ge [sflag:s0], $0x1800  }
0x80: {  	[sflag:s0] =	ssyncset.done $0x0  }
0x81: {  	s25 =	simm.s32 $0xF0;
	[sflag:s0] =	ssyncadd.s32 $0xFFFFE800  }
0x82: {  	[tilespmem:s24], [sflag:$0x2] =	stream.indirect.gather [hbm4b:s1+s22], $0x80, s25, s22, $0xb8;
	[tilespmem:$0x1E780] =	vst v63  }
0x83: {  	_ =	swait.ge [sflag:s28], $0x1800  }
0x84: {  	[sflag:s28] =	ssyncset.done $0x0  }
0x85: {  	s9 =	simm.s32 $0x2790;
	[sflag:s28] =	ssyncadd.s32 $0xFFFFE800  }
0x86: {  	[spmem:s3] =	stream.indirect.scatter.add.f32 [tilespmem:s30], [sflag:$0x3], $0x80, s9, s22, $0xb8;
	[tilespmem:$0x1E780] =	vst v63  }
0x87: {  	_ =	swait.ge [sflag:s0], $0x1800  }
0x88: {  	[sflag:s0] =	ssyncset.done $0x0  }
0x89: {  	s25 =	simm.s32 $0x120;
	[sflag:s0] =	ssyncadd.s32 $0xFFFFE800  }
0x8a: {  	[tilespmem:s26], [sflag:$0x2] =	stream.indirect.gather [hbm4b:s1+s22], $0x80, s25, s22, $0xb8;
	[tilespmem:$0x1E780] =	vst v63  }
0x8b: {  	_ =	swait.ge [sflag:s28], $0x1800  }
0x8c: {  	[sflag:s28] =	ssyncset.done $0x0  }
0x8d: {  	s9 =	simm.s32 $0x27C0;
	[sflag:s28] =	ssyncadd.s32 $0xFFFFE800  }
0x8e: {  	[spmem:s3] =	stream.indirect.scatter.add.f32 [tilespmem:s23], [sflag:$0x3], $0x80, s9, s22, $0xb8;
	[tilespmem:$0x1E780] =	vst v63  }
0x8f: {  	_ =	swait.ge [sflag:s0], $0x1800  }
0x90: {  	[sflag:s0] =	ssyncset.done $0x0  }
0x91: {  	s25 =	simm.s32 $0x150;
	[sflag:s0] =	ssyncadd.s32 $0xFFFFE800  }
0x92: {  	[tilespmem:s30], [sflag:$0x2] =	stream.indirect.gather [hbm4b:s1+s22], $0x80, s25, s22, $0xb8;
	[tilespmem:$0x1E780] =	vst v63  }
0x93: {  	_ =	swait.ge [sflag:s28], $0x1800  }
0x94: {  	[sflag:s28] =	ssyncset.done $0x0  }
0x95: {  	s12 =	simm.s32 $0x27F0;
	s25 =	simm.s32 $0x300;
	[sflag:s28] =	ssyncadd.s32 $0xFFFFE800  }
.LBB2_2:
0x96: {  	[spmem:s3] =	stream.indirect.scatter.add.f32 [tilespmem:s24], [sflag:$0x3], $0x80, s12, s22, $0xb8;
	[tilespmem:$0x1E780] =	vst v63  }
0x97: {  	s12 =	smov.u32 s25  }
0x98: {  	p4 =	sne.s32 s25, $0x9600;
	s25 =	sadd.s32 $0x300, s25;
	_ =	swait.ge [sflag:s0], $0x1800  }
0x99: {  	s12 =	sshra.s32 s12, $0x2;
	[sflag:s0] =	ssyncset.done $0x0  }
0x9a: {  	s9 =	sadd.s32 $0xC0, s12;
	[sflag:s0] =	ssyncadd.s32 $0xFFFFE800  }
0x9b: {  	[tilespmem:s23], [sflag:$0x2] =	stream.indirect.gather [hbm4b:s1+s22], $0x80, s9, s22, $0xb8;
	[tilespmem:$0x1E780] =	vst v63  }
0x9c: {  	_ =	swait.ge [sflag:s28], $0x1800  }
0x9d: {  	[sflag:s28] =	ssyncset.done $0x0  }
0x9e: {  	s9 =	sadd.s32 $0x2760, s12;
	[sflag:s28] =	ssyncadd.s32 $0xFFFFE800  }
0x9f: {  	[spmem:s3] =	stream.indirect.scatter.add.f32 [tilespmem:s26], [sflag:$0x3], $0x80, s9, s22, $0xb8;
	[tilespmem:$0x1E780] =	vst v63  }
0xa0: {  	_ =	swait.ge [sflag:s0], $0x1800  }
0xa1: {  	[sflag:s0] =	ssyncset.done $0x0  }
0xa2: {  	s9 =	sadd.s32 $0xF0, s12;
	[sflag:s0] =	ssyncadd.s32 $0xFFFFE800  }
0xa3: {  	[tilespmem:s24], [sflag:$0x2] =	stream.indirect.gather [hbm4b:s1+s22], $0x80, s9, s22, $0xb8;
	[tilespmem:$0x1E780] =	vst v63  }
0xa4: {  	_ =	swait.ge [sflag:s28], $0x1800  }
0xa5: {  	[sflag:s28] =	ssyncset.done $0x0  }
0xa6: {  	s9 =	sadd.s32 $0x2790, s12;
	[sflag:s28] =	ssyncadd.s32 $0xFFFFE800  }
0xa7: {  	[spmem:s3] =	stream.indirect.scatter.add.f32 [tilespmem:s30], [sflag:$0x3], $0x80, s9, s22, $0xb8;
	[tilespmem:$0x1E780] =	vst v63  }
0xa8: {  	_ =	swait.ge [sflag:s0], $0x1800  }
0xa9: {  	[sflag:s0] =	ssyncset.done $0x0  }
0xaa: {  	s9 =	sadd.s32 $0x120, s12;
	[sflag:s0] =	ssyncadd.s32 $0xFFFFE800  }
0xab: {  	[tilespmem:s26], [sflag:$0x2] =	stream.indirect.gather [hbm4b:s1+s22], $0x80, s9, s22, $0xb8;
	[tilespmem:$0x1E780] =	vst v63  }
0xac: {  	_ =	swait.ge [sflag:s28], $0x1800  }
0xad: {  	[sflag:s28] =	ssyncset.done $0x0  }
0xae: {  	s9 =	sadd.s32 $0x27C0, s12;
	[sflag:s28] =	ssyncadd.s32 $0xFFFFE800  }
0xaf: {  	[spmem:s3] =	stream.indirect.scatter.add.f32 [tilespmem:s23], [sflag:$0x3], $0x80, s9, s22, $0xb8;
	[tilespmem:$0x1E780] =	vst v63  }
0xb0: {  	_ =	swait.ge [sflag:s0], $0x1800  }
0xb1: {  	[sflag:s0] =	ssyncset.done $0x0  }
.Ltmp2:
0xb2: {  	s9 =	sadd.s32 $0x150, s12;
	[sflag:s0] =	ssyncadd.s32 $0xFFFFE800;
	(pc) =	sbr.rel @p4 .LBB2_2-.Ltmp2, $4  }
0xb3: {  	[tilespmem:s30], [sflag:$0x2] =	stream.indirect.gather [hbm4b:s1+s22], $0x80, s9, s22, $0xb8;
	[tilespmem:$0x1E780] =	vst v63  }
0xb4: {  	_ =	swait.ge [sflag:s28], $0x1800  }
0xb5: {  	[sflag:s28] =	ssyncset.done $0x0  }
0xb6: {  	s12 =	sadd.s32 $0x27F0, s12;
	[sflag:s28] =	ssyncadd.s32 $0xFFFFE800  }
0xb7: {  	[spmem:s3] =	stream.indirect.scatter.add.f32 [tilespmem:s24], [sflag:$0x3], $0x80, s12, s22, $0xb8;
	[tilespmem:$0x1E780] =	vst v63  }
0xb8: {  	_ =	swait.ge [sflag:s0], $0x1800  }
0xb9: {  	[sflag:s0] =	ssyncset.done $0x0  }
0xba: {  	[sflag:s0] =	ssyncadd.s32 $0xFFFFE800  }
0xbb: {  	_ =	swait.ge [sflag:s28], $0x1800  }
0xbc: {  	[sflag:s28] =	ssyncset.done $0x0  }
0xbd: {  	s9 =	simm.s32 $0x4DA0;
	[sflag:s28] =	ssyncadd.s32 $0xFFFFE800  }
0xbe: {  	[spmem:s3] =	stream.indirect.scatter.add.f32 [tilespmem:s26], [sflag:$0x3], $0x80, s9, s22, $0xb8;
	[tilespmem:$0x1E780] =	vst v63  }
0xbf: {  	_ =	swait.ge [sflag:s0], $0x1800  }
0xc0: {  	[sflag:s0] =	ssyncset.done $0x0  }
0xc1: {  	[sflag:s0] =	ssyncadd.s32 $0xFFFFE800  }
0xc2: {  	_ =	swait.ge [sflag:s28], $0x1800  }
0xc3: {  	[sflag:s28] =	ssyncset.done $0x0  }
0xc4: {  	s25 =	simm.s32 $0x4DD0;
	[sflag:s28] =	ssyncadd.s32 $0xFFFFE800  }
0xc5: {  	[spmem:s3] =	stream.indirect.scatter.add.f32 [tilespmem:s30], [sflag:$0x3], $0x80, s25, s22, $0xb8;
	[tilespmem:$0x1E780] =	vst v63  }
0xc6: {  	_ =	swait.ge [sflag:s0], $0x1800  }
.Ltmp3:
0xc7: {  	[sflag:s0] =	ssyncset.done $0x0;
	(pc) =	sbr.rel @!p2 .LBB2_4-.Ltmp3, $4  }
0xc8: {  	[sflag:s0] =	ssyncadd.s32 $0xFFFFE800  }
0xc9: {  	_ =	swait.ge [sflag:s0], $0x1800  }
0xca: {  	[sflag:s0] =	ssyncset.done $0x0  }
0xcb: {  	[sflag:s0] =	ssyncadd.s32 $0xFFFFE800  }
.Ltmp4:
0xcc: {  	(pc) =	sbr.rel @p3 .LBB2_7-.Ltmp4, $4  }
.Ltmp5:
0xcd: {  	(pc) =	sbr.rel @!p3 .LBB2_6-.Ltmp5, $4  }
0xce: {  	_ = 	snop  }
0xcf: {  	[bflag:$0x0] =	sbarrier.arrive $0xFFFF  }
0xd0: {  	_ = 	snop  }
0xd1: {  	_ = 	snop  }
.LBB2_8:
0xd2: {  	_ =	sfence.sel $0x180000  }
0xd3: {  	[bflag:$0x0] =	sbarrier.arrive $0xFFFF  }
0xd4: {  	_ =	strace $0x90000047  }
0xd5: {  	s0 =	stileid.u32;
	[bflag:$0x2] =	sbarrier.arrive $0xFFFF  }
0xd6: {  	p0 =	sne.s32 s0, $0x0;
	s0 =	rddreg [dreg:$0x5]  }
0xd7: {  	s0 =	sadd.s32 @!p0 $0x100000, s0  }
0xd8: {  	[sflag:s0] =	ssyncadd.tile.s32 @!p0 $0x1;
	_ =	shalt  }
.Lfunc_end2:
_tile_overlayer_lowered:
.L_overlay_start_2:
0xd9: {  	(tag) =	ssettag $0x2  }
0xda: {  	s0 =	rddreg [dreg:$0x0];
	s2 =	stileid.u32  }
0xdb: {  	s1 =	rddreg [dreg:$0x1];
	p0 =	sne.s32 s2, $0x0  }
0xdc: {  	s3 =	rddreg [dreg:$0x2];
	[bflag:$0x3] =	sbarrier.arrive $0xFFFF;
	s2 =	simm.s32 @!p0 $0x1C04  }
0xdd: {  	[timem:s3], [sflag:s2] =	dma.local @!p0 [hbm:s0], s1  }
0xde: {  	s0 =	simm.s32 @!p0 $0x4  }
0xdf: {  	_ =	swait.ge @!p0 [sflag:s0], s1  }
0xe0: {  	s1 =	ssub.s32 @!p0 $0x0, s1;
	[sflag:s0] =	ssyncset.done @!p0 $0x0  }
0xe1: {  	[sflag:s0] =	ssyncadd.s32 @!p0 s1  }
0xe2: {  	[bflag:$0x3] =	sbarrier.arrive $0xFFFF  }
0xe3: {  	_ =	shalt  }

// kernel: kernel.9.cloned.1.call-start
scs
__scs_entry_jumppad:
0x0: {  	(pc) =	sbr.rel $0x88, $3  }
0x1: {  	(tag) =	ssettag $0x0;
	lr =	simm.s32 $0x1  }
0x2: {  	[smem:$0x3F97] =	sst lr;
	_ =	strace $0xD0000000  }
0x3: {  	_ = 	snop  }
0x4: {  	_ = 	snop  }
0x5: {  	_ = 	snop  }
0x6: {  	_ = 	snop  }
0x7: {  	_ = 	snop  }
__scs_overlays_trampoline_lowered:
0x8: {  	[smem:$0x3FA6] =	sst s0  }
0x9: {  	[smem:$0x3FA7] =	sst s1  }
0xa: {  	[smem:$0x3FA8] =	sst s2  }
0xb: {  	[smem:$0x3FA9] =	sst s3  }
0xc: {  	[smem:$0x3FAA] =	sst s4  }
0xd: {  	[smem:$0x3FAB] =	sst s5  }
0xe: {  	[smem:$0x3FAC] =	sst s6  }
0xf: {  	[smem:$0x3FAD] =	sst s7  }
0x10: {  	[smem:$0x3FAE] =	sst s8  }
0x11: {  	[smem:$0x3FAF] =	sst s9;
	s0 =	simm.s32 @!p0 $0x0  }
0x12: {  	s1 =	sld [smem:$0x3F95];
	s0 =	simm.s32 @p0 $0x1  }
0x13: {  	[smem:$0x3FB0] =	sst s0;
	s0 =	simm.s32 @!p1 $0x0  }
0x14: {  	s2 =	sld [smem:$0x3F94];
	s0 =	simm.s32 @p1 $0x1  }
0x15: {  	[smem:$0x3FB1] =	sst s0;
	s0 =	simm.s32 @!p2 $0x0  }
0x16: {  	s3 =	sld [smem:$0x3FDB];
	s0 =	simm.s32 @p2 $0x1  }
0x17: {  	s4 =	simm.s32 $0x1BF5;
	[smem:$0x3FB3] =	sst s0  }
0x18: {  	s0 =	sld [smem:$0x3F96];
	_ =	swait.ge [sflag:s4], $0x0  }
0x19: {  	s7 =	sld [smem:$0x3F97]  }
0x1a: {  	s8 =	sadd.s32 $0xFFFFE003, lr  }
0x1b: {  	s9 =	sadd.s32 $0xFFFFFEF7, lr;
	s5 =	simm.s32 $0xFFFFFFFF;
	p2 =	slt.u32 s8, $0xFFFFF086  }
0x1c: {  	p1 =	slt.u32 s9, $0xF7A;
	s5 =	simm.s32 @!p2 $0x0  }
0x1d: {  	s5 =	simm.s32 @p1 $0x1;
	p0 =	seq.s32 s7, s2  }
0x1e: {  	s7 =	smul.u32 @!p0 $0xF7A, s2;
	p2 =	seq.s32 @!p0 s5, $0x0  }
0x1f: {  	s9 =	smul.u32 $0xF7A, s1;
	s8 =	simm.s32 @!p0 $0x1BF5;
	p2 =	por !p2, p0  }
0x20: {  	[sflag:s8] =	ssyncset.s32 @!p0 $0xFFFFF086;
	s6 =	sadd.s32 @!p0 s3, s7;
	s7 =	simm.s32 @!p0 $0x108  }
0x21: {  	s3 =	sadd.s32 s3, s9;
	s6 =	sadd.s32 @!p0 $0x88, s6;
	s7 =	simm.s32 @p2 $0x1082  }
0x22: {  	[simem:s7], [sflag:s8] =	dma.local @!p0 [hbm:s6], $0xF7A  }
0x23: {  	s9 =	sor.u32 $0xD0000000, s2;
	s6 =	simm.s32 $0x108;
	_ =	swait.ge @!p0 [sflag:s8], $0x0  }
0x24: {  	s3 =	sadd.s32 $0x88, s3;
	s6 =	simm.s32 @!p1 $0x1082;
	[sflag:s4] =	ssyncset.s32 $0xFFFFF086  }
0x25: {  	[simem:s6], [sflag:s4] =	dma.local [hbm:s3], $0xF7A  }
0x26: {  	[smem:$0x3F97] =	sst s1;
	(tag) =	ssettag s2;
	_ =	strace s9  }
0x27: {  	s1 =	sld [smem:$0x3FA7]  }
0x28: {  	s2 =	sld [smem:$0x3FA8]  }
0x29: {  	s4 =	sld [smem:$0x3FAA]  }
0x2a: {  	p0 =	seq.s32 s5, $0x0;
	s5 =	sld [smem:$0x3FAB]  }
0x2b: {  	s6 =	sld [smem:$0x3FAC]  }
0x2c: {  	s7 =	sld [smem:$0x3FAD]  }
0x2d: {  	s3 =	simm.s32 $0x108;
	s8 =	sld [smem:$0x3FAE]  }
0x2e: {  	s3 =	simm.s32 @!p0 $0x1082;
	s9 =	sld [smem:$0x3FAF]  }
0x2f: {  	lr =	sadd.s32 s0, s3;
	s0 =	sld [smem:$0x3FA6]  }
0x30: {  	s3 =	sld [smem:$0x3FA9]  }
0x31: {  	[smem:$0x3FB2] =	sst s10  }
0x32: {  	s10 =	sld [smem:$0x3FB0];
	_ =	sdelay $0x3  }
0x33: {  	p0 =	seq.s32 s10, $0x1;
	s10 =	sld [smem:$0x3FB2];
	_ =	sdelay $0x3  }
0x34: {  	[smem:$0x3FB2] =	sst s10  }
0x35: {  	s10 =	sld [smem:$0x3FB1];
	_ =	sdelay $0x3  }
0x36: {  	p1 =	seq.s32 s10, $0x1;
	s10 =	sld [smem:$0x3FB2];
	_ =	sdelay $0x3  }
0x37: {  	[smem:$0x3FB2] =	sst s10  }
0x38: {  	s10 =	sld [smem:$0x3FB3]  }
0x39: {  	_ = 	snop;
	(pc) =	sbr.ind lr, $3  }
0x3a: {  	_ = 	snop  }
0x3b: {  	_ = 	snop  }
0x3c: {  	p2 =	seq.s32 s10, $0x1;
	s10 =	sld [smem:$0x3FB2]  }
0x3d: {  	_ =	shalt  }
0x3e: {  	_ =	shalt  }
0x3f: {  	_ =	shalt  }
0x40: {  	_ =	shalt  }
0x41: {  	_ =	shalt  }
0x42: {  	_ =	shalt  }
0x43: {  	_ =	shalt  }
0x44: {  	_ =	shalt  }
0x45: {  	_ =	shalt  }
0x46: {  	_ =	shalt  }
0x47: {  	_ =	shalt  }
0x48: {  	_ =	shalt  }
0x49: {  	_ =	shalt  }
0x4a: {  	_ =	shalt  }
0x4b: {  	_ =	shalt  }
0x4c: {  	_ =	shalt  }
0x4d: {  	_ =	shalt  }
0x4e: {  	_ =	shalt  }
0x4f: {  	_ =	shalt  }
0x50: {  	_ =	shalt  }
0x51: {  	_ =	shalt  }
0x52: {  	_ =	shalt  }
0x53: {  	_ =	shalt  }
0x54: {  	_ =	shalt  }
0x55: {  	_ =	shalt  }
0x56: {  	_ =	shalt  }
0x57: {  	_ =	shalt  }
0x58: {  	_ =	shalt  }
0x59: {  	_ =	shalt  }
0x5a: {  	_ =	shalt  }
0x5b: {  	_ =	shalt  }
0x5c: {  	_ =	shalt  }
0x5d: {  	_ =	shalt  }
0x5e: {  	_ =	shalt  }
0x5f: {  	_ =	shalt  }
0x60: {  	_ =	shalt  }
0x61: {  	_ =	shalt  }
0x62: {  	_ =	shalt  }
0x63: {  	_ =	shalt  }
0x64: {  	_ =	shalt  }
0x65: {  	_ =	shalt  }
0x66: {  	_ =	shalt  }
0x67: {  	_ =	shalt  }
0x68: {  	_ =	shalt  }
0x69: {  	_ =	shalt  }
0x6a: {  	_ =	shalt  }
0x6b: {  	_ =	shalt  }
0x6c: {  	_ =	shalt  }
0x6d: {  	_ =	shalt  }
0x6e: {  	_ =	shalt  }
0x6f: {  	_ =	shalt  }
0x70: {  	_ =	shalt  }
0x71: {  	_ =	shalt  }
0x72: {  	_ =	shalt  }
0x73: {  	_ =	shalt  }
0x74: {  	_ =	shalt  }
0x75: {  	_ =	shalt  }
0x76: {  	_ =	shalt  }
0x77: {  	_ =	shalt  }
0x78: {  	_ =	shalt  }
0x79: {  	_ =	shalt  }
0x7a: {  	_ =	shalt  }
0x7b: {  	_ =	shalt  }
0x7c: {  	_ =	shalt  }
0x7d: {  	_ =	shalt  }
0x7e: {  	_ =	shalt  }
0x7f: {  	_ =	shalt  }
0x80: {  	_ =	shalt  }
0x81: {  	_ =	shalt  }
0x82: {  	_ =	shalt  }
0x83: {  	_ =	shalt  }
0x84: {  	_ =	shalt  }
0x85: {  	_ =	shalt  }
0x86: {  	_ =	shalt  }
0x87: {  	_ =	shalt  }
.Lfunc_end0:
.L_simem_size_0:
called_computation.1_lowered:
.L_overlay_start_0:
0x88: {  	s2 =	sld [smem:$0x3FD9]  }
0x89: {  	s3 =	sld [smem:$0x3FFE];
	_ =	sdelay $0x1  }
0x8a: {  	s1 =	srdreg.scid  }
0x8b: {  	s0 =	sand.u32 $0x1, s1  }
0x8c: {  	s17 =	sshll.u32 s0, $0xA;
	s2 =	sadd.s32 s3, s2  }
0x8d: {  	s2 =	sadd.s32 s2, s17  }
0x8e: {  	[smem:$0x3FBE] =	sst s2  }
0x8f: {  	_ = 	snop  }
0x90: {  	s2 =	sld [smem:$0x3FC8]  }
0x91: {  	s18 =	sld [smem:$0x3FD0];
	(tm) =	ssettm $0x1  }
0x92: {  	s4 =	sld [smem:$0x3FFB];
	_ =	sdelay $0x3  }
0x93: {  	_ =	strace s4  }
0x94: {  	s4 =	sld [smem:$0x3FFC];
	_ =	sdelay $0x3  }
0x95: {  	_ =	strace s4  }
0x96: {  	s4 =	sld [smem:$0x3FFD];
	_ =	sdelay $0x3  }
0x97: {  	_ =	strace s4  }
0x98: {  	_ =	strace $0x8FFFFFFF  }
0x99: {  	s19 =	sld [smem:$0x3FDB];
	_ =	sdelay $0x1  }
0x9a: {  	s5 =	simm.s32 $_scs_section_size  }
0x9b: {  	s6 =	simm.s32 $_size__tile_overlayer_lowered;
	s7 =	simm.s32 $_tile_overlayer_lowered  }
0x9c: {  	s22 =	simm.s32 $0x1BFF;
	s21 =	sshll.u32 s7, $0x1;
	s4 =	sadd.s32 s5, s19  }
0x9d: {  	s8 =	simm.s32 $0x0;
	s20 =	sshll.u32 s6, $0x1;
	s6 =	sadd.s32 s21, s4  }
0x9e: {  	[timem:s8], [sflag:s22] =	dma.local [hbm:s6], s20  }
0x9f: {  	_ =	swait.ge [sflag:s22], s20  }
0xa0: {  	s5 =	ssub.s32 $0x0, s20;
	[sflag:s22] =	ssyncset.done $0x0  }
0xa1: {  	[sflag:s22] =	ssyncadd.s32 s5;
	_ =	sdelay $0x1  }
0xa2: {  	s23 =	simm.s32 $0x1B8B  }
0xa3: {  	_ =	swait.ge [sflag:s23], $0x1  }
0xa4: {  	[sflag:s23] =	ssyncset.done $0x0  }
0xa5: {  	s25 =	simm.s32 $0x1B8E;
	s24 =	sld [smem:$0x3FFE];
	[sflag:s23] =	ssyncadd.s32 $0xFFFFFFFF  }
0xa6: {  	s26 =	simm.s32 $execute0_lowered;
	[smem:$0x3FD2] =	sst s25  }
0xa7: {  	s6 =	sshll.u32 s26, $0x1;
	_ =	strace $0x80000049;
	[dreg:$0x1] =	wrdreg $0xFFFFFFFF  }
0xa8: {  	s28 =	simm.s32 $_size_execute0_lowered;
	s4 =	sadd.s32 s4, s6;
	[dreg:$0x0] =	wrdreg $0x0  }
0xa9: {  	s6 =	sshll.u32 s28, $0x1;
	[dreg:$0x2] =	wrdreg s4  }
0xaa: {  	[dreg:$0x3] =	wrdreg s6  }
0xab: {  	[dreg:$0x4] =	wrdreg $0xC0  }
0xac: {  	_ =	task [dreg:s8], $0x5FFFF  }
0xad: {  	[dreg:$0x1] =	wrdreg $0xFFFFFFFF  }
0xae: {  	[dreg:$0x0] =	wrdreg $0x60  }
0xaf: {  	[dreg:$0x2] =	wrdreg s24  }
0xb0: {  	[dreg:$0x3] =	wrdreg s18  }
0xb1: {  	[dreg:$0x4] =	wrdreg s2  }
0xb2: {  	[dreg:$0x5] =	wrdreg $0xAF000  }
0xb3: {  	[dreg:$0x6] =	wrdreg $0x9  }
0xb4: {  	_ =	task.clear_ibuf [dreg:s8], $0x7FFFF;
	_ =	strace $0x90000049  }
0xb5: {  	s29 =	simm.s32 $0x9;
	_ =	strace $0x8000004B  }
0xb6: {  	_ =	swait.ge [sflag:s29], $0x1  }
0xb7: {  	[sflag:s29] =	ssyncadd.s32 $0xFFFFFFFF  }
0xb8: {  	_ =	strace $0x9000004B  }
0xb9: {  	_ =	sfence  }
0xba: {  	s30 =	sld [smem:$0x0];
	_ =	sdelay $0x2  }
0xbb: {  	s31 =	sshll.u32 s1, $0xD;
	s1 =	sshrl.u32 s1, $0x2  }
0xbc: {  	s3 =	sand.u32 $0x4000, s31;
	s1 =	sadd.s32 s1, s30  }
0xbd: {  	s0 =	sor.u32 s3, s0;
	s1 =	sshll.u32 s1, $0x11  }
0xbe: {  	s0 =	sor.u32 s1, s0  }
0xbf: {  	s0 =	sadd.s32 $0x8F2B, s0  }
0xc0: {  	[sflag:s0] =	ssyncadd.remote.s32 $0x1  }
0xc1: {  	_ =	sfence.sel $0xFFFF  }
0xc2: {  	[dreg:$0x0] =	wrdreg $0xFFFFFFFF;
	(pc) =	sbr.abs _section_cstart, $3  }
0xc3: {  	[dreg:$0x1] =	wrdreg $0xFFFFFFFF  }
0xc4: {  	_ =	task.clear_ibuf [dreg:s8], $0x2FFFF;
	_ =	strace $0x9FFFFFFF  }
0xc5: {  	(tm) =	ssettm $0x7FFFFFFF  }
tec
execute0_lowered:
.L_overlay_start_1:
0x0: {  	(tag) =	ssettag $0x1  }
0x1: {  	s0 =	rddreg [dreg:$0x0]  }
0x2: {  	s1 =	rddreg [dreg:$0x1]  }
0x3: {  	s7 =	rddreg [dreg:$0x2]  }
0x4: {  	s2 =	rddreg [dreg:$0x3]  }
0x5: {  	s4 =	srdreg.scid;
	s25 =	stileid.u32;
	s3 =	simm.s32 $0x0  }
0x6: {  	s14 =	simm.s32 $0x80;
	s15 =	simm.s32 $0x100;
	s16 =	simm.s32 $0x2700  }
0x7: {  	s28 =	simm.s32 $0x2;
	s30 =	simm.s32 $0x9700;
	s29 =	simm.s32 $0x20  }
0x8: {  	s31 =	simm.s32 $0x4;
	s9 =	sand.u32 $0x1, s4;
	s11 =	smul.u32 $0x3E80, s25  }
0x9: {  	[smem:$0x7FF] =	sst s3;
	s4 =	sadd.s32 $0x1E00, s0;
	s6 =	sshll.u32 s25, $0x1  }
0xa: {  	s22 =	sadd.s32 $0x10, s7;
	p1 =	slt.u32 s25, $0xA;
	s24 =	smul.u32 $0x7D000, s25  }
0xb: {  	p3 =	sgt.u32 s25, $0x9;
	s5 =	smul.u32 $0x27100, s9;
	_ =	strace $0x8000004A  }
0xc: {  	s8 =	ssub.s32 $0x2, s9;
	s6 =	sor.u32 s9, s6;
	p0 =	seq.s32 s9, $0x0  }
0xd: {  	p2 =	seq.s32 s9, $0x1;
	s21 =	sshrl.u32 s8, $0x1;
	s10 =	smul.u32 $0x9C0, s6  }
0xe: {  	s13 =	sshll.u32 s6, $0x5;
	p0 =	por !p1, !p0;
	s26 =	sshrl.u32 s24, $0x2  }
0xf: {  	p1 =	por !p1, !p2;
	p2 =	sgt.u32 s25, $0x1;
	s24 =	simm.s32 $0x6700  }
0x10: {  	s5 =	sadd.s32 s11, s5;
	s12 =	ssub.s32 s8, s21;
	s23 =	sor.u32 $0x13800, s13  }
0x11: {  	p0 =	por !p0, !p0;
	s9 =	sadd.s32 s26, s2;
	p1 =	por !p1, !p1  }
0x12: {  	s21 =	simm.s32 $0x1;
	s26 =	simm.s32 $0x7F00;
	s0 =	sadd.s32 s5, s0  }
0x13: {  	s5 =	sadd.s32 s7, s10;
	s6 =	sadd.s32 s10, s22;
	s7 =	sadd.s32 s7, s23  }
0x14: {  	s8 =	sadd.s32 s23, s22;
	s10 =	sadd.s32 s4, s11;
	s11 =	sadd.s32 s1, s11  }
.Ltmp0:
0x15: {  	s13 =	smax.u32 s12, $0x1;
	s18 =	sshrl.u32 @p0 s9, $0x3;
	(pc) =	sbr.rel .LBB2_1-.Ltmp0, $4  }
0x16: {  	[dreg:$0x5] =	wrdreg s9;
	s20 =	sshrl.u32 @p1 s9, $0x3;
	s0 =	sadd.s32 $0x29000, s0  }
0x17: {  	s22 =	simm.s32 $0x30;
	[dreg:$0x6] =	wrdreg s0;
	s0 =	sshll.u32 @p0 s25, $0x6  }
0x18: {  	s23 =	simm.s32 $0x4F00;
	s17 =	sor.u32 @p0 $0x1C04, s0;
	s0 =	sshll.u32 @p1 s25, $0x6  }
0x19: {  	s1 =	simm.s32 $0x0;
	s19 =	sor.u32 @p1 $0x1C04, s0;
	s0 =	simm.s32 $0x3  }
.LBB2_4:
0x1a: {  	s9 =	simm.s32 $0x4E00  }
0x1b: {  	[tilespmem:s23], [sflag:$0x2] =	stream.indirect.gather [hbm4b:s4+s29], $0x80, s9, s29, $0xb8;
	[tilespmem:$0x1E780] =	vst v63  }
0x1c: {  	s25 =	simm.s32 $0x4E20  }
0x1d: {  	[tilespmem:s24], [sflag:$0x2] =	stream.indirect.gather [hbm4b:s4+s29], $0x80, s25, s29, $0xb8;
	[tilespmem:$0x1E780] =	vst v63  }
0x1e: {  	s12 =	simm.s32 $0x4E40  }
0x1f: {  	[tilespmem:s26], [sflag:$0x2] =	stream.indirect.gather [hbm4b:s4+s29], $0x80, s12, s29, $0xb8;
	[tilespmem:$0x1E780] =	vst v63  }
0x20: {  	s25 =	simm.s32 $0x4E60  }
0x21: {  	[tilespmem:s30], [sflag:$0x2] =	stream.indirect.gather [hbm4b:s4+s29], $0x80, s25, s29, $0xb8;
	[tilespmem:$0x1E780] =	vst v63  }
0x22: {  	_ =	swait.ge [sflag:s28], $0x1000  }
0x23: {  	[sflag:s28] =	ssyncset.done $0x0  }
0x24: {  	s12 =	simm.s32 $0x4E80;
	[sflag:s28] =	ssyncadd.s32 $0xFFFFF000  }
0x25: {  	[spmem:s2] =	stream.indirect.scatter.add.f32 [tilespmem:s23], [sflag:$0x3], $0x80, s12, s29, $0xb8;
	[tilespmem:$0x1E780] =	vst v63  }
0x26: {  	_ =	swait.ge [sflag:s28], $0x1000  }
0x27: {  	[sflag:s28] =	ssyncset.done $0x0  }
0x28: {  	s25 =	simm.s32 $0x4EA0;
	[sflag:s28] =	ssyncadd.s32 $0xFFFFF000  }
0x29: {  	[spmem:s2] =	stream.indirect.scatter.add.f32 [tilespmem:s24], [sflag:$0x3], $0x80, s25, s29, $0xb8;
	[tilespmem:$0x1E780] =	vst v63  }
0x2a: {  	_ =	swait.ge [sflag:s28], $0x1000  }
0x2b: {  	[sflag:s28] =	ssyncset.done $0x0  }
0x2c: {  	s12 =	simm.s32 $0x4EC0;
	[sflag:s28] =	ssyncadd.s32 $0xFFFFF000  }
0x2d: {  	[spmem:s2] =	stream.indirect.scatter.add.f32 [tilespmem:s26], [sflag:$0x3], $0x80, s12, s29, $0xb8;
	[tilespmem:$0x1E780] =	vst v63  }
0x2e: {  	_ =	swait.ge [sflag:s28], $0x1000  }
0x2f: {  	[sflag:s28] =	ssyncset.done $0x0  }
0x30: {  	s25 =	simm.s32 $0x4EE0;
	[sflag:s28] =	ssyncadd.s32 $0xFFFFF000  }
0x31: {  	[spmem:s2] =	stream.indirect.scatter.add.f32 [tilespmem:s30], [sflag:$0x3], $0x80, s25, s29, $0xb8;
	[tilespmem:$0x1E780] =	vst v63  }
0x32: {  	_ =	swait.ge [sflag:s0], $0x1000  }
0x33: {  	[sflag:s0] =	ssyncset.done $0x0  }
0x34: {  	[sflag:s0] =	ssyncadd.s32 $0xFFFFF000  }
0x35: {  	_ =	swait.ge [sflag:s0], $0x1000  }
0x36: {  	[sflag:s0] =	ssyncset.done $0x0  }
0x37: {  	[sflag:s0] =	ssyncadd.s32 $0xFFFFF000  }
0x38: {  	_ =	swait.ge [sflag:s0], $0x1000  }
0x39: {  	[sflag:s0] =	ssyncset.done $0x0  }
0x3a: {  	[sflag:s0] =	ssyncadd.s32 $0xFFFFF000  }
0x3b: {  	_ =	swait.ge [sflag:s0], $0x1000  }
0x3c: {  	[sflag:s0] =	ssyncset.done $0x0  }
0x3d: {  	[sflag:s0] =	ssyncadd.s32 $0xFFFFF000  }
0x3e: {  	[bflag:$0x0] =	sbarrier.arrive $0xFFFF  }
.LBB2_6:
0x3f: {  	s9 =	stileid.u32  }
0x40: {  	s12 =	rddreg [dreg:$0x5];
	s9 =	sshll.u32 s9, $0x6  }
0x41: {  	s25 =	rddreg [dreg:$0x6];
	s12 =	sshrl.u32 s12, $0x3;
	s9 =	sor.u32 $0x1C04, s9  }
0x42: {  	[hbm:s25], [sflag:s9] =	dma.local [spmem:s12], $0x3E80  }
0x43: {  	_ =	swait.ge [sflag:s31], $0x3E80  }
0x44: {  	[sflag:s31] =	ssyncset.done $0x0  }
0x45: {  	[sflag:s31] =	ssyncadd.s32 $0xFFFFC180  }
.LBB2_7:
0x46: {  	s1 =	sadd.s32 $0x1, s1  }
0x47: {  	p4 =	sne.s32 s1, s13  }
.Ltmp1:
0x48: {  	_ = 	snop;
	(pc) =	sbr.rel @!p4 .LBB2_8-.Ltmp1, $1  }
0x49: {  	_ =	sdelay $0x3  }
.LBB2_1:
0x4a: {  	[tilespmem:s3], [sflag:$0x1] =	stream.strided.gather [hbm4b:s5+s14], $0x2700, s15, s14, $0x38;
	[tilespmem:$0x1E780] =	vst v63  }
0x4b: {  	_ = 	snop  }
0x4c: {  	[tilespmem:s16], [sflag:$0x1] =	stream.strided.gather [hbm4b:s6+s14], $0x2700, s15, s14, $0x38;
	[tilespmem:$0x1E780] =	vst v63  }
0x4d: {  	s12 =	simm.s32 @!p2 $0x0;
	s25 =	simm.s32 @!p2 $0x4E00  }
0x4e: {  	[tilespmem:s25], [sflag:$0x1] =	stream.linear.gather @!p2 [hbm4b:s7+s12], $0x80, $0x38;
	[tilespmem:$0x1E780] =	vst v63  }
0x4f: {  	s25 =	simm.s32 @!p2 $0x4E80  }
0x50: {  	[tilespmem:s25], [sflag:$0x1] =	stream.linear.gather @!p2 [hbm4b:s8+s12], $0x80, $0x38;
	[tilespmem:$0x1E780] =	vst v63  }
0x51: {  	s12 =	simm.s32 @p0 $0x4  }
0x52: {  	[spmem:s18], [sflag:s17] =	dma.local @p0 [hbm:s10], $0x3E80  }
0x53: {  	_ =	swait.ge @p0 [sflag:s12], $0x3E80  }
0x54: {  	[sflag:s12] =	ssyncset.done @p0 $0x0  }
0x55: {  	[sflag:s12] =	ssyncadd.s32 @p0 $0xFFFFC180;
	s12 =	simm.s32 @p1 $0x4  }
0x56: {  	[spmem:s20], [sflag:s19] =	dma.local @p1 [hbm:s11], $0x3E80  }
0x57: {  	_ =	swait.ge @p1 [sflag:s12], $0x3E80  }
0x58: {  	[sflag:s12] =	ssyncset.done @p1 $0x0  }
0x59: {  	[sflag:s12] =	ssyncadd.s32 @p1 $0xFFFFC180  }
0x5a: {  	_ =	swait.ge [sflag:s21], $0x2700  }
0x5b: {  	[sflag:s21] =	ssyncset.done $0x0  }
0x5c: {  	[sflag:s21] =	ssyncadd.s32 $0xFFFFD900  }
0x5d: {  	_ =	swait.ge [sflag:s21], $0x2700  }
0x5e: {  	[sflag:s21] =	ssyncset.done $0x0  }
0x5f: {  	s12 =	simm.s32 @!p2 $0x1;
	[sflag:s21] =	ssyncadd.s32 $0xFFFFD900  }
0x60: {  	_ =	swait.ge @!p2 [sflag:s12], $0x80  }
0x61: {  	[sflag:s12] =	ssyncset.done @!p2 $0x0  }
0x62: {  	[sflag:s12] =	ssyncadd.s32 @!p2 $0xFFFFFF80  }
0x63: {  	_ =	swait.ge @!p2 [sflag:s12], $0x80  }
0x64: {  	[sflag:s12] =	ssyncset.done @!p2 $0x0  }
0x65: {  	[sflag:s12] =	ssyncadd.s32 @!p2 $0xFFFFFF80  }
0x66: {  	[bflag:$0x0] =	sbarrier.arrive $0xFFFF  }
0x67: {  	[tilespmem:s23], [sflag:$0x2] =	stream.indirect.gather [hbm4b:s4+s22], $0x80, s3, s22, $0xb8;
	[tilespmem:$0x1E780] =	vst v63  }
0x68: {  	_ = 	snop  }
0x69: {  	[tilespmem:s24], [sflag:$0x2] =	stream.indirect.gather [hbm4b:s4+s22], $0x80, s22, s22, $0xb8;
	[tilespmem:$0x1E780] =	vst v63  }
0x6a: {  	s9 =	simm.s32 $0x60  }
0x6b: {  	[tilespmem:s26], [sflag:$0x2] =	stream.indirect.gather [hbm4b:s4+s22], $0x80, s9, s22, $0xb8;
	[tilespmem:$0x1E780] =	vst v63  }
0x6c: {  	_ =	swait.ge [sflag:s28], $0x1800  }
0x6d: {  	[sflag:s28] =	ssyncset.done $0x0  }
0x6e: {  	[sflag:s28] =	ssyncadd.s32 $0xFFFFE800  }
0x6f: {  	[spmem:s2] =	stream.indirect.scatter.add.f32 [tilespmem:s23], [sflag:$0x3], $0x80, s16, s22, $0xb8;
	[tilespmem:$0x1E780] =	vst v63  }
0x70: {  	s25 =	simm.s32 $0x90  }
0x71: {  	[tilespmem:s30], [sflag:$0x2] =	stream.indirect.gather [hbm4b:s4+s22], $0x80, s25, s22, $0xb8;
	[tilespmem:$0x1E780] =	vst v63  }
0x72: {  	_ =	swait.ge [sflag:s28], $0x1800  }
0x73: {  	[sflag:s28] =	ssyncset.done $0x0  }
0x74: {  	s12 =	simm.s32 $0x2730;
	[sflag:s28] =	ssyncadd.s32 $0xFFFFE800  }
0x75: {  	[spmem:s2] =	stream.indirect.scatter.add.f32 [tilespmem:s24], [sflag:$0x3], $0x80, s12, s22, $0xb8;
	[tilespmem:$0x1E780] =	vst v63  }
0x76: {  	_ =	swait.ge [sflag:s0], $0x1800  }
0x77: {  	[sflag:s0] =	ssyncset.done $0x0  }
0x78: {  	s25 =	simm.s32 $0xC0;
	[sflag:s0] =	ssyncadd.s32 $0xFFFFE800  }
0x79: {  	[tilespmem:s23], [sflag:$0x2] =	stream.indirect.gather [hbm4b:s4+s22], $0x80, s25, s22, $0xb8;
	[tilespmem:$0x1E780] =	vst v63  }
0x7a: {  	_ =	swait.ge [sflag:s28], $0x1800  }
0x7b: {  	[sflag:s28] =	ssyncset.done $0x0  }
0x7c: {  	s9 =	simm.s32 $0x2760;
	[sflag:s28] =	ssyncadd.s32 $0xFFFFE800  }
0x7d: {  	[spmem:s2] =	stream.indirect.scatter.add.f32 [tilespmem:s26], [sflag:$0x3], $0x80, s9, s22, $0xb8;
	[tilespmem:$0x1E780] =	vst v63  }
0x7e: {  	_ =	swait.ge [sflag:s0], $0x1800  }
0x7f: {  	[sflag:s0] =	ssyncset.done $0x0  }
0x80: {  	s25 =	simm.s32 $0xF0;
	[sflag:s0] =	ssyncadd.s32 $0xFFFFE800  }
0x81: {  	[tilespmem:s24], [sflag:$0x2] =	stream.indirect.gather [hbm4b:s4+s22], $0x80, s25, s22, $0xb8;
	[tilespmem:$0x1E780] =	vst v63  }
0x82: {  	_ =	swait.ge [sflag:s28], $0x1800  }
0x83: {  	[sflag:s28] =	ssyncset.done $0x0  }
0x84: {  	s9 =	simm.s32 $0x2790;
	[sflag:s28] =	ssyncadd.s32 $0xFFFFE800  }
0x85: {  	[spmem:s2] =	stream.indirect.scatter.add.f32 [tilespmem:s30], [sflag:$0x3], $0x80, s9, s22, $0xb8;
	[tilespmem:$0x1E780] =	vst v63  }
0x86: {  	_ =	swait.ge [sflag:s0], $0x1800  }
0x87: {  	[sflag:s0] =	ssyncset.done $0x0  }
0x88: {  	s25 =	simm.s32 $0x120;
	[sflag:s0] =	ssyncadd.s32 $0xFFFFE800  }
0x89: {  	[tilespmem:s26], [sflag:$0x2] =	stream.indirect.gather [hbm4b:s4+s22], $0x80, s25, s22, $0xb8;
	[tilespmem:$0x1E780] =	vst v63  }
0x8a: {  	_ =	swait.ge [sflag:s28], $0x1800  }
0x8b: {  	[sflag:s28] =	ssyncset.done $0x0  }
0x8c: {  	s9 =	simm.s32 $0x27C0;
	[sflag:s28] =	ssyncadd.s32 $0xFFFFE800  }
0x8d: {  	[spmem:s2] =	stream.indirect.scatter.add.f32 [tilespmem:s23], [sflag:$0x3], $0x80, s9, s22, $0xb8;
	[tilespmem:$0x1E780] =	vst v63  }
0x8e: {  	_ =	swait.ge [sflag:s0], $0x1800  }
0x8f: {  	[sflag:s0] =	ssyncset.done $0x0  }
0x90: {  	s25 =	simm.s32 $0x150;
	[sflag:s0] =	ssyncadd.s32 $0xFFFFE800  }
0x91: {  	[tilespmem:s30], [sflag:$0x2] =	stream.indirect.gather [hbm4b:s4+s22], $0x80, s25, s22, $0xb8;
	[tilespmem:$0x1E780] =	vst v63  }
0x92: {  	_ =	swait.ge [sflag:s28], $0x1800  }
0x93: {  	[sflag:s28] =	ssyncset.done $0x0  }
0x94: {  	s12 =	simm.s32 $0x27F0;
	s25 =	simm.s32 $0x300;
	[sflag:s28] =	ssyncadd.s32 $0xFFFFE800  }
.LBB2_2:
0x95: {  	[spmem:s2] =	stream.indirect.scatter.add.f32 [tilespmem:s24], [sflag:$0x3], $0x80, s12, s22, $0xb8;
	[tilespmem:$0x1E780] =	vst v63  }
0x96: {  	s12 =	smov.u32 s25  }
0x97: {  	p4 =	sne.s32 s25, $0x9600;
	s25 =	sadd.s32 $0x300, s25;
	_ =	swait.ge [sflag:s0], $0x1800  }
0x98: {  	s12 =	sshra.s32 s12, $0x2;
	[sflag:s0] =	ssyncset.done $0x0  }
0x99: {  	s9 =	sadd.s32 $0xC0, s12;
	[sflag:s0] =	ssyncadd.s32 $0xFFFFE800  }
0x9a: {  	[tilespmem:s23], [sflag:$0x2] =	stream.indirect.gather [hbm4b:s4+s22], $0x80, s9, s22, $0xb8;
	[tilespmem:$0x1E780] =	vst v63  }
0x9b: {  	_ =	swait.ge [sflag:s28], $0x1800  }
0x9c: {  	[sflag:s28] =	ssyncset.done $0x0  }
0x9d: {  	s9 =	sadd.s32 $0x2760, s12;
	[sflag:s28] =	ssyncadd.s32 $0xFFFFE800  }
0x9e: {  	[spmem:s2] =	stream.indirect.scatter.add.f32 [tilespmem:s26], [sflag:$0x3], $0x80, s9, s22, $0xb8;
	[tilespmem:$0x1E780] =	vst v63  }
0x9f: {  	_ =	swait.ge [sflag:s0], $0x1800  }
0xa0: {  	[sflag:s0] =	ssyncset.done $0x0  }
0xa1: {  	s9 =	sadd.s32 $0xF0, s12;
	[sflag:s0] =	ssyncadd.s32 $0xFFFFE800  }
0xa2: {  	[tilespmem:s24], [sflag:$0x2] =	stream.indirect.gather [hbm4b:s4+s22], $0x80, s9, s22, $0xb8;
	[tilespmem:$0x1E780] =	vst v63  }
0xa3: {  	_ =	swait.ge [sflag:s28], $0x1800  }
0xa4: {  	[sflag:s28] =	ssyncset.done $0x0  }
0xa5: {  	s9 =	sadd.s32 $0x2790, s12;
	[sflag:s28] =	ssyncadd.s32 $0xFFFFE800  }
0xa6: {  	[spmem:s2] =	stream.indirect.scatter.add.f32 [tilespmem:s30], [sflag:$0x3], $0x80, s9, s22, $0xb8;
	[tilespmem:$0x1E780] =	vst v63  }
0xa7: {  	_ =	swait.ge [sflag:s0], $0x1800  }
0xa8: {  	[sflag:s0] =	ssyncset.done $0x0  }
0xa9: {  	s9 =	sadd.s32 $0x120, s12;
	[sflag:s0] =	ssyncadd.s32 $0xFFFFE800  }
0xaa: {  	[tilespmem:s26], [sflag:$0x2] =	stream.indirect.gather [hbm4b:s4+s22], $0x80, s9, s22, $0xb8;
	[tilespmem:$0x1E780] =	vst v63  }
0xab: {  	_ =	swait.ge [sflag:s28], $0x1800  }
0xac: {  	[sflag:s28] =	ssyncset.done $0x0  }
0xad: {  	s9 =	sadd.s32 $0x27C0, s12;
	[sflag:s28] =	ssyncadd.s32 $0xFFFFE800  }
0xae: {  	[spmem:s2] =	stream.indirect.scatter.add.f32 [tilespmem:s23], [sflag:$0x3], $0x80, s9, s22, $0xb8;
	[tilespmem:$0x1E780] =	vst v63  }
0xaf: {  	_ =	swait.ge [sflag:s0], $0x1800  }
0xb0: {  	[sflag:s0] =	ssyncset.done $0x0  }
.Ltmp2:
0xb1: {  	s9 =	sadd.s32 $0x150, s12;
	[sflag:s0] =	ssyncadd.s32 $0xFFFFE800;
	(pc) =	sbr.rel @p4 .LBB2_2-.Ltmp2, $4  }
0xb2: {  	[tilespmem:s30], [sflag:$0x2] =	stream.indirect.gather [hbm4b:s4+s22], $0x80, s9, s22, $0xb8;
	[tilespmem:$0x1E780] =	vst v63  }
0xb3: {  	_ =	swait.ge [sflag:s28], $0x1800  }
0xb4: {  	[sflag:s28] =	ssyncset.done $0x0  }
0xb5: {  	s12 =	sadd.s32 $0x27F0, s12;
	[sflag:s28] =	ssyncadd.s32 $0xFFFFE800  }
0xb6: {  	[spmem:s2] =	stream.indirect.scatter.add.f32 [tilespmem:s24], [sflag:$0x3], $0x80, s12, s22, $0xb8;
	[tilespmem:$0x1E780] =	vst v63  }
0xb7: {  	_ =	swait.ge [sflag:s0], $0x1800  }
0xb8: {  	[sflag:s0] =	ssyncset.done $0x0  }
0xb9: {  	[sflag:s0] =	ssyncadd.s32 $0xFFFFE800  }
0xba: {  	_ =	swait.ge [sflag:s28], $0x1800  }
0xbb: {  	[sflag:s28] =	ssyncset.done $0x0  }
0xbc: {  	s9 =	simm.s32 $0x4DA0;
	[sflag:s28] =	ssyncadd.s32 $0xFFFFE800  }
0xbd: {  	[spmem:s2] =	stream.indirect.scatter.add.f32 [tilespmem:s26], [sflag:$0x3], $0x80, s9, s22, $0xb8;
	[tilespmem:$0x1E780] =	vst v63  }
0xbe: {  	_ =	swait.ge [sflag:s0], $0x1800  }
0xbf: {  	[sflag:s0] =	ssyncset.done $0x0  }
0xc0: {  	[sflag:s0] =	ssyncadd.s32 $0xFFFFE800  }
0xc1: {  	_ =	swait.ge [sflag:s28], $0x1800  }
0xc2: {  	[sflag:s28] =	ssyncset.done $0x0  }
0xc3: {  	s25 =	simm.s32 $0x4DD0;
	[sflag:s28] =	ssyncadd.s32 $0xFFFFE800  }
0xc4: {  	[spmem:s2] =	stream.indirect.scatter.add.f32 [tilespmem:s30], [sflag:$0x3], $0x80, s25, s22, $0xb8;
	[tilespmem:$0x1E780] =	vst v63  }
0xc5: {  	_ =	swait.ge [sflag:s0], $0x1800  }
.Ltmp3:
0xc6: {  	[sflag:s0] =	ssyncset.done $0x0;
	(pc) =	sbr.rel @!p2 .LBB2_4-.Ltmp3, $4  }
0xc7: {  	[sflag:s0] =	ssyncadd.s32 $0xFFFFE800  }
0xc8: {  	_ =	swait.ge [sflag:s0], $0x1800  }
0xc9: {  	[sflag:s0] =	ssyncset.done $0x0  }
0xca: {  	[sflag:s0] =	ssyncadd.s32 $0xFFFFE800  }
.Ltmp4:
0xcb: {  	(pc) =	sbr.rel @p3 .LBB2_7-.Ltmp4, $4  }
.Ltmp5:
0xcc: {  	(pc) =	sbr.rel @!p3 .LBB2_6-.Ltmp5, $4  }
0xcd: {  	_ = 	snop  }
0xce: {  	[bflag:$0x0] =	sbarrier.arrive $0xFFFF  }
0xcf: {  	_ = 	snop  }
0xd0: {  	_ = 	snop  }
.LBB2_8:
0xd1: {  	_ =	sfence.sel $0x180000  }
0xd2: {  	[bflag:$0x0] =	sbarrier.arrive $0xFFFF  }
0xd3: {  	_ =	strace $0x9000004A  }
0xd4: {  	s0 =	stileid.u32;
	[bflag:$0x2] =	sbarrier.arrive $0xFFFF  }
0xd5: {  	p0 =	sne.s32 s0, $0x0;
	s0 =	rddreg [dreg:$0x4]  }
0xd6: {  	s0 =	sadd.s32 @!p0 $0x100000, s0  }
0xd7: {  	[sflag:s0] =	ssyncadd.tile.s32 @!p0 $0x1;
	_ =	shalt  }
.Lfunc_end2:
_tile_overlayer_lowered:
.L_overlay_start_2:
0xd8: {  	(tag) =	ssettag $0x2  }
0xd9: {  	s0 =	rddreg [dreg:$0x0];
	s2 =	stileid.u32  }
0xda: {  	s1 =	rddreg [dreg:$0x1];
	p0 =	sne.s32 s2, $0x0  }
0xdb: {  	s3 =	rddreg [dreg:$0x2];
	[bflag:$0x3] =	sbarrier.arrive $0xFFFF;
	s2 =	simm.s32 @!p0 $0x1C04  }
0xdc: {  	[timem:s3], [sflag:s2] =	dma.local @!p0 [hbm:s0], s1  }
0xdd: {  	s0 =	simm.s32 @!p0 $0x4  }
0xde: {  	_ =	swait.ge @!p0 [sflag:s0], s1  }
0xdf: {  	s1 =	ssub.s32 @!p0 $0x0, s1;
	[sflag:s0] =	ssyncset.done @!p0 $0x0  }
0xe0: {  	[sflag:s0] =	ssyncadd.s32 @!p0 s1  }
0xe1: {  	[bflag:$0x3] =	sbarrier.arrive $0xFFFF  }
0xe2: {  	_ =	shalt  }

</sc_bundles>
